<compile_context>
chip_gen: v7x
topology: tpu7x:2x2x1
jax: 0.10.2.dev20260603
libtpu: 0.0.44.dev20260713+nightly
codegen_flags: <defaults>
</compile_context>

<pallas_src>
import functools

import jax
import jax.numpy as jnp
from jax import lax
from jax.experimental import pallas as pl
from jax.experimental.pallas import tpu as pltpu
from jax.experimental.pallas import tpu_sc as plsc

BS, C, H, W = 16, 512, 64, 64
HW = H * W
CH = C // 2
KP = 64
GR = 8
NG = CH // GR


def _sc_masked_mean_body(value_hbm, lay_hbm, out_hbm,
                         vbuf_a, vbuf_b, mbuf, obuf, sem_a, sem_b):
    core = lax.axis_index("c")
    sub = lax.axis_index("s")
    b = sub
    lo = core * CH

    pltpu.sync_copy(lay_hbm.at[b], mbuf)

    def cnt_step(i, acc):
        return acc + mbuf[pl.ds(i * 16, 16)]

    cntv = lax.fori_loop(0, HW // 16, cnt_step, jnp.zeros(16, jnp.float32))
    cnt = cntv[0]
    for j in range(1, 16):
        cnt = cnt + cntv[j]
    cnt_b = jnp.zeros(16, jnp.float32) + cnt
    scale = jnp.where(cnt_b > 0.0,
                      jnp.ones(16, jnp.float32) / jnp.maximum(cnt_b, 1.0),
                      jnp.zeros(16, jnp.float32))

    lane = lax.iota(jnp.int32, 16)

    def src_slice(g):
        return value_hbm.at[b, pl.ds(lo + g * GR, GR), :]

    def row_sums(vbuf):
        def inner(i, accs):
            m = mbuf[pl.ds(i * 16, 16)]
            return tuple(accs[j] + vbuf[j, pl.ds(i * 16, 16)] * m
                         for j in range(GR))

        accs = lax.fori_loop(0, HW // 16, inner,
                             tuple(jnp.zeros(16, jnp.float32)
                                   for _ in range(GR)))
        sums = []
        for j in range(GR):
            a = accs[j]
            s = a[0]
            for i in range(1, 16):
                s = s + a[i]
            sums.append(s)
        return sums

    pltpu.async_copy(src_slice(0), vbuf_a, sem_a)
    pltpu.async_copy(src_slice(1), vbuf_b, sem_b)

    def pair(k, carry):
        ga = k * 2
        pltpu.make_async_copy(src_slice(ga), vbuf_a, sem_a).wait()
        sums_a = row_sums(vbuf_a)

        @pl.when(k < NG // 2 - 1)
        def _():
            pltpu.async_copy(src_slice(ga + 2), vbuf_a, sem_a)

        pltpu.make_async_copy(src_slice(ga + 1), vbuf_b, sem_b).wait()
        sums_b = row_sums(vbuf_b)

        @pl.when(k < NG // 2 - 1)
        def _():
            pltpu.async_copy(src_slice(ga + 3), vbuf_b, sem_b)

        tsum = jnp.zeros(16, jnp.float32)
        for j, s in enumerate(sums_a + sums_b):
            tsum = jnp.where(lane == j, jnp.zeros(16, jnp.float32) + s, tsum)
        obuf[pl.ds(k * 16, 16)] = tsum * scale
        return carry

    lax.fori_loop(0, NG // 2, pair, 0)
    pltpu.sync_copy(obuf, out_hbm.at[b, pl.ds(lo, CH)])


def _sc_masked_mean(value_r, lay):
    mesh = plsc.VectorSubcoreMesh(core_axis_name="c", subcore_axis_name="s")
    run = functools.partial(
        pl.kernel,
        mesh=mesh,
        out_type=jax.ShapeDtypeStruct((BS, C), jnp.float32),
        scratch_types=[
            pltpu.VMEM((GR, HW), jnp.float32),
            pltpu.VMEM((GR, HW), jnp.float32),
            pltpu.VMEM((HW,), jnp.float32),
            pltpu.VMEM((CH,), jnp.float32),
            pltpu.SemaphoreType.DMA,
            pltpu.SemaphoreType.DMA,
        ],
    )(_sc_masked_mean_body)
    return run(value_r.reshape(BS, C, HW), lay.reshape(BS, HW))


def _fused_body(query_ref, wq_ref, saw_ref, w2_ref, bias_ref, wl_ref, bl_ref,
                key0_ref, key1_ref, layouts_ref, km_ref, cum_ref,
                logit_ref, sawo_ref, cumo_ref, p_scr):
    pos = jax.lax.broadcasted_iota(jnp.int32, (1, HW), 1)
    hh = pos // W
    ww = pos % W
    mh = {d: ((hh + d >= 0) & (hh + d < H)).astype(jnp.float32)
          for d in range(-2, 3)}
    mw = {d: ((ww + d >= 0) & (ww + d < W)).astype(jnp.float32)
          for d in range(-2, 3)}
    k = 0
    for src_ref in (saw_ref, cum_ref):
        src = src_ref[0]
        for dy in range(-2, 3):
            for dx in range(-2, 3):
                s = dy * W + dx
                rolled = src if s == 0 else jnp.roll(src, -s, axis=1)
                p_scr[k:k + 1, :] = rolled * mh[dy] * mw[dx]
                k += 1
    p_scr[50:KP, :] = jnp.zeros((KP - 50, HW), jnp.float32)

    def half(key_ref, lo):
        sl = slice(lo, lo + CH)
        qv = jax.lax.dot_general(wq_ref[sl, :], query_ref[0],
                                 (((1,), (1,)), ((), ())),
                                 preferred_element_type=jnp.float32)
        conv = jax.lax.dot_general(w2_ref[sl, :], p_scr[...],
                                   (((1,), (0,)), ((), ())),
                                   preferred_element_type=jnp.float32)
        fusion = key_ref[0] + conv + qv + bias_ref[sl, :]
        t = jnp.tanh(fusion)
        return jax.lax.dot_general(wl_ref[:, sl], t, (((1,), (0,)), ((), ())),
                                   preferred_element_type=jnp.float32)

    logit = half(key0_ref, 0) + half(key1_ref, CH) + bl_ref[0, 0]
    logit_ref[0] = logit

    l = logit - (1.0 - km_ref[0]) * 100000000.0
    m = jnp.max(l, axis=1, keepdims=True)
    e = jnp.exp(l - m)
    sawo_ref[0] = e / jnp.sum(e, axis=1, keepdims=True)

    cumo_ref[0] = jnp.minimum(layouts_ref[0] + cum_ref[0], 1.0)


def kernel(key, key_mask, query, spatial_att_weight, cum_spatial_att_weight,
           value, state, layouts, Wq, bq, Ww, bw, Wc, bc, Wl, bl):
    key_r = key.reshape(BS, C, HW)
    km = key_mask.reshape(BS, 1, HW)
    saw = spatial_att_weight.reshape(BS, 1, HW)
    cum = cum_spatial_att_weight.reshape(BS, 1, HW)
    lay = layouts.reshape(BS, 1, HW)
    query_r = query.reshape(BS, 1, C)

    W2 = jnp.concatenate([Ww.reshape(C, 25), Wc.reshape(C, 25),
                          jnp.zeros((C, KP - 50), jnp.float32)], axis=1)
    bias = (bq + bw + bc).reshape(C, 1)
    Wl2 = Wl.reshape(1, C)

    grid = (BS,)
    out_shape = [
        jax.ShapeDtypeStruct((BS, 1, HW), jnp.float32),
        jax.ShapeDtypeStruct((BS, 1, HW), jnp.float32),
        jax.ShapeDtypeStruct((BS, 1, HW), jnp.float32),
    ]
    in_specs = [
        pl.BlockSpec((1, 1, C), lambda b: (b, 0, 0)),
        pl.BlockSpec((C, C), lambda b: (0, 0)),
        pl.BlockSpec((1, 1, HW), lambda b: (b, 0, 0)),
        pl.BlockSpec((C, KP), lambda b: (0, 0)),
        pl.BlockSpec((C, 1), lambda b: (0, 0)),
        pl.BlockSpec((1, C), lambda b: (0, 0)),
        pl.BlockSpec((1, 1), lambda b: (0, 0)),
        pl.BlockSpec((1, CH, HW), lambda b: (b, 0, 0)),
        pl.BlockSpec((1, CH, HW), lambda b: (b, 1, 0)),
        pl.BlockSpec((1, 1, HW), lambda b: (b, 0, 0)),
        pl.BlockSpec((1, 1, HW), lambda b: (b, 0, 0)),
        pl.BlockSpec((1, 1, HW), lambda b: (b, 0, 0)),
    ]
    out_specs = [
        pl.BlockSpec((1, 1, HW), lambda b: (b, 0, 0)),
        pl.BlockSpec((1, 1, HW), lambda b: (b, 0, 0)),
        pl.BlockSpec((1, 1, HW), lambda b: (b, 0, 0)),
    ]
    logit, sawo, cumo = pl.pallas_call(
        _fused_body,
        grid=grid,
        in_specs=in_specs,
        out_specs=out_specs,
        out_shape=out_shape,
        scratch_shapes=[pltpu.VMEM((KP, HW), jnp.float32)],
        compiler_params=pltpu.CompilerParams(
            dimension_semantics=("parallel",)),
    )(query_r, Wq, saw, W2, bias, Wl2, bl.reshape(1, 1),
      key_r, key_r, lay, km, cum)

    outputs = _sc_masked_mean(value, layouts)

    return (state,
            outputs,
            logit.reshape(BS, 1, H, W),
            sawo.reshape(BS, 1, H, W),
            cumo.reshape(BS, 1, H, W))

# --- scband reference (transcript-rebuilt; emitter-appended) ---
"""Pipeline reference for scband-image-attention-11768210391135 (READ-ONLY COPY).

The authoritative reference and input builder live on the scoring server;
editing this copy changes nothing except your own understanding.
"""

import jax, jax.numpy as jnp
import numpy as np

KEY_DIM = 512
QUERY_DIM = 512
KERNEL = 5
BS = 16
H = 64
W = 64


def setup_inputs(seed: int = 0) -> dict:
    key = jax.random.key(seed)
    ks = jax.random.split(key, 16)
    inp = {}
    inp['key'] = jax.random.normal(ks[0], (BS, KEY_DIM, H, W), dtype=jnp.float32)
    inp['key_mask'] = jnp.ones((BS, 1, H, W), dtype=jnp.float32)
    inp['query'] = jax.random.normal(ks[1], (BS, QUERY_DIM), dtype=jnp.float32)
    inp['spatial_att_weight'] = jax.random.uniform(ks[2], (BS, 1, H, W), dtype=jnp.float32)
    inp['cum_spatial_att_weight'] = jax.random.uniform(ks[3], (BS, 1, H, W), dtype=jnp.float32)
    inp['value'] = jax.random.normal(ks[4], (BS, KEY_DIM, H, W), dtype=jnp.float32)
    inp['state'] = jax.random.normal(ks[5], (BS, KEY_DIM), dtype=jnp.float32)
    inp['layouts'] = jax.random.randint(ks[6], (BS, H, W), 0, 2).astype(jnp.float32)
    s = 1.0 / np.sqrt(QUERY_DIM)
    inp['Wq'] = jax.random.uniform(ks[7], (KEY_DIM, QUERY_DIM), minval=-s, maxval=s, dtype=jnp.float32)
    inp['bq'] = jax.random.uniform(ks[8], (KEY_DIM,), minval=-s, maxval=s, dtype=jnp.float32)
    sc = 1.0 / np.sqrt(1 * KERNEL * KERNEL)
    inp['Ww'] = jax.random.uniform(ks[9], (KEY_DIM, 1, KERNEL, KERNEL), minval=-sc, maxval=sc, dtype=jnp.float32)
    inp['bw'] = jax.random.uniform(ks[10], (KEY_DIM,), minval=-sc, maxval=sc, dtype=jnp.float32)
    inp['Wc'] = jax.random.uniform(ks[11], (KEY_DIM, 1, KERNEL, KERNEL), minval=-sc, maxval=sc, dtype=jnp.float32)
    inp['bc'] = jax.random.uniform(ks[12], (KEY_DIM,), minval=-sc, maxval=sc, dtype=jnp.float32)
    sl = 1.0 / np.sqrt(KEY_DIM)
    inp['Wl'] = jax.random.uniform(ks[13], (1, KEY_DIM, 1, 1), minval=-sl, maxval=sl, dtype=jnp.float32)
    inp['bl'] = jax.random.uniform(ks[14], (1,), minval=-sl, maxval=sl, dtype=jnp.float32)
    return inp


def _conv(x, w, b):
    y = jax.lax.conv_general_dilated(x, w, (1, 1), 'SAME', dimension_numbers=('NCHW', 'OIHW', 'NCHW'))
    return y + b[None, :, None, None]


def reference(key, key_mask, query, spatial_att_weight, cum_spatial_att_weight, value, state, layouts, Wq, bq, Ww, bw, Wc, bc, Wl, bl):
    # query_transform (Linear)
    q = query @ Wq.T + bq
    # weight_transform / cum_weight_transform (Conv2d 1->key_dim, SAME padding)
    wq = _conv(spatial_att_weight, Ww, bw)
    cwq = _conv(cum_spatial_att_weight, Wc, bc)
    fusion = key + q[:, :, None, None] + wq + cwq
    # logit_transform (1x1 conv key_dim->1) on tanh(fusion)
    new_spatial_att_logit = _conv(jnp.tanh(fusion), Wl, bl)
    new_spatial_att_weight = new_spatial_att_logit - (1.0 - key_mask) * 100000000.0
    bs, _, h, w = new_spatial_att_weight.shape
    new_spatial_att_weight = new_spatial_att_weight.reshape(bs, h * w)
    new_spatial_att_weight = jax.nn.softmax(new_spatial_att_weight, axis=1).reshape(bs, 1, h, w)
    # Training branch: masked mean of value over layout==1 positions (zeros if empty)
    mask = (layouts == 1.0).astype(value.dtype)  # [bs, h, w]
    cnt = mask.sum(axis=(1, 2))  # [bs]
    summed = (value * mask[:, None, :, :]).sum(axis=(2, 3))  # [bs, C]
    outputs = jnp.where(cnt[:, None] > 0, summed / jnp.maximum(cnt, 1.0)[:, None], 0.0)
    new_cum_spatial_att_weight = jnp.minimum(layouts[:, None, :, :] + cum_spatial_att_weight, 1.0)
    return (state, outputs, new_spatial_att_logit, new_spatial_att_weight, new_cum_spatial_att_weight)

if __name__ == "__main__":
    import jax
    _d = setup_inputs()
    print(jax.jit(kernel)(*tuple(_d.values())))

</pallas_src>

<mosaic_0001>
#map = affine_map<(d0, d1) -> (0, 0, 0)>
#map1 = affine_map<(d0, d1) -> (0, 0)>
module attributes {stable_mosaic.version = 14 : i64} {
  func.func @_sc_masked_mean_body(%arg0: i32, %arg1: i32, %arg2: memref<16x512x4096xf32, #tpu.memory_space<hbm>>, %arg3: memref<16x4096xf32, #tpu.memory_space<hbm>>, %arg4: memref<16x512xf32, #tpu.memory_space<hbm>>, %arg5: memref<8x4096xf32, #tpu.memory_space<vmem>>, %arg6: memref<8x4096xf32, #tpu.memory_space<vmem>>, %arg7: memref<4096xf32, #tpu.memory_space<vmem>>, %arg8: memref<256xf32, #tpu.memory_space<vmem>>, %arg9: memref<!tpu.dma_semaphore, #tpu.memory_space<semaphore_mem>>, %arg10: memref<!tpu.dma_semaphore, #tpu.memory_space<semaphore_mem>>) attributes {dimension_semantics = [#tpu.dimension_semantics<core_parallel>, #tpu.dimension_semantics<subcore_parallel>], iteration_bounds = array<i64: 2, 16>, scalar_prefetch = 0 : i64, scratch_operands = 6 : i64, tpu.core_type = #tpu.core_type<sc_vector_subcore>, window_params = [{transform_indices = #map}, {transform_indices = #map1}, {transform_indices = #map1}]} {
    %mul3A = arith.constant 256 : i32
    %mul3A_0 = arith.muli %arg0, %mul3A : i32
    "tpu.region"() ({
      %run_scoped3A = tpu.sem_alloc : memref<!tpu.dma_semaphore, #tpu.memory_space<semaphore_mem>>
      %dma_start3A_84 = arith.constant 0 : i32
      %dma_start3A_85 = tpu.memref_slice %arg3[%arg1, %dma_start3A_84] : memref<16x4096xf32, #tpu.memory_space<hbm>> -> memref<1x4096xf32, #tpu.memory_space<hbm>>
      %dma_start3A_86 = tpu.memref_squeeze %dma_start3A_85 : memref<1x4096xf32, #tpu.memory_space<hbm>> -> memref<4096xf32, #tpu.memory_space<hbm>>
      %dma_start3A_87 = arith.constant 0 : i32
      %dma_start3A_88 = tpu.memref_slice %arg3[%arg1, %dma_start3A_87] : memref<16x4096xf32, #tpu.memory_space<hbm>> -> memref<1x4096xf32, #tpu.memory_space<hbm>>
      %dma_start3A_89 = tpu.memref_squeeze %dma_start3A_88 : memref<1x4096xf32, #tpu.memory_space<hbm>> -> memref<4096xf32, #tpu.memory_space<hbm>>
      tpu.enqueue_dma source(%dma_start3A_89 : memref<4096xf32, #tpu.memory_space<hbm>>) target(%arg7 : memref<4096xf32, #tpu.memory_space<vmem>>) target_semaphore(%run_scoped3A : memref<!tpu.dma_semaphore, #tpu.memory_space<semaphore_mem>>)
      %dma_wait3A = arith.constant 0 : i32
      %dma_wait3A_90 = tpu.memref_slice %arg3[%arg1, %dma_wait3A] : memref<16x4096xf32, #tpu.memory_space<hbm>> -> memref<1x4096xf32, #tpu.memory_space<hbm>>
      %dma_wait3A_91 = tpu.memref_squeeze %dma_wait3A_90 : memref<1x4096xf32, #tpu.memory_space<hbm>> -> memref<4096xf32, #tpu.memory_space<hbm>>
      %dma_wait3A_92 = arith.constant 0 : i32
      %dma_wait3A_93 = tpu.memref_slice %arg3[%arg1, %dma_wait3A_92] : memref<16x4096xf32, #tpu.memory_space<hbm>> -> memref<1x4096xf32, #tpu.memory_space<hbm>>
      %dma_wait3A_94 = tpu.memref_squeeze %dma_wait3A_93 : memref<1x4096xf32, #tpu.memory_space<hbm>> -> memref<4096xf32, #tpu.memory_space<hbm>>
      tpu.wait_dma2 semaphore(%run_scoped3A : memref<!tpu.dma_semaphore, #tpu.memory_space<semaphore_mem>>) src(%dma_wait3A_94 : memref<4096xf32, #tpu.memory_space<hbm>>) dst(%arg7 : memref<4096xf32, #tpu.memory_space<vmem>>)
      tpu.yield
    }) : () -> ()
    %broadcast_in_dim3A = arith.constant 0.000000e+00 : f32
    %broadcast_in_dim3A_1 = vector.broadcast %broadcast_in_dim3A : f32 to vector<16xf32>
    %scan3A = arith.constant 0 : i32
    %scan3A_2 = arith.constant 256 : i32
    %scan3A_3 = arith.addi %scan3A, %scan3A_2 : i32
    %scan3A_4 = arith.constant 1 : i32
    %scan3A_5 = scf.for %scan3A_84 = %scan3A to %scan3A_3 step %scan3A_4 iter_args(%scan3A_85 = %broadcast_in_dim3A_1) -> (vector<16xf32>)  : i32 {
      %mul3A_86 = arith.constant 16 : i32
      %mul3A_87 = arith.muli %scan3A_84, %mul3A_86 : i32
      %get3A = arith.index_cast %mul3A_87 : i32 to index
      %get3A_88 = tpu.vector_load %arg7[%get3A] {strides = array<i32>} : memref<4096xf32, #tpu.memory_space<vmem>>, vector<16xf32>,
      %get3A_89 = vector.shape_cast %get3A_88 : vector<16xf32> to vector<16xf32>
      %add3A_90 = arith.addf %scan3A_85, %get3A_89 : vector<16xf32>
      scf.yield %add3A_90 : vector<16xf32>
    }
    %scan3A_6 = arith.constant 256 : i32
    %slice3A = vector.extract_strided_slice %scan3A_5 {offsets = [0], sizes = [1], strides = [1]} : vector<16xf32> to vector<1xf32>
    %squeeze3A = vector.extract %slice3A[0] : f32 from vector<1xf32>
    %slice3A_7 = vector.extract_strided_slice %scan3A_5 {offsets = [1], sizes = [1], strides = [1]} : vector<16xf32> to vector<1xf32>
    %squeeze3A_8 = vector.extract %slice3A_7[0] : f32 from vector<1xf32>
    %add3A = arith.addf %squeeze3A, %squeeze3A_8 : f32
    %slice3A_9 = vector.extract_strided_slice %scan3A_5 {offsets = [2], sizes = [1], strides = [1]} : vector<16xf32> to vector<1xf32>
    %squeeze3A_10 = vector.extract %slice3A_9[0] : f32 from vector<1xf32>
    %add3A_11 = arith.addf %add3A, %squeeze3A_10 : f32
    %slice3A_12 = vector.extract_strided_slice %scan3A_5 {offsets = [3], sizes = [1], strides = [1]} : vector<16xf32> to vector<1xf32>
    %squeeze3A_13 = vector.extract %slice3A_12[0] : f32 from vector<1xf32>
    %add3A_14 = arith.addf %add3A_11, %squeeze3A_13 : f32
    %slice3A_15 = vector.extract_strided_slice %scan3A_5 {offsets = [4], sizes = [1], strides = [1]} : vector<16xf32> to vector<1xf32>
    %squeeze3A_16 = vector.extract %slice3A_15[0] : f32 from vector<1xf32>
    %add3A_17 = arith.addf %add3A_14, %squeeze3A_16 : f32
    %slice3A_18 = vector.extract_strided_slice %scan3A_5 {offsets = [5], sizes = [1], strides = [1]} : vector<16xf32> to vector<1xf32>
    %squeeze3A_19 = vector.extract %slice3A_18[0] : f32 from vector<1xf32>
    %add3A_20 = arith.addf %add3A_17, %squeeze3A_19 : f32
    %slice3A_21 = vector.extract_strided_slice %scan3A_5 {offsets = [6], sizes = [1], strides = [1]} : vector<16xf32> to vector<1xf32>
    %squeeze3A_22 = vector.extract %slice3A_21[0] : f32 from vector<1xf32>
    %add3A_23 = arith.addf %add3A_20, %squeeze3A_22 : f32
    %slice3A_24 = vector.extract_strided_slice %scan3A_5 {offsets = [7], sizes = [1], strides = [1]} : vector<16xf32> to vector<1xf32>
    %squeeze3A_25 = vector.extract %slice3A_24[0] : f32 from vector<1xf32>
    %add3A_26 = arith.addf %add3A_23, %squeeze3A_25 : f32
    %slice3A_27 = vector.extract_strided_slice %scan3A_5 {offsets = [8], sizes = [1], strides = [1]} : vector<16xf32> to vector<1xf32>
    %squeeze3A_28 = vector.extract %slice3A_27[0] : f32 from vector<1xf32>
    %add3A_29 = arith.addf %add3A_26, %squeeze3A_28 : f32
    %slice3A_30 = vector.extract_strided_slice %scan3A_5 {offsets = [9], sizes = [1], strides = [1]} : vector<16xf32> to vector<1xf32>
    %squeeze3A_31 = vector.extract %slice3A_30[0] : f32 from vector<1xf32>
    %add3A_32 = arith.addf %add3A_29, %squeeze3A_31 : f32
    %slice3A_33 = vector.extract_strided_slice %scan3A_5 {offsets = [10], sizes = [1], strides = [1]} : vector<16xf32> to vector<1xf32>
    %squeeze3A_34 = vector.extract %slice3A_33[0] : f32 from vector<1xf32>
    %add3A_35 = arith.addf %add3A_32, %squeeze3A_34 : f32
    %slice3A_36 = vector.extract_strided_slice %scan3A_5 {offsets = [11], sizes = [1], strides = [1]} : vector<16xf32> to vector<1xf32>
    %squeeze3A_37 = vector.extract %slice3A_36[0] : f32 from vector<1xf32>
    %add3A_38 = arith.addf %add3A_35, %squeeze3A_37 : f32
    %slice3A_39 = vector.extract_strided_slice %scan3A_5 {offsets = [12], sizes = [1], strides = [1]} : vector<16xf32> to vector<1xf32>
    %squeeze3A_40 = vector.extract %slice3A_39[0] : f32 from vector<1xf32>
    %add3A_41 = arith.addf %add3A_38, %squeeze3A_40 : f32
    %slice3A_42 = vector.extract_strided_slice %scan3A_5 {offsets = [13], sizes = [1], strides = [1]} : vector<16xf32> to vector<1xf32>
    %squeeze3A_43 = vector.extract %slice3A_42[0] : f32 from vector<1xf32>
    %add3A_44 = arith.addf %add3A_41, %squeeze3A_43 : f32
    %slice3A_45 = vector.extract_strided_slice %scan3A_5 {offsets = [14], sizes = [1], strides = [1]} : vector<16xf32> to vector<1xf32>
    %squeeze3A_46 = vector.extract %slice3A_45[0] : f32 from vector<1xf32>
    %add3A_47 = arith.addf %add3A_44, %squeeze3A_46 : f32
    %slice3A_48 = vector.extract_strided_slice %scan3A_5 {offsets = [15], sizes = [1], strides = [1]} : vector<16xf32> to vector<1xf32>
    %squeeze3A_49 = vector.extract %slice3A_48[0] : f32 from vector<1xf32>
    %add3A_50 = arith.addf %add3A_47, %squeeze3A_49 : f32
    %broadcast_in_dim3A_51 = arith.constant 0.000000e+00 : f32
    %broadcast_in_dim3A_52 = vector.broadcast %broadcast_in_dim3A_51 : f32 to vector<16xf32>
    %add3A_53 = vector.broadcast %add3A_50 : f32 to vector<16xf32>
    %add3A_54 = arith.addf %broadcast_in_dim3A_52, %add3A_53 : vector<16xf32>
    %gt3A = arith.constant 0.000000e+00 : f32
    %gt3A_55 = vector.broadcast %gt3A : f32 to vector<16xf32>
    %gt3A_56 = arith.cmpf ogt, %add3A_54, %gt3A_55 : vector<16xf32>
    %broadcast_in_dim3A_57 = arith.constant 1.000000e+00 : f32
    %broadcast_in_dim3A_58 = vector.broadcast %broadcast_in_dim3A_57 : f32 to vector<16xf32>
    %max3A = arith.constant 1.000000e+00 : f32
    %max3A_59 = vector.broadcast %max3A : f32 to vector<16xf32>
    %max3A_60 = arith.maximumf %add3A_54, %max3A_59 : vector<16xf32>
    %div3A = arith.divf %broadcast_in_dim3A_58, %max3A_60 : vector<16xf32>
    %broadcast_in_dim3A_61 = arith.constant 0.000000e+00 : f32
    %broadcast_in_dim3A_62 = vector.broadcast %broadcast_in_dim3A_61 : f32 to vector<16xf32>
    %select_n3A = arith.select %gt3A_56, %div3A, %broadcast_in_dim3A_62 : vector<16xi1>, vector<16xf32>
    %iota3A = tpu.iota {dimensions = array<i32: 0>} : vector<16xi32>
    %add3A_63 = arith.constant 0 : i32
    %add3A_64 = arith.addi %mul3A_0, %add3A_63 : i32
    %dma_start3A = arith.constant 0 : i32
    %dma_start3A_65 = tpu.memref_slice %arg2[%arg1, %add3A_64, %dma_start3A] : memref<16x512x4096xf32, #tpu.memory_space<hbm>> -> memref<1x8x4096xf32, #tpu.memory_space<hbm>>
    %dma_start3A_66 = tpu.memref_squeeze %dma_start3A_65 : memref<1x8x4096xf32, #tpu.memory_space<hbm>> -> memref<8x4096xf32, #tpu.memory_space<hbm>>
    %dma_start3A_67 = arith.constant 0 : i32
    %dma_start3A_68 = tpu.memref_slice %arg2[%arg1, %add3A_64, %dma_start3A_67] : memref<16x512x4096xf32, #tpu.memory_space<hbm>> -> memref<1x8x4096xf32, #tpu.memory_space<hbm>>
    %dma_start3A_69 = tpu.memref_squeeze %dma_start3A_68 : memref<1x8x4096xf32, #tpu.memory_space<hbm>> -> memref<8x4096xf32, #tpu.memory_space<hbm>>
    tpu.enqueue_dma source(%dma_start3A_69 : memref<8x4096xf32, #tpu.memory_space<hbm>>) target(%arg5 : memref<8x4096xf32, #tpu.memory_space<vmem>>) target_semaphore(%arg9 : memref<!tpu.dma_semaphore, #tpu.memory_space<semaphore_mem>>)
    %add3A_70 = arith.constant 8 : i32
    %add3A_71 = arith.addi %mul3A_0, %add3A_70 : i32
    %dma_start3A_72 = arith.constant 0 : i32
    %dma_start3A_73 = tpu.memref_slice %arg2[%arg1, %add3A_71, %dma_start3A_72] : memref<16x512x4096xf32, #tpu.memory_space<hbm>> -> memref<1x8x4096xf32, #tpu.memory_space<hbm>>
    %dma_start3A_74 = tpu.memref_squeeze %dma_start3A_73 : memref<1x8x4096xf32, #tpu.memory_space<hbm>> -> memref<8x4096xf32, #tpu.memory_space<hbm>>
    %dma_start3A_75 = arith.constant 0 : i32
    %dma_start3A_76 = tpu.memref_slice %arg2[%arg1, %add3A_71, %dma_start3A_75] : memref<16x512x4096xf32, #tpu.memory_space<hbm>> -> memref<1x8x4096xf32, #tpu.memory_space<hbm>>
    %dma_start3A_77 = tpu.memref_squeeze %dma_start3A_76 : memref<1x8x4096xf32, #tpu.memory_space<hbm>> -> memref<8x4096xf32, #tpu.memory_space<hbm>>
    tpu.enqueue_dma source(%dma_start3A_77 : memref<8x4096xf32, #tpu.memory_space<hbm>>) target(%arg6 : memref<8x4096xf32, #tpu.memory_space<vmem>>) target_semaphore(%arg10 : memref<!tpu.dma_semaphore, #tpu.memory_space<semaphore_mem>>)
    %scan3A_78 = arith.constant 0 : i32
    %scan3A_79 = arith.constant 0 : i32
    %scan3A_80 = arith.constant 16 : i32
    %scan3A_81 = arith.addi %scan3A_79, %scan3A_80 : i32
    %scan3A_82 = arith.constant 1 : i32
    scf.for %scan3A_84 = %scan3A_79 to %scan3A_81 step %scan3A_82  : i32 {
      %mul3A_85 = arith.constant 2 : i32
      %mul3A_86 = arith.muli %scan3A_84, %mul3A_85 : i32
      %mul3A_87 = arith.constant 8 : i32
      %mul3A_88 = arith.muli %mul3A_86, %mul3A_87 : i32
      %add3A_89 = arith.addi %mul3A_0, %mul3A_88 : i32
      %dma_wait3A = arith.constant 0 : i32
      %dma_wait3A_90 = tpu.memref_slice %arg2[%arg1, %add3A_89, %dma_wait3A] : memref<16x512x4096xf32, #tpu.memory_space<hbm>> -> memref<1x8x4096xf32, #tpu.memory_space<hbm>>
      %dma_wait3A_91 = tpu.memref_squeeze %dma_wait3A_90 : memref<1x8x4096xf32, #tpu.memory_space<hbm>> -> memref<8x4096xf32, #tpu.memory_space<hbm>>
      %dma_wait3A_92 = arith.constant 0 : i32
      %dma_wait3A_93 = tpu.memref_slice %arg2[%arg1, %add3A_89, %dma_wait3A_92] : memref<16x512x4096xf32, #tpu.memory_space<hbm>> -> memref<1x8x4096xf32, #tpu.memory_space<hbm>>
      %dma_wait3A_94 = tpu.memref_squeeze %dma_wait3A_93 : memref<1x8x4096xf32, #tpu.memory_space<hbm>> -> memref<8x4096xf32, #tpu.memory_space<hbm>>
      tpu.wait_dma2 semaphore(%arg9 : memref<!tpu.dma_semaphore, #tpu.memory_space<semaphore_mem>>) src(%dma_wait3A_94 : memref<8x4096xf32, #tpu.memory_space<hbm>>) dst(%arg5 : memref<8x4096xf32, #tpu.memory_space<vmem>>)
      %broadcast_in_dim3A_95 = arith.constant 0.000000e+00 : f32
      %broadcast_in_dim3A_96 = vector.broadcast %broadcast_in_dim3A_95 : f32 to vector<16xf32>
      %broadcast_in_dim3A_97 = arith.constant 0.000000e+00 : f32
      %broadcast_in_dim3A_98 = vector.broadcast %broadcast_in_dim3A_97 : f32 to vector<16xf32>
      %broadcast_in_dim3A_99 = arith.constant 0.000000e+00 : f32
      %broadcast_in_dim3A_100 = vector.broadcast %broadcast_in_dim3A_99 : f32 to vector<16xf32>
      %broadcast_in_dim3A_101 = arith.constant 0.000000e+00 : f32
      %broadcast_in_dim3A_102 = vector.broadcast %broadcast_in_dim3A_101 : f32 to vector<16xf32>
      %broadcast_in_dim3A_103 = arith.constant 0.000000e+00 : f32
      %broadcast_in_dim3A_104 = vector.broadcast %broadcast_in_dim3A_103 : f32 to vector<16xf32>
      %broadcast_in_dim3A_105 = arith.constant 0.000000e+00 : f32
      %broadcast_in_dim3A_106 = vector.broadcast %broadcast_in_dim3A_105 : f32 to vector<16xf32>
      %broadcast_in_dim3A_107 = arith.constant 0.000000e+00 : f32
      %broadcast_in_dim3A_108 = vector.broadcast %broadcast_in_dim3A_107 : f32 to vector<16xf32>
      %broadcast_in_dim3A_109 = arith.constant 0.000000e+00 : f32
      %broadcast_in_dim3A_110 = vector.broadcast %broadcast_in_dim3A_109 : f32 to vector<16xf32>
      %scan3A_111 = arith.constant 0 : i32
      %scan3A_112 = arith.constant 256 : i32
      %scan3A_113 = arith.addi %scan3A_111, %scan3A_112 : i32
      %scan3A_114 = arith.constant 1 : i32
      %scan3A_115:8 = scf.for %scan3A_1044 = %scan3A_111 to %scan3A_113 step %scan3A_114 iter_args(%scan3A_1045 = %broadcast_in_dim3A_96, %scan3A_1046 = %broadcast_in_dim3A_98, %scan3A_1047 = %broadcast_in_dim3A_100, %scan3A_1048 = %broadcast_in_dim3A_102, %scan3A_1049 = %broadcast_in_dim3A_104, %scan3A_1050 = %broadcast_in_dim3A_106, %scan3A_1051 = %broadcast_in_dim3A_108, %scan3A_1052 = %broadcast_in_dim3A_110) -> (vector<16xf32>, vector<16xf32>, vector<16xf32>, vector<16xf32>, vector<16xf32>, vector<16xf32>, vector<16xf32>, vector<16xf32>)  : i32 {
        %mul3A_1053 = arith.constant 16 : i32
        %mul3A_1054 = arith.muli %scan3A_1044, %mul3A_1053 : i32
        %get3A = arith.index_cast %mul3A_1054 : i32 to index
        %get3A_1055 = tpu.vector_load %arg7[%get3A] {strides = array<i32>} : memref<4096xf32, #tpu.memory_space<vmem>>, vector<16xf32>,
        %get3A_1056 = vector.shape_cast %get3A_1055 : vector<16xf32> to vector<16xf32>
        %mul3A_1057 = arith.constant 16 : i32
        %mul3A_1058 = arith.muli %scan3A_1044, %mul3A_1057 : i32
        %get3A_1059 = arith.constant 0 : i32
        %get3A_1060 = arith.index_cast %get3A_1059 : i32 to index
        %get3A_1061 = arith.index_cast %mul3A_1058 : i32 to index
        %get3A_1062 = tpu.vector_load %arg5[%get3A_1060, %get3A_1061] {strides = array<i32>} : memref<8x4096xf32, #tpu.memory_space<vmem>>, vector<1x16xf32>,
        %get3A_1063 = vector.shape_cast %get3A_1062 : vector<1x16xf32> to vector<16xf32>
        %mul3A_1064 = arith.mulf %get3A_1063, %get3A_1056 : vector<16xf32>
        %add3A_1065 = arith.addf %scan3A_1045, %mul3A_1064 : vector<16xf32>
        %mul3A_1066 = arith.constant 16 : i32
        %mul3A_1067 = arith.muli %scan3A_1044, %mul3A_1066 : i32
        %get3A_1068 = arith.constant 1 : i32
        %get3A_1069 = arith.index_cast %get3A_1068 : i32 to index
        %get3A_1070 = arith.index_cast %mul3A_1067 : i32 to index
        %get3A_1071 = tpu.vector_load %arg5[%get3A_1069, %get3A_1070] {strides = array<i32>} : memref<8x4096xf32, #tpu.memory_space<vmem>>, vector<1x16xf32>,
        %get3A_1072 = vector.shape_cast %get3A_1071 : vector<1x16xf32> to vector<16xf32>
        %mul3A_1073 = arith.mulf %get3A_1072, %get3A_1056 : vector<16xf32>
        %add3A_1074 = arith.addf %scan3A_1046, %mul3A_1073 : vector<16xf32>
        %mul3A_1075 = arith.constant 16 : i32
        %mul3A_1076 = arith.muli %scan3A_1044, %mul3A_1075 : i32
        %get3A_1077 = arith.constant 2 : i32
        %get3A_1078 = arith.index_cast %get3A_1077 : i32 to index
        %get3A_1079 = arith.index_cast %mul3A_1076 : i32 to index
        %get3A_1080 = tpu.vector_load %arg5[%get3A_1078, %get3A_1079] {strides = array<i32>} : memref<8x4096xf32, #tpu.memory_space<vmem>>, vector<1x16xf32>,
        %get3A_1081 = vector.shape_cast %get3A_1080 : vector<1x16xf32> to vector<16xf32>
        %mul3A_1082 = arith.mulf %get3A_1081, %get3A_1056 : vector<16xf32>
        %add3A_1083 = arith.addf %scan3A_1047, %mul3A_1082 : vector<16xf32>
        %mul3A_1084 = arith.constant 16 : i32
        %mul3A_1085 = arith.muli %scan3A_1044, %mul3A_1084 : i32
        %get3A_1086 = arith.constant 3 : i32
        %get3A_1087 = arith.index_cast %get3A_1086 : i32 to index
        %get3A_1088 = arith.index_cast %mul3A_1085 : i32 to index
        %get3A_1089 = tpu.vector_load %arg5[%get3A_1087, %get3A_1088] {strides = array<i32>} : memref<8x4096xf32, #tpu.memory_space<vmem>>, vector<1x16xf32>,
        %get3A_1090 = vector.shape_cast %get3A_1089 : vector<1x16xf32> to vector<16xf32>
        %mul3A_1091 = arith.mulf %get3A_1090, %get3A_1056 : vector<16xf32>
        %add3A_1092 = arith.addf %scan3A_1048, %mul3A_1091 : vector<16xf32>
        %mul3A_1093 = arith.constant 16 : i32
        %mul3A_1094 = arith.muli %scan3A_1044, %mul3A_1093 : i32
        %get3A_1095 = arith.constant 4 : i32
        %get3A_1096 = arith.index_cast %get3A_1095 : i32 to index
        %get3A_1097 = arith.index_cast %mul3A_1094 : i32 to index
        %get3A_1098 = tpu.vector_load %arg5[%get3A_1096, %get3A_1097] {strides = array<i32>} : memref<8x4096xf32, #tpu.memory_space<vmem>>, vector<1x16xf32>,
        %get3A_1099 = vector.shape_cast %get3A_1098 : vector<1x16xf32> to vector<16xf32>
        %mul3A_1100 = arith.mulf %get3A_1099, %get3A_1056 : vector<16xf32>
        %add3A_1101 = arith.addf %scan3A_1049, %mul3A_1100 : vector<16xf32>
        %mul3A_1102 = arith.constant 16 : i32
        %mul3A_1103 = arith.muli %scan3A_1044, %mul3A_1102 : i32
        %get3A_1104 = arith.constant 5 : i32
        %get3A_1105 = arith.index_cast %get3A_1104 : i32 to index
        %get3A_1106 = arith.index_cast %mul3A_1103 : i32 to index
        %get3A_1107 = tpu.vector_load %arg5[%get3A_1105, %get3A_1106] {strides = array<i32>} : memref<8x4096xf32, #tpu.memory_space<vmem>>, vector<1x16xf32>,
        %get3A_1108 = vector.shape_cast %get3A_1107 : vector<1x16xf32> to vector<16xf32>
        %mul3A_1109 = arith.mulf %get3A_1108, %get3A_1056 : vector<16xf32>
        %add3A_1110 = arith.addf %scan3A_1050, %mul3A_1109 : vector<16xf32>
        %mul3A_1111 = arith.constant 16 : i32
        %mul3A_1112 = arith.muli %scan3A_1044, %mul3A_1111 : i32
        %get3A_1113 = arith.constant 6 : i32
        %get3A_1114 = arith.index_cast %get3A_1113 : i32 to index
        %get3A_1115 = arith.index_cast %mul3A_1112 : i32 to index
        %get3A_1116 = tpu.vector_load %arg5[%get3A_1114, %get3A_1115] {strides = array<i32>} : memref<8x4096xf32, #tpu.memory_space<vmem>>, vector<1x16xf32>,
        %get3A_1117 = vector.shape_cast %get3A_1116 : vector<1x16xf32> to vector<16xf32>
        %mul3A_1118 = arith.mulf %get3A_1117, %get3A_1056 : vector<16xf32>
        %add3A_1119 = arith.addf %scan3A_1051, %mul3A_1118 : vector<16xf32>
        %mul3A_1120 = arith.constant 16 : i32
        %mul3A_1121 = arith.muli %scan3A_1044, %mul3A_1120 : i32
        %get3A_1122 = arith.constant 7 : i32
        %get3A_1123 = arith.index_cast %get3A_1122 : i32 to index
        %get3A_1124 = arith.index_cast %mul3A_1121 : i32 to index
        %get3A_1125 = tpu.vector_load %arg5[%get3A_1123, %get3A_1124] {strides = array<i32>} : memref<8x4096xf32, #tpu.memory_space<vmem>>, vector<1x16xf32>,
        %get3A_1126 = vector.shape_cast %get3A_1125 : vector<1x16xf32> to vector<16xf32>
        %mul3A_1127 = arith.mulf %get3A_1126, %get3A_1056 : vector<16xf32>
        %add3A_1128 = arith.addf %scan3A_1052, %mul3A_1127 : vector<16xf32>
        scf.yield %add3A_1065, %add3A_1074, %add3A_1083, %add3A_1092, %add3A_1101, %add3A_1110, %add3A_1119, %add3A_1128 : vector<16xf32>, vector<16xf32>, vector<16xf32>, vector<16xf32>, vector<16xf32>, vector<16xf32>, vector<16xf32>, vector<16xf32>
      }
      %scan3A_116 = arith.constant 256 : i32
      %slice3A_117 = vector.extract_strided_slice %scan3A_115#0 {offsets = [0], sizes = [1], strides = [1]} : vector<16xf32> to vector<1xf32>
      %squeeze3A_118 = vector.extract %slice3A_117[0] : f32 from vector<1xf32>
      %slice3A_119 = vector.extract_strided_slice %scan3A_115#0 {offsets = [1], sizes = [1], strides = [1]} : vector<16xf32> to vector<1xf32>
      %squeeze3A_120 = vector.extract %slice3A_119[0] : f32 from vector<1xf32>
      %add3A_121 = arith.addf %squeeze3A_118, %squeeze3A_120 : f32
      %slice3A_122 = vector.extract_strided_slice %scan3A_115#0 {offsets = [2], sizes = [1], strides = [1]} : vector<16xf32> to vector<1xf32>
      %squeeze3A_123 = vector.extract %slice3A_122[0] : f32 from vector<1xf32>
      %add3A_124 = arith.addf %add3A_121, %squeeze3A_123 : f32
      %slice3A_125 = vector.extract_strided_slice %scan3A_115#0 {offsets = [3], sizes = [1], strides = [1]} : vector<16xf32> to vector<1xf32>
      %squeeze3A_126 = vector.extract %slice3A_125[0] : f32 from vector<1xf32>
      %add3A_127 = arith.addf %add3A_124, %squeeze3A_126 : f32
      %slice3A_128 = vector.extract_strided_slice %scan3A_115#0 {offsets = [4], sizes = [1], strides = [1]} : vector<16xf32> to vector<1xf32>
      %squeeze3A_129 = vector.extract %slice3A_128[0] : f32 from vector<1xf32>
      %add3A_130 = arith.addf %add3A_127, %squeeze3A_129 : f32
      %slice3A_131 = vector.extract_strided_slice %scan3A_115#0 {offsets = [5], sizes = [1], strides = [1]} : vector<16xf32> to vector<1xf32>
      %squeeze3A_132 = vector.extract %slice3A_131[0] : f32 from vector<1xf32>
      %add3A_133 = arith.addf %add3A_130, %squeeze3A_132 : f32
      %slice3A_134 = vector.extract_strided_slice %scan3A_115#0 {offsets = [6], sizes = [1], strides = [1]} : vector<16xf32> to vector<1xf32>
      %squeeze3A_135 = vector.extract %slice3A_134[0] : f32 from vector<1xf32>
      %add3A_136 = arith.addf %add3A_133, %squeeze3A_135 : f32
      %slice3A_137 = vector.extract_strided_slice %scan3A_115#0 {offsets = [7], sizes = [1], strides = [1]} : vector<16xf32> to vector<1xf32>
      %squeeze3A_138 = vector.extract %slice3A_137[0] : f32 from vector<1xf32>
      %add3A_139 = arith.addf %add3A_136, %squeeze3A_138 : f32
      %slice3A_140 = vector.extract_strided_slice %scan3A_115#0 {offsets = [8], sizes = [1], strides = [1]} : vector<16xf32> to vector<1xf32>
      %squeeze3A_141 = vector.extract %slice3A_140[0] : f32 from vector<1xf32>
      %add3A_142 = arith.addf %add3A_139, %squeeze3A_141 : f32
      %slice3A_143 = vector.extract_strided_slice %scan3A_115#0 {offsets = [9], sizes = [1], strides = [1]} : vector<16xf32> to vector<1xf32>
      %squeeze3A_144 = vector.extract %slice3A_143[0] : f32 from vector<1xf32>
      %add3A_145 = arith.addf %add3A_142, %squeeze3A_144 : f32
      %slice3A_146 = vector.extract_strided_slice %scan3A_115#0 {offsets = [10], sizes = [1], strides = [1]} : vector<16xf32> to vector<1xf32>
      %squeeze3A_147 = vector.extract %slice3A_146[0] : f32 from vector<1xf32>
      %add3A_148 = arith.addf %add3A_145, %squeeze3A_147 : f32
      %slice3A_149 = vector.extract_strided_slice %scan3A_115#0 {offsets = [11], sizes = [1], strides = [1]} : vector<16xf32> to vector<1xf32>
      %squeeze3A_150 = vector.extract %slice3A_149[0] : f32 from vector<1xf32>
      %add3A_151 = arith.addf %add3A_148, %squeeze3A_150 : f32
      %slice3A_152 = vector.extract_strided_slice %scan3A_115#0 {offsets = [12], sizes = [1], strides = [1]} : vector<16xf32> to vector<1xf32>
      %squeeze3A_153 = vector.extract %slice3A_152[0] : f32 from vector<1xf32>
      %add3A_154 = arith.addf %add3A_151, %squeeze3A_153 : f32
      %slice3A_155 = vector.extract_strided_slice %scan3A_115#0 {offsets = [13], sizes = [1], strides = [1]} : vector<16xf32> to vector<1xf32>
      %squeeze3A_156 = vector.extract %slice3A_155[0] : f32 from vector<1xf32>
      %add3A_157 = arith.addf %add3A_154, %squeeze3A_156 : f32
      %slice3A_158 = vector.extract_strided_slice %scan3A_115#0 {offsets = [14], sizes = [1], strides = [1]} : vector<16xf32> to vector<1xf32>
      %squeeze3A_159 = vector.extract %slice3A_158[0] : f32 from vector<1xf32>
      %add3A_160 = arith.addf %add3A_157, %squeeze3A_159 : f32
      %slice3A_161 = vector.extract_strided_slice %scan3A_115#0 {offsets = [15], sizes = [1], strides = [1]} : vector<16xf32> to vector<1xf32>
      %squeeze3A_162 = vector.extract %slice3A_161[0] : f32 from vector<1xf32>
      %add3A_163 = arith.addf %add3A_160, %squeeze3A_162 : f32
      %slice3A_164 = vector.extract_strided_slice %scan3A_115#1 {offsets = [0], sizes = [1], strides = [1]} : vector<16xf32> to vector<1xf32>
      %squeeze3A_165 = vector.extract %slice3A_164[0] : f32 from vector<1xf32>
      %slice3A_166 = vector.extract_strided_slice %scan3A_115#1 {offsets = [1], sizes = [1], strides = [1]} : vector<16xf32> to vector<1xf32>
      %squeeze3A_167 = vector.extract %slice3A_166[0] : f32 from vector<1xf32>
      %add3A_168 = arith.addf %squeeze3A_165, %squeeze3A_167 : f32
      %slice3A_169 = vector.extract_strided_slice %scan3A_115#1 {offsets = [2], sizes = [1], strides = [1]} : vector<16xf32> to vector<1xf32>
      %squeeze3A_170 = vector.extract %slice3A_169[0] : f32 from vector<1xf32>
      %add3A_171 = arith.addf %add3A_168, %squeeze3A_170 : f32
      %slice3A_172 = vector.extract_strided_slice %scan3A_115#1 {offsets = [3], sizes = [1], strides = [1]} : vector<16xf32> to vector<1xf32>
      %squeeze3A_173 = vector.extract %slice3A_172[0] : f32 from vector<1xf32>
      %add3A_174 = arith.addf %add3A_171, %squeeze3A_173 : f32
      %slice3A_175 = vector.extract_strided_slice %scan3A_115#1 {offsets = [4], sizes = [1], strides = [1]} : vector<16xf32> to vector<1xf32>
      %squeeze3A_176 = vector.extract %slice3A_175[0] : f32 from vector<1xf32>
      %add3A_177 = arith.addf %add3A_174, %squeeze3A_176 : f32
      %slice3A_178 = vector.extract_strided_slice %scan3A_115#1 {offsets = [5], sizes = [1], strides = [1]} : vector<16xf32> to vector<1xf32>
      %squeeze3A_179 = vector.extract %slice3A_178[0] : f32 from vector<1xf32>
      %add3A_180 = arith.addf %add3A_177, %squeeze3A_179 : f32
      %slice3A_181 = vector.extract_strided_slice %scan3A_115#1 {offsets = [6], sizes = [1], strides = [1]} : vector<16xf32> to vector<1xf32>
      %squeeze3A_182 = vector.extract %slice3A_181[0] : f32 from vector<1xf32>
      %add3A_183 = arith.addf %add3A_180, %squeeze3A_182 : f32
      %slice3A_184 = vector.extract_strided_slice %scan3A_115#1 {offsets = [7], sizes = [1], strides = [1]} : vector<16xf32> to vector<1xf32>
      %squeeze3A_185 = vector.extract %slice3A_184[0] : f32 from vector<1xf32>
      %add3A_186 = arith.addf %add3A_183, %squeeze3A_185 : f32
      %slice3A_187 = vector.extract_strided_slice %scan3A_115#1 {offsets = [8], sizes = [1], strides = [1]} : vector<16xf32> to vector<1xf32>
      %squeeze3A_188 = vector.extract %slice3A_187[0] : f32 from vector<1xf32>
      %add3A_189 = arith.addf %add3A_186, %squeeze3A_188 : f32
      %slice3A_190 = vector.extract_strided_slice %scan3A_115#1 {offsets = [9], sizes = [1], strides = [1]} : vector<16xf32> to vector<1xf32>
      %squeeze3A_191 = vector.extract %slice3A_190[0] : f32 from vector<1xf32>
      %add3A_192 = arith.addf %add3A_189, %squeeze3A_191 : f32
      %slice3A_193 = vector.extract_strided_slice %scan3A_115#1 {offsets = [10], sizes = [1], strides = [1]} : vector<16xf32> to vector<1xf32>
      %squeeze3A_194 = vector.extract %slice3A_193[0] : f32 from vector<1xf32>
      %add3A_195 = arith.addf %add3A_192, %squeeze3A_194 : f32
      %slice3A_196 = vector.extract_strided_slice %scan3A_115#1 {offsets = [11], sizes = [1], strides = [1]} : vector<16xf32> to vector<1xf32>
      %squeeze3A_197 = vector.extract %slice3A_196[0] : f32 from vector<1xf32>
      %add3A_198 = arith.addf %add3A_195, %squeeze3A_197 : f32
      %slice3A_199 = vector.extract_strided_slice %scan3A_115#1 {offsets = [12], sizes = [1], strides = [1]} : vector<16xf32> to vector<1xf32>
      %squeeze3A_200 = vector.extract %slice3A_199[0] : f32 from vector<1xf32>
      %add3A_201 = arith.addf %add3A_198, %squeeze3A_200 : f32
      %slice3A_202 = vector.extract_strided_slice %scan3A_115#1 {offsets = [13], sizes = [1], strides = [1]} : vector<16xf32> to vector<1xf32>
      %squeeze3A_203 = vector.extract %slice3A_202[0] : f32 from vector<1xf32>
      %add3A_204 = arith.addf %add3A_201, %squeeze3A_203 : f32
      %slice3A_205 = vector.extract_strided_slice %scan3A_115#1 {offsets = [14], sizes = [1], strides = [1]} : vector<16xf32> to vector<1xf32>
      %squeeze3A_206 = vector.extract %slice3A_205[0] : f32 from vector<1xf32>
      %add3A_207 = arith.addf %add3A_204, %squeeze3A_206 : f32
      %slice3A_208 = vector.extract_strided_slice %scan3A_115#1 {offsets = [15], sizes = [1], strides = [1]} : vector<16xf32> to vector<1xf32>
      %squeeze3A_209 = vector.extract %slice3A_208[0] : f32 from vector<1xf32>
      %add3A_210 = arith.addf %add3A_207, %squeeze3A_209 : f32
      %slice3A_211 = vector.extract_strided_slice %scan3A_115#2 {offsets = [0], sizes = [1], strides = [1]} : vector<16xf32> to vector<1xf32>
      %squeeze3A_212 = vector.extract %slice3A_211[0] : f32 from vector<1xf32>
      %slice3A_213 = vector.extract_strided_slice %scan3A_115#2 {offsets = [1], sizes = [1], strides = [1]} : vector<16xf32> to vector<1xf32>
      %squeeze3A_214 = vector.extract %slice3A_213[0] : f32 from vector<1xf32>
      %add3A_215 = arith.addf %squeeze3A_212, %squeeze3A_214 : f32
      %slice3A_216 = vector.extract_strided_slice %scan3A_115#2 {offsets = [2], sizes = [1], strides = [1]} : vector<16xf32> to vector<1xf32>
      %squeeze3A_217 = vector.extract %slice3A_216[0] : f32 from vector<1xf32>
      %add3A_218 = arith.addf %add3A_215, %squeeze3A_217 : f32
      %slice3A_219 = vector.extract_strided_slice %scan3A_115#2 {offsets = [3], sizes = [1], strides = [1]} : vector<16xf32> to vector<1xf32>
      %squeeze3A_220 = vector.extract %slice3A_219[0] : f32 from vector<1xf32>
      %add3A_221 = arith.addf %add3A_218, %squeeze3A_220 : f32
      %slice3A_222 = vector.extract_strided_slice %scan3A_115#2 {offsets = [4], sizes = [1], strides = [1]} : vector<16xf32> to vector<1xf32>
      %squeeze3A_223 = vector.extract %slice3A_222[0] : f32 from vector<1xf32>
      %add3A_224 = arith.addf %add3A_221, %squeeze3A_223 : f32
      %slice3A_225 = vector.extract_strided_slice %scan3A_115#2 {offsets = [5], sizes = [1], strides = [1]} : vector<16xf32> to vector<1xf32>
      %squeeze3A_226 = vector.extract %slice3A_225[0] : f32 from vector<1xf32>
      %add3A_227 = arith.addf %add3A_224, %squeeze3A_226 : f32
      %slice3A_228 = vector.extract_strided_slice %scan3A_115#2 {offsets = [6], sizes = [1], strides = [1]} : vector<16xf32> to vector<1xf32>
      %squeeze3A_229 = vector.extract %slice3A_228[0] : f32 from vector<1xf32>
      %add3A_230 = arith.addf %add3A_227, %squeeze3A_229 : f32
      %slice3A_231 = vector.extract_strided_slice %scan3A_115#2 {offsets = [7], sizes = [1], strides = [1]} : vector<16xf32> to vector<1xf32>
      %squeeze3A_232 = vector.extract %slice3A_231[0] : f32 from vector<1xf32>
      %add3A_233 = arith.addf %add3A_230, %squeeze3A_232 : f32
      %slice3A_234 = vector.extract_strided_slice %scan3A_115#2 {offsets = [8], sizes = [1], strides = [1]} : vector<16xf32> to vector<1xf32>
      %squeeze3A_235 = vector.extract %slice3A_234[0] : f32 from vector<1xf32>
      %add3A_236 = arith.addf %add3A_233, %squeeze3A_235 : f32
      %slice3A_237 = vector.extract_strided_slice %scan3A_115#2 {offsets = [9], sizes = [1], strides = [1]} : vector<16xf32> to vector<1xf32>
      %squeeze3A_238 = vector.extract %slice3A_237[0] : f32 from vector<1xf32>
      %add3A_239 = arith.addf %add3A_236, %squeeze3A_238 : f32
      %slice3A_240 = vector.extract_strided_slice %scan3A_115#2 {offsets = [10], sizes = [1], strides = [1]} : vector<16xf32> to vector<1xf32>
      %squeeze3A_241 = vector.extract %slice3A_240[0] : f32 from vector<1xf32>
      %add3A_242 = arith.addf %add3A_239, %squeeze3A_241 : f32
      %slice3A_243 = vector.extract_strided_slice %scan3A_115#2 {offsets = [11], sizes = [1], strides = [1]} : vector<16xf32> to vector<1xf32>
      %squeeze3A_244 = vector.extract %slice3A_243[0] : f32 from vector<1xf32>
      %add3A_245 = arith.addf %add3A_242, %squeeze3A_244 : f32
      %slice3A_246 = vector.extract_strided_slice %scan3A_115#2 {offsets = [12], sizes = [1], strides = [1]} : vector<16xf32> to vector<1xf32>
      %squeeze3A_247 = vector.extract %slice3A_246[0] : f32 from vector<1xf32>
      %add3A_248 = arith.addf %add3A_245, %squeeze3A_247 : f32
      %slice3A_249 = vector.extract_strided_slice %scan3A_115#2 {offsets = [13], sizes = [1], strides = [1]} : vector<16xf32> to vector<1xf32>
      %squeeze3A_250 = vector.extract %slice3A_249[0] : f32 from vector<1xf32>
      %add3A_251 = arith.addf %add3A_248, %squeeze3A_250 : f32
      %slice3A_252 = vector.extract_strided_slice %scan3A_115#2 {offsets = [14], sizes = [1], strides = [1]} : vector<16xf32> to vector<1xf32>
      %squeeze3A_253 = vector.extract %slice3A_252[0] : f32 from vector<1xf32>
      %add3A_254 = arith.addf %add3A_251, %squeeze3A_253 : f32
      %slice3A_255 = vector.extract_strided_slice %scan3A_115#2 {offsets = [15], sizes = [1], strides = [1]} : vector<16xf32> to vector<1xf32>
      %squeeze3A_256 = vector.extract %slice3A_255[0] : f32 from vector<1xf32>
      %add3A_257 = arith.addf %add3A_254, %squeeze3A_256 : f32
      %slice3A_258 = vector.extract_strided_slice %scan3A_115#3 {offsets = [0], sizes = [1], strides = [1]} : vector<16xf32> to vector<1xf32>
      %squeeze3A_259 = vector.extract %slice3A_258[0] : f32 from vector<1xf32>
      %slice3A_260 = vector.extract_strided_slice %scan3A_115#3 {offsets = [1], sizes = [1], strides = [1]} : vector<16xf32> to vector<1xf32>
      %squeeze3A_261 = vector.extract %slice3A_260[0] : f32 from vector<1xf32>
      %add3A_262 = arith.addf %squeeze3A_259, %squeeze3A_261 : f32
      %slice3A_263 = vector.extract_strided_slice %scan3A_115#3 {offsets = [2], sizes = [1], strides = [1]} : vector<16xf32> to vector<1xf32>
      %squeeze3A_264 = vector.extract %slice3A_263[0] : f32 from vector<1xf32>
      %add3A_265 = arith.addf %add3A_262, %squeeze3A_264 : f32
      %slice3A_266 = vector.extract_strided_slice %scan3A_115#3 {offsets = [3], sizes = [1], strides = [1]} : vector<16xf32> to vector<1xf32>
      %squeeze3A_267 = vector.extract %slice3A_266[0] : f32 from vector<1xf32>
      %add3A_268 = arith.addf %add3A_265, %squeeze3A_267 : f32
      %slice3A_269 = vector.extract_strided_slice %scan3A_115#3 {offsets = [4], sizes = [1], strides = [1]} : vector<16xf32> to vector<1xf32>
      %squeeze3A_270 = vector.extract %slice3A_269[0] : f32 from vector<1xf32>
      %add3A_271 = arith.addf %add3A_268, %squeeze3A_270 : f32
      %slice3A_272 = vector.extract_strided_slice %scan3A_115#3 {offsets = [5], sizes = [1], strides = [1]} : vector<16xf32> to vector<1xf32>
      %squeeze3A_273 = vector.extract %slice3A_272[0] : f32 from vector<1xf32>
      %add3A_274 = arith.addf %add3A_271, %squeeze3A_273 : f32
      %slice3A_275 = vector.extract_strided_slice %scan3A_115#3 {offsets = [6], sizes = [1], strides = [1]} : vector<16xf32> to vector<1xf32>
      %squeeze3A_276 = vector.extract %slice3A_275[0] : f32 from vector<1xf32>
      %add3A_277 = arith.addf %add3A_274, %squeeze3A_276 : f32
      %slice3A_278 = vector.extract_strided_slice %scan3A_115#3 {offsets = [7], sizes = [1], strides = [1]} : vector<16xf32> to vector<1xf32>
      %squeeze3A_279 = vector.extract %slice3A_278[0] : f32 from vector<1xf32>
      %add3A_280 = arith.addf %add3A_277, %squeeze3A_279 : f32
      %slice3A_281 = vector.extract_strided_slice %scan3A_115#3 {offsets = [8], sizes = [1], strides = [1]} : vector<16xf32> to vector<1xf32>
      %squeeze3A_282 = vector.extract %slice3A_281[0] : f32 from vector<1xf32>
      %add3A_283 = arith.addf %add3A_280, %squeeze3A_282 : f32
      %slice3A_284 = vector.extract_strided_slice %scan3A_115#3 {offsets = [9], sizes = [1], strides = [1]} : vector<16xf32> to vector<1xf32>
      %squeeze3A_285 = vector.extract %slice3A_284[0] : f32 from vector<1xf32>
      %add3A_286 = arith.addf %add3A_283, %squeeze3A_285 : f32
      %slice3A_287 = vector.extract_strided_slice %scan3A_115#3 {offsets = [10], sizes = [1], strides = [1]} : vector<16xf32> to vector<1xf32>
      %squeeze3A_288 = vector.extract %slice3A_287[0] : f32 from vector<1xf32>
      %add3A_289 = arith.addf %add3A_286, %squeeze3A_288 : f32
      %slice3A_290 = vector.extract_strided_slice %scan3A_115#3 {offsets = [11], sizes = [1], strides = [1]} : vector<16xf32> to vector<1xf32>
      %squeeze3A_291 = vector.extract %slice3A_290[0] : f32 from vector<1xf32>
      %add3A_292 = arith.addf %add3A_289, %squeeze3A_291 : f32
      %slice3A_293 = vector.extract_strided_slice %scan3A_115#3 {offsets = [12], sizes = [1], strides = [1]} : vector<16xf32> to vector<1xf32>
      %squeeze3A_294 = vector.extract %slice3A_293[0] : f32 from vector<1xf32>
      %add3A_295 = arith.addf %add3A_292, %squeeze3A_294 : f32
      %slice3A_296 = vector.extract_strided_slice %scan3A_115#3 {offsets = [13], sizes = [1], strides = [1]} : vector<16xf32> to vector<1xf32>
      %squeeze3A_297 = vector.extract %slice3A_296[0] : f32 from vector<1xf32>
      %add3A_298 = arith.addf %add3A_295, %squeeze3A_297 : f32
      %slice3A_299 = vector.extract_strided_slice %scan3A_115#3 {offsets = [14], sizes = [1], strides = [1]} : vector<16xf32> to vector<1xf32>
      %squeeze3A_300 = vector.extract %slice3A_299[0] : f32 from vector<1xf32>
      %add3A_301 = arith.addf %add3A_298, %squeeze3A_300 : f32
      %slice3A_302 = vector.extract_strided_slice %scan3A_115#3 {offsets = [15], sizes = [1], strides = [1]} : vector<16xf32> to vector<1xf32>
      %squeeze3A_303 = vector.extract %slice3A_302[0] : f32 from vector<1xf32>
      %add3A_304 = arith.addf %add3A_301, %squeeze3A_303 : f32
      %slice3A_305 = vector.extract_strided_slice %scan3A_115#4 {offsets = [0], sizes = [1], strides = [1]} : vector<16xf32> to vector<1xf32>
      %squeeze3A_306 = vector.extract %slice3A_305[0] : f32 from vector<1xf32>
      %slice3A_307 = vector.extract_strided_slice %scan3A_115#4 {offsets = [1], sizes = [1], strides = [1]} : vector<16xf32> to vector<1xf32>
      %squeeze3A_308 = vector.extract %slice3A_307[0] : f32 from vector<1xf32>
      %add3A_309 = arith.addf %squeeze3A_306, %squeeze3A_308 : f32
      %slice3A_310 = vector.extract_strided_slice %scan3A_115#4 {offsets = [2], sizes = [1], strides = [1]} : vector<16xf32> to vector<1xf32>
      %squeeze3A_311 = vector.extract %slice3A_310[0] : f32 from vector<1xf32>
      %add3A_312 = arith.addf %add3A_309, %squeeze3A_311 : f32
      %slice3A_313 = vector.extract_strided_slice %scan3A_115#4 {offsets = [3], sizes = [1], strides = [1]} : vector<16xf32> to vector<1xf32>
      %squeeze3A_314 = vector.extract %slice3A_313[0] : f32 from vector<1xf32>
      %add3A_315 = arith.addf %add3A_312, %squeeze3A_314 : f32
      %slice3A_316 = vector.extract_strided_slice %scan3A_115#4 {offsets = [4], sizes = [1], strides = [1]} : vector<16xf32> to vector<1xf32>
      %squeeze3A_317 = vector.extract %slice3A_316[0] : f32 from vector<1xf32>
      %add3A_318 = arith.addf %add3A_315, %squeeze3A_317 : f32
      %slice3A_319 = vector.extract_strided_slice %scan3A_115#4 {offsets = [5], sizes = [1], strides = [1]} : vector<16xf32> to vector<1xf32>
      %squeeze3A_320 = vector.extract %slice3A_319[0] : f32 from vector<1xf32>
      %add3A_321 = arith.addf %add3A_318, %squeeze3A_320 : f32
      %slice3A_322 = vector.extract_strided_slice %scan3A_115#4 {offsets = [6], sizes = [1], strides = [1]} : vector<16xf32> to vector<1xf32>
      %squeeze3A_323 = vector.extract %slice3A_322[0] : f32 from vector<1xf32>
      %add3A_324 = arith.addf %add3A_321, %squeeze3A_323 : f32
      %slice3A_325 = vector.extract_strided_slice %scan3A_115#4 {offsets = [7], sizes = [1], strides = [1]} : vector<16xf32> to vector<1xf32>
      %squeeze3A_326 = vector.extract %slice3A_325[0] : f32 from vector<1xf32>
      %add3A_327 = arith.addf %add3A_324, %squeeze3A_326 : f32
      %slice3A_328 = vector.extract_strided_slice %scan3A_115#4 {offsets = [8], sizes = [1], strides = [1]} : vector<16xf32> to vector<1xf32>
      %squeeze3A_329 = vector.extract %slice3A_328[0] : f32 from vector<1xf32>
      %add3A_330 = arith.addf %add3A_327, %squeeze3A_329 : f32
      %slice3A_331 = vector.extract_strided_slice %scan3A_115#4 {offsets = [9], sizes = [1], strides = [1]} : vector<16xf32> to vector<1xf32>
      %squeeze3A_332 = vector.extract %slice3A_331[0] : f32 from vector<1xf32>
      %add3A_333 = arith.addf %add3A_330, %squeeze3A_332 : f32
      %slice3A_334 = vector.extract_strided_slice %scan3A_115#4 {offsets = [10], sizes = [1], strides = [1]} : vector<16xf32> to vector<1xf32>
      %squeeze3A_335 = vector.extract %slice3A_334[0] : f32 from vector<1xf32>
      %add3A_336 = arith.addf %add3A_333, %squeeze3A_335 : f32
      %slice3A_337 = vector.extract_strided_slice %scan3A_115#4 {offsets = [11], sizes = [1], strides = [1]} : vector<16xf32> to vector<1xf32>
      %squeeze3A_338 = vector.extract %slice3A_337[0] : f32 from vector<1xf32>
      %add3A_339 = arith.addf %add3A_336, %squeeze3A_338 : f32
      %slice3A_340 = vector.extract_strided_slice %scan3A_115#4 {offsets = [12], sizes = [1], strides = [1]} : vector<16xf32> to vector<1xf32>
      %squeeze3A_341 = vector.extract %slice3A_340[0] : f32 from vector<1xf32>
      %add3A_342 = arith.addf %add3A_339, %squeeze3A_341 : f32
      %slice3A_343 = vector.extract_strided_slice %scan3A_115#4 {offsets = [13], sizes = [1], strides = [1]} : vector<16xf32> to vector<1xf32>
      %squeeze3A_344 = vector.extract %slice3A_343[0] : f32 from vector<1xf32>
      %add3A_345 = arith.addf %add3A_342, %squeeze3A_344 : f32
      %slice3A_346 = vector.extract_strided_slice %scan3A_115#4 {offsets = [14], sizes = [1], strides = [1]} : vector<16xf32> to vector<1xf32>
      %squeeze3A_347 = vector.extract %slice3A_346[0] : f32 from vector<1xf32>
      %add3A_348 = arith.addf %add3A_345, %squeeze3A_347 : f32
      %slice3A_349 = vector.extract_strided_slice %scan3A_115#4 {offsets = [15], sizes = [1], strides = [1]} : vector<16xf32> to vector<1xf32>
      %squeeze3A_350 = vector.extract %slice3A_349[0] : f32 from vector<1xf32>
      %add3A_351 = arith.addf %add3A_348, %squeeze3A_350 : f32
      %slice3A_352 = vector.extract_strided_slice %scan3A_115#5 {offsets = [0], sizes = [1], strides = [1]} : vector<16xf32> to vector<1xf32>
      %squeeze3A_353 = vector.extract %slice3A_352[0] : f32 from vector<1xf32>
      %slice3A_354 = vector.extract_strided_slice %scan3A_115#5 {offsets = [1], sizes = [1], strides = [1]} : vector<16xf32> to vector<1xf32>
      %squeeze3A_355 = vector.extract %slice3A_354[0] : f32 from vector<1xf32>
      %add3A_356 = arith.addf %squeeze3A_353, %squeeze3A_355 : f32
      %slice3A_357 = vector.extract_strided_slice %scan3A_115#5 {offsets = [2], sizes = [1], strides = [1]} : vector<16xf32> to vector<1xf32>
      %squeeze3A_358 = vector.extract %slice3A_357[0] : f32 from vector<1xf32>
      %add3A_359 = arith.addf %add3A_356, %squeeze3A_358 : f32
      %slice3A_360 = vector.extract_strided_slice %scan3A_115#5 {offsets = [3], sizes = [1], strides = [1]} : vector<16xf32> to vector<1xf32>
      %squeeze3A_361 = vector.extract %slice3A_360[0] : f32 from vector<1xf32>
      %add3A_362 = arith.addf %add3A_359, %squeeze3A_361 : f32
      %slice3A_363 = vector.extract_strided_slice %scan3A_115#5 {offsets = [4], sizes = [1], strides = [1]} : vector<16xf32> to vector<1xf32>
      %squeeze3A_364 = vector.extract %slice3A_363[0] : f32 from vector<1xf32>
      %add3A_365 = arith.addf %add3A_362, %squeeze3A_364 : f32
      %slice3A_366 = vector.extract_strided_slice %scan3A_115#5 {offsets = [5], sizes = [1], strides = [1]} : vector<16xf32> to vector<1xf32>
      %squeeze3A_367 = vector.extract %slice3A_366[0] : f32 from vector<1xf32>
      %add3A_368 = arith.addf %add3A_365, %squeeze3A_367 : f32
      %slice3A_369 = vector.extract_strided_slice %scan3A_115#5 {offsets = [6], sizes = [1], strides = [1]} : vector<16xf32> to vector<1xf32>
      %squeeze3A_370 = vector.extract %slice3A_369[0] : f32 from vector<1xf32>
      %add3A_371 = arith.addf %add3A_368, %squeeze3A_370 : f32
      %slice3A_372 = vector.extract_strided_slice %scan3A_115#5 {offsets = [7], sizes = [1], strides = [1]} : vector<16xf32> to vector<1xf32>
      %squeeze3A_373 = vector.extract %slice3A_372[0] : f32 from vector<1xf32>
      %add3A_374 = arith.addf %add3A_371, %squeeze3A_373 : f32
      %slice3A_375 = vector.extract_strided_slice %scan3A_115#5 {offsets = [8], sizes = [1], strides = [1]} : vector<16xf32> to vector<1xf32>
      %squeeze3A_376 = vector.extract %slice3A_375[0] : f32 from vector<1xf32>
      %add3A_377 = arith.addf %add3A_374, %squeeze3A_376 : f32
      %slice3A_378 = vector.extract_strided_slice %scan3A_115#5 {offsets = [9], sizes = [1], strides = [1]} : vector<16xf32> to vector<1xf32>
      %squeeze3A_379 = vector.extract %slice3A_378[0] : f32 from vector<1xf32>
      %add3A_380 = arith.addf %add3A_377, %squeeze3A_379 : f32
      %slice3A_381 = vector.extract_strided_slice %scan3A_115#5 {offsets = [10], sizes = [1], strides = [1]} : vector<16xf32> to vector<1xf32>
      %squeeze3A_382 = vector.extract %slice3A_381[0] : f32 from vector<1xf32>
      %add3A_383 = arith.addf %add3A_380, %squeeze3A_382 : f32
      %slice3A_384 = vector.extract_strided_slice %scan3A_115#5 {offsets = [11], sizes = [1], strides = [1]} : vector<16xf32> to vector<1xf32>
      %squeeze3A_385 = vector.extract %slice3A_384[0] : f32 from vector<1xf32>
      %add3A_386 = arith.addf %add3A_383, %squeeze3A_385 : f32
      %slice3A_387 = vector.extract_strided_slice %scan3A_115#5 {offsets = [12], sizes = [1], strides = [1]} : vector<16xf32> to vector<1xf32>
      %squeeze3A_388 = vector.extract %slice3A_387[0] : f32 from vector<1xf32>
      %add3A_389 = arith.addf %add3A_386, %squeeze3A_388 : f32
      %slice3A_390 = vector.extract_strided_slice %scan3A_115#5 {offsets = [13], sizes = [1], strides = [1]} : vector<16xf32> to vector<1xf32>
      %squeeze3A_391 = vector.extract %slice3A_390[0] : f32 from vector<1xf32>
      %add3A_392 = arith.addf %add3A_389, %squeeze3A_391 : f32
      %slice3A_393 = vector.extract_strided_slice %scan3A_115#5 {offsets = [14], sizes = [1], strides = [1]} : vector<16xf32> to vector<1xf32>
      %squeeze3A_394 = vector.extract %slice3A_393[0] : f32 from vector<1xf32>
      %add3A_395 = arith.addf %add3A_392, %squeeze3A_394 : f32
      %slice3A_396 = vector.extract_strided_slice %scan3A_115#5 {offsets = [15], sizes = [1], strides = [1]} : vector<16xf32> to vector<1xf32>
      %squeeze3A_397 = vector.extract %slice3A_396[0] : f32 from vector<1xf32>
      %add3A_398 = arith.addf %add3A_395, %squeeze3A_397 : f32
      %slice3A_399 = vector.extract_strided_slice %scan3A_115#6 {offsets = [0], sizes = [1], strides = [1]} : vector<16xf32> to vector<1xf32>
      %squeeze3A_400 = vector.extract %slice3A_399[0] : f32 from vector<1xf32>
      %slice3A_401 = vector.extract_strided_slice %scan3A_115#6 {offsets = [1], sizes = [1], strides = [1]} : vector<16xf32> to vector<1xf32>
      %squeeze3A_402 = vector.extract %slice3A_401[0] : f32 from vector<1xf32>
      %add3A_403 = arith.addf %squeeze3A_400, %squeeze3A_402 : f32
      %slice3A_404 = vector.extract_strided_slice %scan3A_115#6 {offsets = [2], sizes = [1], strides = [1]} : vector<16xf32> to vector<1xf32>
      %squeeze3A_405 = vector.extract %slice3A_404[0] : f32 from vector<1xf32>
      %add3A_406 = arith.addf %add3A_403, %squeeze3A_405 : f32
      %slice3A_407 = vector.extract_strided_slice %scan3A_115#6 {offsets = [3], sizes = [1], strides = [1]} : vector<16xf32> to vector<1xf32>
      %squeeze3A_408 = vector.extract %slice3A_407[0] : f32 from vector<1xf32>
      %add3A_409 = arith.addf %add3A_406, %squeeze3A_408 : f32
      %slice3A_410 = vector.extract_strided_slice %scan3A_115#6 {offsets = [4], sizes = [1], strides = [1]} : vector<16xf32> to vector<1xf32>
      %squeeze3A_411 = vector.extract %slice3A_410[0] : f32 from vector<1xf32>
      %add3A_412 = arith.addf %add3A_409, %squeeze3A_411 : f32
      %slice3A_413 = vector.extract_strided_slice %scan3A_115#6 {offsets = [5], sizes = [1], strides = [1]} : vector<16xf32> to vector<1xf32>
      %squeeze3A_414 = vector.extract %slice3A_413[0] : f32 from vector<1xf32>
      %add3A_415 = arith.addf %add3A_412, %squeeze3A_414 : f32
      %slice3A_416 = vector.extract_strided_slice %scan3A_115#6 {offsets = [6], sizes = [1], strides = [1]} : vector<16xf32> to vector<1xf32>
      %squeeze3A_417 = vector.extract %slice3A_416[0] : f32 from vector<1xf32>
      %add3A_418 = arith.addf %add3A_415, %squeeze3A_417 : f32
      %slice3A_419 = vector.extract_strided_slice %scan3A_115#6 {offsets = [7], sizes = [1], strides = [1]} : vector<16xf32> to vector<1xf32>
      %squeeze3A_420 = vector.extract %slice3A_419[0] : f32 from vector<1xf32>
      %add3A_421 = arith.addf %add3A_418, %squeeze3A_420 : f32
      %slice3A_422 = vector.extract_strided_slice %scan3A_115#6 {offsets = [8], sizes = [1], strides = [1]} : vector<16xf32> to vector<1xf32>
      %squeeze3A_423 = vector.extract %slice3A_422[0] : f32 from vector<1xf32>
      %add3A_424 = arith.addf %add3A_421, %squeeze3A_423 : f32
      %slice3A_425 = vector.extract_strided_slice %scan3A_115#6 {offsets = [9], sizes = [1], strides = [1]} : vector<16xf32> to vector<1xf32>
      %squeeze3A_426 = vector.extract %slice3A_425[0] : f32 from vector<1xf32>
      %add3A_427 = arith.addf %add3A_424, %squeeze3A_426 : f32
      %slice3A_428 = vector.extract_strided_slice %scan3A_115#6 {offsets = [10], sizes = [1], strides = [1]} : vector<16xf32> to vector<1xf32>
      %squeeze3A_429 = vector.extract %slice3A_428[0] : f32 from vector<1xf32>
      %add3A_430 = arith.addf %add3A_427, %squeeze3A_429 : f32
      %slice3A_431 = vector.extract_strided_slice %scan3A_115#6 {offsets = [11], sizes = [1], strides = [1]} : vector<16xf32> to vector<1xf32>
      %squeeze3A_432 = vector.extract %slice3A_431[0] : f32 from vector<1xf32>
      %add3A_433 = arith.addf %add3A_430, %squeeze3A_432 : f32
      %slice3A_434 = vector.extract_strided_slice %scan3A_115#6 {offsets = [12], sizes = [1], strides = [1]} : vector<16xf32> to vector<1xf32>
      %squeeze3A_435 = vector.extract %slice3A_434[0] : f32 from vector<1xf32>
      %add3A_436 = arith.addf %add3A_433, %squeeze3A_435 : f32
      %slice3A_437 = vector.extract_strided_slice %scan3A_115#6 {offsets = [13], sizes = [1], strides = [1]} : vector<16xf32> to vector<1xf32>
      %squeeze3A_438 = vector.extract %slice3A_437[0] : f32 from vector<1xf32>
      %add3A_439 = arith.addf %add3A_436, %squeeze3A_438 : f32
      %slice3A_440 = vector.extract_strided_slice %scan3A_115#6 {offsets = [14], sizes = [1], strides = [1]} : vector<16xf32> to vector<1xf32>
      %squeeze3A_441 = vector.extract %slice3A_440[0] : f32 from vector<1xf32>
      %add3A_442 = arith.addf %add3A_439, %squeeze3A_441 : f32
      %slice3A_443 = vector.extract_strided_slice %scan3A_115#6 {offsets = [15], sizes = [1], strides = [1]} : vector<16xf32> to vector<1xf32>
      %squeeze3A_444 = vector.extract %slice3A_443[0] : f32 from vector<1xf32>
      %add3A_445 = arith.addf %add3A_442, %squeeze3A_444 : f32
      %slice3A_446 = vector.extract_strided_slice %scan3A_115#7 {offsets = [0], sizes = [1], strides = [1]} : vector<16xf32> to vector<1xf32>
      %squeeze3A_447 = vector.extract %slice3A_446[0] : f32 from vector<1xf32>
      %slice3A_448 = vector.extract_strided_slice %scan3A_115#7 {offsets = [1], sizes = [1], strides = [1]} : vector<16xf32> to vector<1xf32>
      %squeeze3A_449 = vector.extract %slice3A_448[0] : f32 from vector<1xf32>
      %add3A_450 = arith.addf %squeeze3A_447, %squeeze3A_449 : f32
      %slice3A_451 = vector.extract_strided_slice %scan3A_115#7 {offsets = [2], sizes = [1], strides = [1]} : vector<16xf32> to vector<1xf32>
      %squeeze3A_452 = vector.extract %slice3A_451[0] : f32 from vector<1xf32>
      %add3A_453 = arith.addf %add3A_450, %squeeze3A_452 : f32
      %slice3A_454 = vector.extract_strided_slice %scan3A_115#7 {offsets = [3], sizes = [1], strides = [1]} : vector<16xf32> to vector<1xf32>
      %squeeze3A_455 = vector.extract %slice3A_454[0] : f32 from vector<1xf32>
      %add3A_456 = arith.addf %add3A_453, %squeeze3A_455 : f32
      %slice3A_457 = vector.extract_strided_slice %scan3A_115#7 {offsets = [4], sizes = [1], strides = [1]} : vector<16xf32> to vector<1xf32>
      %squeeze3A_458 = vector.extract %slice3A_457[0] : f32 from vector<1xf32>
      %add3A_459 = arith.addf %add3A_456, %squeeze3A_458 : f32
      %slice3A_460 = vector.extract_strided_slice %scan3A_115#7 {offsets = [5], sizes = [1], strides = [1]} : vector<16xf32> to vector<1xf32>
      %squeeze3A_461 = vector.extract %slice3A_460[0] : f32 from vector<1xf32>
      %add3A_462 = arith.addf %add3A_459, %squeeze3A_461 : f32
      %slice3A_463 = vector.extract_strided_slice %scan3A_115#7 {offsets = [6], sizes = [1], strides = [1]} : vector<16xf32> to vector<1xf32>
      %squeeze3A_464 = vector.extract %slice3A_463[0] : f32 from vector<1xf32>
      %add3A_465 = arith.addf %add3A_462, %squeeze3A_464 : f32
      %slice3A_466 = vector.extract_strided_slice %scan3A_115#7 {offsets = [7], sizes = [1], strides = [1]} : vector<16xf32> to vector<1xf32>
      %squeeze3A_467 = vector.extract %slice3A_466[0] : f32 from vector<1xf32>
      %add3A_468 = arith.addf %add3A_465, %squeeze3A_467 : f32
      %slice3A_469 = vector.extract_strided_slice %scan3A_115#7 {offsets = [8], sizes = [1], strides = [1]} : vector<16xf32> to vector<1xf32>
      %squeeze3A_470 = vector.extract %slice3A_469[0] : f32 from vector<1xf32>
      %add3A_471 = arith.addf %add3A_468, %squeeze3A_470 : f32
      %slice3A_472 = vector.extract_strided_slice %scan3A_115#7 {offsets = [9], sizes = [1], strides = [1]} : vector<16xf32> to vector<1xf32>
      %squeeze3A_473 = vector.extract %slice3A_472[0] : f32 from vector<1xf32>
      %add3A_474 = arith.addf %add3A_471, %squeeze3A_473 : f32
      %slice3A_475 = vector.extract_strided_slice %scan3A_115#7 {offsets = [10], sizes = [1], strides = [1]} : vector<16xf32> to vector<1xf32>
      %squeeze3A_476 = vector.extract %slice3A_475[0] : f32 from vector<1xf32>
      %add3A_477 = arith.addf %add3A_474, %squeeze3A_476 : f32
      %slice3A_478 = vector.extract_strided_slice %scan3A_115#7 {offsets = [11], sizes = [1], strides = [1]} : vector<16xf32> to vector<1xf32>
      %squeeze3A_479 = vector.extract %slice3A_478[0] : f32 from vector<1xf32>
      %add3A_480 = arith.addf %add3A_477, %squeeze3A_479 : f32
      %slice3A_481 = vector.extract_strided_slice %scan3A_115#7 {offsets = [12], sizes = [1], strides = [1]} : vector<16xf32> to vector<1xf32>
      %squeeze3A_482 = vector.extract %slice3A_481[0] : f32 from vector<1xf32>
      %add3A_483 = arith.addf %add3A_480, %squeeze3A_482 : f32
      %slice3A_484 = vector.extract_strided_slice %scan3A_115#7 {offsets = [13], sizes = [1], strides = [1]} : vector<16xf32> to vector<1xf32>
      %squeeze3A_485 = vector.extract %slice3A_484[0] : f32 from vector<1xf32>
      %add3A_486 = arith.addf %add3A_483, %squeeze3A_485 : f32
      %slice3A_487 = vector.extract_strided_slice %scan3A_115#7 {offsets = [14], sizes = [1], strides = [1]} : vector<16xf32> to vector<1xf32>
      %squeeze3A_488 = vector.extract %slice3A_487[0] : f32 from vector<1xf32>
      %add3A_489 = arith.addf %add3A_486, %squeeze3A_488 : f32
      %slice3A_490 = vector.extract_strided_slice %scan3A_115#7 {offsets = [15], sizes = [1], strides = [1]} : vector<16xf32> to vector<1xf32>
      %squeeze3A_491 = vector.extract %slice3A_490[0] : f32 from vector<1xf32>
      %add3A_492 = arith.addf %add3A_489, %squeeze3A_491 : f32
      %lt3A = arith.constant 15 : i32
      %lt3A_493 = arith.cmpi slt, %scan3A_84, %lt3A : i32
      %convert_element_type3A = arith.extui %lt3A_493 : i1 to i32
      %cond3A = arith.constant 0 : i32
      %cond3A_494 = arith.cmpi ne, %convert_element_type3A, %cond3A : i32
      scf.if %cond3A_494 {
        %add3A_1044 = arith.constant 2 : i32
        %add3A_1045 = arith.addi %mul3A_86, %add3A_1044 : i32
        %mul3A_1046 = arith.constant 8 : i32
        %mul3A_1047 = arith.muli %add3A_1045, %mul3A_1046 : i32
        %add3A_1048 = arith.addi %mul3A_0, %mul3A_1047 : i32
        %dma_start3A_1049 = arith.constant 0 : i32
        %dma_start3A_1050 = tpu.memref_slice %arg2[%arg1, %add3A_1048, %dma_start3A_1049] : memref<16x512x4096xf32, #tpu.memory_space<hbm>> -> memref<1x8x4096xf32, #tpu.memory_space<hbm>>
        %dma_start3A_1051 = tpu.memref_squeeze %dma_start3A_1050 : memref<1x8x4096xf32, #tpu.memory_space<hbm>> -> memref<8x4096xf32, #tpu.memory_space<hbm>>
        %dma_start3A_1052 = arith.constant 0 : i32
        %dma_start3A_1053 = tpu.memref_slice %arg2[%arg1, %add3A_1048, %dma_start3A_1052] : memref<16x512x4096xf32, #tpu.memory_space<hbm>> -> memref<1x8x4096xf32, #tpu.memory_space<hbm>>
        %dma_start3A_1054 = tpu.memref_squeeze %dma_start3A_1053 : memref<1x8x4096xf32, #tpu.memory_space<hbm>> -> memref<8x4096xf32, #tpu.memory_space<hbm>>
        tpu.enqueue_dma source(%dma_start3A_1054 : memref<8x4096xf32, #tpu.memory_space<hbm>>) target(%arg5 : memref<8x4096xf32, #tpu.memory_space<vmem>>) target_semaphore(%arg9 : memref<!tpu.dma_semaphore, #tpu.memory_space<semaphore_mem>>)
      } else {
      }
      %add3A_495 = arith.constant 1 : i32
      %add3A_496 = arith.addi %mul3A_86, %add3A_495 : i32
      %mul3A_497 = arith.constant 8 : i32
      %mul3A_498 = arith.muli %add3A_496, %mul3A_497 : i32
      %add3A_499 = arith.addi %mul3A_0, %mul3A_498 : i32
      %dma_wait3A_500 = arith.constant 0 : i32
      %dma_wait3A_501 = tpu.memref_slice %arg2[%arg1, %add3A_499, %dma_wait3A_500] : memref<16x512x4096xf32, #tpu.memory_space<hbm>> -> memref<1x8x4096xf32, #tpu.memory_space<hbm>>
      %dma_wait3A_502 = tpu.memref_squeeze %dma_wait3A_501 : memref<1x8x4096xf32, #tpu.memory_space<hbm>> -> memref<8x4096xf32, #tpu.memory_space<hbm>>
      %dma_wait3A_503 = arith.constant 0 : i32
      %dma_wait3A_504 = tpu.memref_slice %arg2[%arg1, %add3A_499, %dma_wait3A_503] : memref<16x512x4096xf32, #tpu.memory_space<hbm>> -> memref<1x8x4096xf32, #tpu.memory_space<hbm>>
      %dma_wait3A_505 = tpu.memref_squeeze %dma_wait3A_504 : memref<1x8x4096xf32, #tpu.memory_space<hbm>> -> memref<8x4096xf32, #tpu.memory_space<hbm>>
      tpu.wait_dma2 semaphore(%arg10 : memref<!tpu.dma_semaphore, #tpu.memory_space<semaphore_mem>>) src(%dma_wait3A_505 : memref<8x4096xf32, #tpu.memory_space<hbm>>) dst(%arg6 : memref<8x4096xf32, #tpu.memory_space<vmem>>)
      %broadcast_in_dim3A_506 = arith.constant 0.000000e+00 : f32
      %broadcast_in_dim3A_507 = vector.broadcast %broadcast_in_dim3A_506 : f32 to vector<16xf32>
      %broadcast_in_dim3A_508 = arith.constant 0.000000e+00 : f32
      %broadcast_in_dim3A_509 = vector.broadcast %broadcast_in_dim3A_508 : f32 to vector<16xf32>
      %broadcast_in_dim3A_510 = arith.constant 0.000000e+00 : f32
      %broadcast_in_dim3A_511 = vector.broadcast %broadcast_in_dim3A_510 : f32 to vector<16xf32>
      %broadcast_in_dim3A_512 = arith.constant 0.000000e+00 : f32
      %broadcast_in_dim3A_513 = vector.broadcast %broadcast_in_dim3A_512 : f32 to vector<16xf32>
      %broadcast_in_dim3A_514 = arith.constant 0.000000e+00 : f32
      %broadcast_in_dim3A_515 = vector.broadcast %broadcast_in_dim3A_514 : f32 to vector<16xf32>
      %broadcast_in_dim3A_516 = arith.constant 0.000000e+00 : f32
      %broadcast_in_dim3A_517 = vector.broadcast %broadcast_in_dim3A_516 : f32 to vector<16xf32>
      %broadcast_in_dim3A_518 = arith.constant 0.000000e+00 : f32
      %broadcast_in_dim3A_519 = vector.broadcast %broadcast_in_dim3A_518 : f32 to vector<16xf32>
      %broadcast_in_dim3A_520 = arith.constant 0.000000e+00 : f32
      %broadcast_in_dim3A_521 = vector.broadcast %broadcast_in_dim3A_520 : f32 to vector<16xf32>
      %scan3A_522 = arith.constant 0 : i32
      %scan3A_523 = arith.constant 256 : i32
      %scan3A_524 = arith.addi %scan3A_522, %scan3A_523 : i32
      %scan3A_525 = arith.constant 1 : i32
      %scan3A_526:8 = scf.for %scan3A_1044 = %scan3A_522 to %scan3A_524 step %scan3A_525 iter_args(%scan3A_1045 = %broadcast_in_dim3A_507, %scan3A_1046 = %broadcast_in_dim3A_509, %scan3A_1047 = %broadcast_in_dim3A_511, %scan3A_1048 = %broadcast_in_dim3A_513, %scan3A_1049 = %broadcast_in_dim3A_515, %scan3A_1050 = %broadcast_in_dim3A_517, %scan3A_1051 = %broadcast_in_dim3A_519, %scan3A_1052 = %broadcast_in_dim3A_521) -> (vector<16xf32>, vector<16xf32>, vector<16xf32>, vector<16xf32>, vector<16xf32>, vector<16xf32>, vector<16xf32>, vector<16xf32>)  : i32 {
        %mul3A_1053 = arith.constant 16 : i32
        %mul3A_1054 = arith.muli %scan3A_1044, %mul3A_1053 : i32
        %get3A = arith.index_cast %mul3A_1054 : i32 to index
        %get3A_1055 = tpu.vector_load %arg7[%get3A] {strides = array<i32>} : memref<4096xf32, #tpu.memory_space<vmem>>, vector<16xf32>,
        %get3A_1056 = vector.shape_cast %get3A_1055 : vector<16xf32> to vector<16xf32>
        %mul3A_1057 = arith.constant 16 : i32
        %mul3A_1058 = arith.muli %scan3A_1044, %mul3A_1057 : i32
        %get3A_1059 = arith.constant 0 : i32
        %get3A_1060 = arith.index_cast %get3A_1059 : i32 to index
        %get3A_1061 = arith.index_cast %mul3A_1058 : i32 to index
        %get3A_1062 = tpu.vector_load %arg6[%get3A_1060, %get3A_1061] {strides = array<i32>} : memref<8x4096xf32, #tpu.memory_space<vmem>>, vector<1x16xf32>,
        %get3A_1063 = vector.shape_cast %get3A_1062 : vector<1x16xf32> to vector<16xf32>
        %mul3A_1064 = arith.mulf %get3A_1063, %get3A_1056 : vector<16xf32>
        %add3A_1065 = arith.addf %scan3A_1045, %mul3A_1064 : vector<16xf32>
        %mul3A_1066 = arith.constant 16 : i32
        %mul3A_1067 = arith.muli %scan3A_1044, %mul3A_1066 : i32
        %get3A_1068 = arith.constant 1 : i32
        %get3A_1069 = arith.index_cast %get3A_1068 : i32 to index
        %get3A_1070 = arith.index_cast %mul3A_1067 : i32 to index
        %get3A_1071 = tpu.vector_load %arg6[%get3A_1069, %get3A_1070] {strides = array<i32>} : memref<8x4096xf32, #tpu.memory_space<vmem>>, vector<1x16xf32>,
        %get3A_1072 = vector.shape_cast %get3A_1071 : vector<1x16xf32> to vector<16xf32>
        %mul3A_1073 = arith.mulf %get3A_1072, %get3A_1056 : vector<16xf32>
        %add3A_1074 = arith.addf %scan3A_1046, %mul3A_1073 : vector<16xf32>
        %mul3A_1075 = arith.constant 16 : i32
        %mul3A_1076 = arith.muli %scan3A_1044, %mul3A_1075 : i32
        %get3A_1077 = arith.constant 2 : i32
        %get3A_1078 = arith.index_cast %get3A_1077 : i32 to index
        %get3A_1079 = arith.index_cast %mul3A_1076 : i32 to index
        %get3A_1080 = tpu.vector_load %arg6[%get3A_1078, %get3A_1079] {strides = array<i32>} : memref<8x4096xf32, #tpu.memory_space<vmem>>, vector<1x16xf32>,
        %get3A_1081 = vector.shape_cast %get3A_1080 : vector<1x16xf32> to vector<16xf32>
        %mul3A_1082 = arith.mulf %get3A_1081, %get3A_1056 : vector<16xf32>
        %add3A_1083 = arith.addf %scan3A_1047, %mul3A_1082 : vector<16xf32>
        %mul3A_1084 = arith.constant 16 : i32
        %mul3A_1085 = arith.muli %scan3A_1044, %mul3A_1084 : i32
        %get3A_1086 = arith.constant 3 : i32
        %get3A_1087 = arith.index_cast %get3A_1086 : i32 to index
        %get3A_1088 = arith.index_cast %mul3A_1085 : i32 to index
        %get3A_1089 = tpu.vector_load %arg6[%get3A_1087, %get3A_1088] {strides = array<i32>} : memref<8x4096xf32, #tpu.memory_space<vmem>>, vector<1x16xf32>,
        %get3A_1090 = vector.shape_cast %get3A_1089 : vector<1x16xf32> to vector<16xf32>
        %mul3A_1091 = arith.mulf %get3A_1090, %get3A_1056 : vector<16xf32>
        %add3A_1092 = arith.addf %scan3A_1048, %mul3A_1091 : vector<16xf32>
        %mul3A_1093 = arith.constant 16 : i32
        %mul3A_1094 = arith.muli %scan3A_1044, %mul3A_1093 : i32
        %get3A_1095 = arith.constant 4 : i32
        %get3A_1096 = arith.index_cast %get3A_1095 : i32 to index
        %get3A_1097 = arith.index_cast %mul3A_1094 : i32 to index
        %get3A_1098 = tpu.vector_load %arg6[%get3A_1096, %get3A_1097] {strides = array<i32>} : memref<8x4096xf32, #tpu.memory_space<vmem>>, vector<1x16xf32>,
        %get3A_1099 = vector.shape_cast %get3A_1098 : vector<1x16xf32> to vector<16xf32>
        %mul3A_1100 = arith.mulf %get3A_1099, %get3A_1056 : vector<16xf32>
        %add3A_1101 = arith.addf %scan3A_1049, %mul3A_1100 : vector<16xf32>
        %mul3A_1102 = arith.constant 16 : i32
        %mul3A_1103 = arith.muli %scan3A_1044, %mul3A_1102 : i32
        %get3A_1104 = arith.constant 5 : i32
        %get3A_1105 = arith.index_cast %get3A_1104 : i32 to index
        %get3A_1106 = arith.index_cast %mul3A_1103 : i32 to index
        %get3A_1107 = tpu.vector_load %arg6[%get3A_1105, %get3A_1106] {strides = array<i32>} : memref<8x4096xf32, #tpu.memory_space<vmem>>, vector<1x16xf32>,
        %get3A_1108 = vector.shape_cast %get3A_1107 : vector<1x16xf32> to vector<16xf32>
        %mul3A_1109 = arith.mulf %get3A_1108, %get3A_1056 : vector<16xf32>
        %add3A_1110 = arith.addf %scan3A_1050, %mul3A_1109 : vector<16xf32>
        %mul3A_1111 = arith.constant 16 : i32
        %mul3A_1112 = arith.muli %scan3A_1044, %mul3A_1111 : i32
        %get3A_1113 = arith.constant 6 : i32
        %get3A_1114 = arith.index_cast %get3A_1113 : i32 to index
        %get3A_1115 = arith.index_cast %mul3A_1112 : i32 to index
        %get3A_1116 = tpu.vector_load %arg6[%get3A_1114, %get3A_1115] {strides = array<i32>} : memref<8x4096xf32, #tpu.memory_space<vmem>>, vector<1x16xf32>,
        %get3A_1117 = vector.shape_cast %get3A_1116 : vector<1x16xf32> to vector<16xf32>
        %mul3A_1118 = arith.mulf %get3A_1117, %get3A_1056 : vector<16xf32>
        %add3A_1119 = arith.addf %scan3A_1051, %mul3A_1118 : vector<16xf32>
        %mul3A_1120 = arith.constant 16 : i32
        %mul3A_1121 = arith.muli %scan3A_1044, %mul3A_1120 : i32
        %get3A_1122 = arith.constant 7 : i32
        %get3A_1123 = arith.index_cast %get3A_1122 : i32 to index
        %get3A_1124 = arith.index_cast %mul3A_1121 : i32 to index
        %get3A_1125 = tpu.vector_load %arg6[%get3A_1123, %get3A_1124] {strides = array<i32>} : memref<8x4096xf32, #tpu.memory_space<vmem>>, vector<1x16xf32>,
        %get3A_1126 = vector.shape_cast %get3A_1125 : vector<1x16xf32> to vector<16xf32>
        %mul3A_1127 = arith.mulf %get3A_1126, %get3A_1056 : vector<16xf32>
        %add3A_1128 = arith.addf %scan3A_1052, %mul3A_1127 : vector<16xf32>
        scf.yield %add3A_1065, %add3A_1074, %add3A_1083, %add3A_1092, %add3A_1101, %add3A_1110, %add3A_1119, %add3A_1128 : vector<16xf32>, vector<16xf32>, vector<16xf32>, vector<16xf32>, vector<16xf32>, vector<16xf32>, vector<16xf32>, vector<16xf32>
      }
      %scan3A_527 = arith.constant 256 : i32
      %slice3A_528 = vector.extract_strided_slice %scan3A_526#0 {offsets = [0], sizes = [1], strides = [1]} : vector<16xf32> to vector<1xf32>
      %squeeze3A_529 = vector.extract %slice3A_528[0] : f32 from vector<1xf32>
      %slice3A_530 = vector.extract_strided_slice %scan3A_526#0 {offsets = [1], sizes = [1], strides = [1]} : vector<16xf32> to vector<1xf32>
      %squeeze3A_531 = vector.extract %slice3A_530[0] : f32 from vector<1xf32>
      %add3A_532 = arith.addf %squeeze3A_529, %squeeze3A_531 : f32
      %slice3A_533 = vector.extract_strided_slice %scan3A_526#0 {offsets = [2], sizes = [1], strides = [1]} : vector<16xf32> to vector<1xf32>
      %squeeze3A_534 = vector.extract %slice3A_533[0] : f32 from vector<1xf32>
      %add3A_535 = arith.addf %add3A_532, %squeeze3A_534 : f32
      %slice3A_536 = vector.extract_strided_slice %scan3A_526#0 {offsets = [3], sizes = [1], strides = [1]} : vector<16xf32> to vector<1xf32>
      %squeeze3A_537 = vector.extract %slice3A_536[0] : f32 from vector<1xf32>
      %add3A_538 = arith.addf %add3A_535, %squeeze3A_537 : f32
      %slice3A_539 = vector.extract_strided_slice %scan3A_526#0 {offsets = [4], sizes = [1], strides = [1]} : vector<16xf32> to vector<1xf32>
      %squeeze3A_540 = vector.extract %slice3A_539[0] : f32 from vector<1xf32>
      %add3A_541 = arith.addf %add3A_538, %squeeze3A_540 : f32
      %slice3A_542 = vector.extract_strided_slice %scan3A_526#0 {offsets = [5], sizes = [1], strides = [1]} : vector<16xf32> to vector<1xf32>
      %squeeze3A_543 = vector.extract %slice3A_542[0] : f32 from vector<1xf32>
      %add3A_544 = arith.addf %add3A_541, %squeeze3A_543 : f32
      %slice3A_545 = vector.extract_strided_slice %scan3A_526#0 {offsets = [6], sizes = [1], strides = [1]} : vector<16xf32> to vector<1xf32>
      %squeeze3A_546 = vector.extract %slice3A_545[0] : f32 from vector<1xf32>
      %add3A_547 = arith.addf %add3A_544, %squeeze3A_546 : f32
      %slice3A_548 = vector.extract_strided_slice %scan3A_526#0 {offsets = [7], sizes = [1], strides = [1]} : vector<16xf32> to vector<1xf32>
      %squeeze3A_549 = vector.extract %slice3A_548[0] : f32 from vector<1xf32>
      %add3A_550 = arith.addf %add3A_547, %squeeze3A_549 : f32
      %slice3A_551 = vector.extract_strided_slice %scan3A_526#0 {offsets = [8], sizes = [1], strides = [1]} : vector<16xf32> to vector<1xf32>
      %squeeze3A_552 = vector.extract %slice3A_551[0] : f32 from vector<1xf32>
      %add3A_553 = arith.addf %add3A_550, %squeeze3A_552 : f32
      %slice3A_554 = vector.extract_strided_slice %scan3A_526#0 {offsets = [9], sizes = [1], strides = [1]} : vector<16xf32> to vector<1xf32>
      %squeeze3A_555 = vector.extract %slice3A_554[0] : f32 from vector<1xf32>
      %add3A_556 = arith.addf %add3A_553, %squeeze3A_555 : f32
      %slice3A_557 = vector.extract_strided_slice %scan3A_526#0 {offsets = [10], sizes = [1], strides = [1]} : vector<16xf32> to vector<1xf32>
      %squeeze3A_558 = vector.extract %slice3A_557[0] : f32 from vector<1xf32>
      %add3A_559 = arith.addf %add3A_556, %squeeze3A_558 : f32
      %slice3A_560 = vector.extract_strided_slice %scan3A_526#0 {offsets = [11], sizes = [1], strides = [1]} : vector<16xf32> to vector<1xf32>
      %squeeze3A_561 = vector.extract %slice3A_560[0] : f32 from vector<1xf32>
      %add3A_562 = arith.addf %add3A_559, %squeeze3A_561 : f32
      %slice3A_563 = vector.extract_strided_slice %scan3A_526#0 {offsets = [12], sizes = [1], strides = [1]} : vector<16xf32> to vector<1xf32>
      %squeeze3A_564 = vector.extract %slice3A_563[0] : f32 from vector<1xf32>
      %add3A_565 = arith.addf %add3A_562, %squeeze3A_564 : f32
      %slice3A_566 = vector.extract_strided_slice %scan3A_526#0 {offsets = [13], sizes = [1], strides = [1]} : vector<16xf32> to vector<1xf32>
      %squeeze3A_567 = vector.extract %slice3A_566[0] : f32 from vector<1xf32>
      %add3A_568 = arith.addf %add3A_565, %squeeze3A_567 : f32
      %slice3A_569 = vector.extract_strided_slice %scan3A_526#0 {offsets = [14], sizes = [1], strides = [1]} : vector<16xf32> to vector<1xf32>
      %squeeze3A_570 = vector.extract %slice3A_569[0] : f32 from vector<1xf32>
      %add3A_571 = arith.addf %add3A_568, %squeeze3A_570 : f32
      %slice3A_572 = vector.extract_strided_slice %scan3A_526#0 {offsets = [15], sizes = [1], strides = [1]} : vector<16xf32> to vector<1xf32>
      %squeeze3A_573 = vector.extract %slice3A_572[0] : f32 from vector<1xf32>
      %add3A_574 = arith.addf %add3A_571, %squeeze3A_573 : f32
      %slice3A_575 = vector.extract_strided_slice %scan3A_526#1 {offsets = [0], sizes = [1], strides = [1]} : vector<16xf32> to vector<1xf32>
      %squeeze3A_576 = vector.extract %slice3A_575[0] : f32 from vector<1xf32>
      %slice3A_577 = vector.extract_strided_slice %scan3A_526#1 {offsets = [1], sizes = [1], strides = [1]} : vector<16xf32> to vector<1xf32>
      %squeeze3A_578 = vector.extract %slice3A_577[0] : f32 from vector<1xf32>
      %add3A_579 = arith.addf %squeeze3A_576, %squeeze3A_578 : f32
      %slice3A_580 = vector.extract_strided_slice %scan3A_526#1 {offsets = [2], sizes = [1], strides = [1]} : vector<16xf32> to vector<1xf32>
      %squeeze3A_581 = vector.extract %slice3A_580[0] : f32 from vector<1xf32>
      %add3A_582 = arith.addf %add3A_579, %squeeze3A_581 : f32
      %slice3A_583 = vector.extract_strided_slice %scan3A_526#1 {offsets = [3], sizes = [1], strides = [1]} : vector<16xf32> to vector<1xf32>
      %squeeze3A_584 = vector.extract %slice3A_583[0] : f32 from vector<1xf32>
      %add3A_585 = arith.addf %add3A_582, %squeeze3A_584 : f32
      %slice3A_586 = vector.extract_strided_slice %scan3A_526#1 {offsets = [4], sizes = [1], strides = [1]} : vector<16xf32> to vector<1xf32>
      %squeeze3A_587 = vector.extract %slice3A_586[0] : f32 from vector<1xf32>
      %add3A_588 = arith.addf %add3A_585, %squeeze3A_587 : f32
      %slice3A_589 = vector.extract_strided_slice %scan3A_526#1 {offsets = [5], sizes = [1], strides = [1]} : vector<16xf32> to vector<1xf32>
      %squeeze3A_590 = vector.extract %slice3A_589[0] : f32 from vector<1xf32>
      %add3A_591 = arith.addf %add3A_588, %squeeze3A_590 : f32
      %slice3A_592 = vector.extract_strided_slice %scan3A_526#1 {offsets = [6], sizes = [1], strides = [1]} : vector<16xf32> to vector<1xf32>
      %squeeze3A_593 = vector.extract %slice3A_592[0] : f32 from vector<1xf32>
      %add3A_594 = arith.addf %add3A_591, %squeeze3A_593 : f32
      %slice3A_595 = vector.extract_strided_slice %scan3A_526#1 {offsets = [7], sizes = [1], strides = [1]} : vector<16xf32> to vector<1xf32>
      %squeeze3A_596 = vector.extract %slice3A_595[0] : f32 from vector<1xf32>
      %add3A_597 = arith.addf %add3A_594, %squeeze3A_596 : f32
      %slice3A_598 = vector.extract_strided_slice %scan3A_526#1 {offsets = [8], sizes = [1], strides = [1]} : vector<16xf32> to vector<1xf32>
      %squeeze3A_599 = vector.extract %slice3A_598[0] : f32 from vector<1xf32>
      %add3A_600 = arith.addf %add3A_597, %squeeze3A_599 : f32
      %slice3A_601 = vector.extract_strided_slice %scan3A_526#1 {offsets = [9], sizes = [1], strides = [1]} : vector<16xf32> to vector<1xf32>
      %squeeze3A_602 = vector.extract %slice3A_601[0] : f32 from vector<1xf32>
      %add3A_603 = arith.addf %add3A_600, %squeeze3A_602 : f32
      %slice3A_604 = vector.extract_strided_slice %scan3A_526#1 {offsets = [10], sizes = [1], strides = [1]} : vector<16xf32> to vector<1xf32>
      %squeeze3A_605 = vector.extract %slice3A_604[0] : f32 from vector<1xf32>
      %add3A_606 = arith.addf %add3A_603, %squeeze3A_605 : f32
      %slice3A_607 = vector.extract_strided_slice %scan3A_526#1 {offsets = [11], sizes = [1], strides = [1]} : vector<16xf32> to vector<1xf32>
      %squeeze3A_608 = vector.extract %slice3A_607[0] : f32 from vector<1xf32>
      %add3A_609 = arith.addf %add3A_606, %squeeze3A_608 : f32
      %slice3A_610 = vector.extract_strided_slice %scan3A_526#1 {offsets = [12], sizes = [1], strides = [1]} : vector<16xf32> to vector<1xf32>
      %squeeze3A_611 = vector.extract %slice3A_610[0] : f32 from vector<1xf32>
      %add3A_612 = arith.addf %add3A_609, %squeeze3A_611 : f32
      %slice3A_613 = vector.extract_strided_slice %scan3A_526#1 {offsets = [13], sizes = [1], strides = [1]} : vector<16xf32> to vector<1xf32>
      %squeeze3A_614 = vector.extract %slice3A_613[0] : f32 from vector<1xf32>
      %add3A_615 = arith.addf %add3A_612, %squeeze3A_614 : f32
      %slice3A_616 = vector.extract_strided_slice %scan3A_526#1 {offsets = [14], sizes = [1], strides = [1]} : vector<16xf32> to vector<1xf32>
      %squeeze3A_617 = vector.extract %slice3A_616[0] : f32 from vector<1xf32>
      %add3A_618 = arith.addf %add3A_615, %squeeze3A_617 : f32
      %slice3A_619 = vector.extract_strided_slice %scan3A_526#1 {offsets = [15], sizes = [1], strides = [1]} : vector<16xf32> to vector<1xf32>
      %squeeze3A_620 = vector.extract %slice3A_619[0] : f32 from vector<1xf32>
      %add3A_621 = arith.addf %add3A_618, %squeeze3A_620 : f32
      %slice3A_622 = vector.extract_strided_slice %scan3A_526#2 {offsets = [0], sizes = [1], strides = [1]} : vector<16xf32> to vector<1xf32>
      %squeeze3A_623 = vector.extract %slice3A_622[0] : f32 from vector<1xf32>
      %slice3A_624 = vector.extract_strided_slice %scan3A_526#2 {offsets = [1], sizes = [1], strides = [1]} : vector<16xf32> to vector<1xf32>
      %squeeze3A_625 = vector.extract %slice3A_624[0] : f32 from vector<1xf32>
      %add3A_626 = arith.addf %squeeze3A_623, %squeeze3A_625 : f32
      %slice3A_627 = vector.extract_strided_slice %scan3A_526#2 {offsets = [2], sizes = [1], strides = [1]} : vector<16xf32> to vector<1xf32>
      %squeeze3A_628 = vector.extract %slice3A_627[0] : f32 from vector<1xf32>
      %add3A_629 = arith.addf %add3A_626, %squeeze3A_628 : f32
      %slice3A_630 = vector.extract_strided_slice %scan3A_526#2 {offsets = [3], sizes = [1], strides = [1]} : vector<16xf32> to vector<1xf32>
      %squeeze3A_631 = vector.extract %slice3A_630[0] : f32 from vector<1xf32>
      %add3A_632 = arith.addf %add3A_629, %squeeze3A_631 : f32
      %slice3A_633 = vector.extract_strided_slice %scan3A_526#2 {offsets = [4], sizes = [1], strides = [1]} : vector<16xf32> to vector<1xf32>
      %squeeze3A_634 = vector.extract %slice3A_633[0] : f32 from vector<1xf32>
      %add3A_635 = arith.addf %add3A_632, %squeeze3A_634 : f32
      %slice3A_636 = vector.extract_strided_slice %scan3A_526#2 {offsets = [5], sizes = [1], strides = [1]} : vector<16xf32> to vector<1xf32>
      %squeeze3A_637 = vector.extract %slice3A_636[0] : f32 from vector<1xf32>
      %add3A_638 = arith.addf %add3A_635, %squeeze3A_637 : f32
      %slice3A_639 = vector.extract_strided_slice %scan3A_526#2 {offsets = [6], sizes = [1], strides = [1]} : vector<16xf32> to vector<1xf32>
      %squeeze3A_640 = vector.extract %slice3A_639[0] : f32 from vector<1xf32>
      %add3A_641 = arith.addf %add3A_638, %squeeze3A_640 : f32
      %slice3A_642 = vector.extract_strided_slice %scan3A_526#2 {offsets = [7], sizes = [1], strides = [1]} : vector<16xf32> to vector<1xf32>
      %squeeze3A_643 = vector.extract %slice3A_642[0] : f32 from vector<1xf32>
      %add3A_644 = arith.addf %add3A_641, %squeeze3A_643 : f32
      %slice3A_645 = vector.extract_strided_slice %scan3A_526#2 {offsets = [8], sizes = [1], strides = [1]} : vector<16xf32> to vector<1xf32>
      %squeeze3A_646 = vector.extract %slice3A_645[0] : f32 from vector<1xf32>
      %add3A_647 = arith.addf %add3A_644, %squeeze3A_646 : f32
      %slice3A_648 = vector.extract_strided_slice %scan3A_526#2 {offsets = [9], sizes = [1], strides = [1]} : vector<16xf32> to vector<1xf32>
      %squeeze3A_649 = vector.extract %slice3A_648[0] : f32 from vector<1xf32>
      %add3A_650 = arith.addf %add3A_647, %squeeze3A_649 : f32
      %slice3A_651 = vector.extract_strided_slice %scan3A_526#2 {offsets = [10], sizes = [1], strides = [1]} : vector<16xf32> to vector<1xf32>
      %squeeze3A_652 = vector.extract %slice3A_651[0] : f32 from vector<1xf32>
      %add3A_653 = arith.addf %add3A_650, %squeeze3A_652 : f32
      %slice3A_654 = vector.extract_strided_slice %scan3A_526#2 {offsets = [11], sizes = [1], strides = [1]} : vector<16xf32> to vector<1xf32>
      %squeeze3A_655 = vector.extract %slice3A_654[0] : f32 from vector<1xf32>
      %add3A_656 = arith.addf %add3A_653, %squeeze3A_655 : f32
      %slice3A_657 = vector.extract_strided_slice %scan3A_526#2 {offsets = [12], sizes = [1], strides = [1]} : vector<16xf32> to vector<1xf32>
      %squeeze3A_658 = vector.extract %slice3A_657[0] : f32 from vector<1xf32>
      %add3A_659 = arith.addf %add3A_656, %squeeze3A_658 : f32
      %slice3A_660 = vector.extract_strided_slice %scan3A_526#2 {offsets = [13], sizes = [1], strides = [1]} : vector<16xf32> to vector<1xf32>
      %squeeze3A_661 = vector.extract %slice3A_660[0] : f32 from vector<1xf32>
      %add3A_662 = arith.addf %add3A_659, %squeeze3A_661 : f32
      %slice3A_663 = vector.extract_strided_slice %scan3A_526#2 {offsets = [14], sizes = [1], strides = [1]} : vector<16xf32> to vector<1xf32>
      %squeeze3A_664 = vector.extract %slice3A_663[0] : f32 from vector<1xf32>
      %add3A_665 = arith.addf %add3A_662, %squeeze3A_664 : f32
      %slice3A_666 = vector.extract_strided_slice %scan3A_526#2 {offsets = [15], sizes = [1], strides = [1]} : vector<16xf32> to vector<1xf32>
      %squeeze3A_667 = vector.extract %slice3A_666[0] : f32 from vector<1xf32>
      %add3A_668 = arith.addf %add3A_665, %squeeze3A_667 : f32
      %slice3A_669 = vector.extract_strided_slice %scan3A_526#3 {offsets = [0], sizes = [1], strides = [1]} : vector<16xf32> to vector<1xf32>
      %squeeze3A_670 = vector.extract %slice3A_669[0] : f32 from vector<1xf32>
      %slice3A_671 = vector.extract_strided_slice %scan3A_526#3 {offsets = [1], sizes = [1], strides = [1]} : vector<16xf32> to vector<1xf32>
      %squeeze3A_672 = vector.extract %slice3A_671[0] : f32 from vector<1xf32>
      %add3A_673 = arith.addf %squeeze3A_670, %squeeze3A_672 : f32
      %slice3A_674 = vector.extract_strided_slice %scan3A_526#3 {offsets = [2], sizes = [1], strides = [1]} : vector<16xf32> to vector<1xf32>
      %squeeze3A_675 = vector.extract %slice3A_674[0] : f32 from vector<1xf32>
      %add3A_676 = arith.addf %add3A_673, %squeeze3A_675 : f32
      %slice3A_677 = vector.extract_strided_slice %scan3A_526#3 {offsets = [3], sizes = [1], strides = [1]} : vector<16xf32> to vector<1xf32>
      %squeeze3A_678 = vector.extract %slice3A_677[0] : f32 from vector<1xf32>
      %add3A_679 = arith.addf %add3A_676, %squeeze3A_678 : f32
      %slice3A_680 = vector.extract_strided_slice %scan3A_526#3 {offsets = [4], sizes = [1], strides = [1]} : vector<16xf32> to vector<1xf32>
      %squeeze3A_681 = vector.extract %slice3A_680[0] : f32 from vector<1xf32>
      %add3A_682 = arith.addf %add3A_679, %squeeze3A_681 : f32
      %slice3A_683 = vector.extract_strided_slice %scan3A_526#3 {offsets = [5], sizes = [1], strides = [1]} : vector<16xf32> to vector<1xf32>
      %squeeze3A_684 = vector.extract %slice3A_683[0] : f32 from vector<1xf32>
      %add3A_685 = arith.addf %add3A_682, %squeeze3A_684 : f32
      %slice3A_686 = vector.extract_strided_slice %scan3A_526#3 {offsets = [6], sizes = [1], strides = [1]} : vector<16xf32> to vector<1xf32>
      %squeeze3A_687 = vector.extract %slice3A_686[0] : f32 from vector<1xf32>
      %add3A_688 = arith.addf %add3A_685, %squeeze3A_687 : f32
      %slice3A_689 = vector.extract_strided_slice %scan3A_526#3 {offsets = [7], sizes = [1], strides = [1]} : vector<16xf32> to vector<1xf32>
      %squeeze3A_690 = vector.extract %slice3A_689[0] : f32 from vector<1xf32>
      %add3A_691 = arith.addf %add3A_688, %squeeze3A_690 : f32
      %slice3A_692 = vector.extract_strided_slice %scan3A_526#3 {offsets = [8], sizes = [1], strides = [1]} : vector<16xf32> to vector<1xf32>
      %squeeze3A_693 = vector.extract %slice3A_692[0] : f32 from vector<1xf32>
      %add3A_694 = arith.addf %add3A_691, %squeeze3A_693 : f32
      %slice3A_695 = vector.extract_strided_slice %scan3A_526#3 {offsets = [9], sizes = [1], strides = [1]} : vector<16xf32> to vector<1xf32>
      %squeeze3A_696 = vector.extract %slice3A_695[0] : f32 from vector<1xf32>
      %add3A_697 = arith.addf %add3A_694, %squeeze3A_696 : f32
      %slice3A_698 = vector.extract_strided_slice %scan3A_526#3 {offsets = [10], sizes = [1], strides = [1]} : vector<16xf32> to vector<1xf32>
      %squeeze3A_699 = vector.extract %slice3A_698[0] : f32 from vector<1xf32>
      %add3A_700 = arith.addf %add3A_697, %squeeze3A_699 : f32
      %slice3A_701 = vector.extract_strided_slice %scan3A_526#3 {offsets = [11], sizes = [1], strides = [1]} : vector<16xf32> to vector<1xf32>
      %squeeze3A_702 = vector.extract %slice3A_701[0] : f32 from vector<1xf32>
      %add3A_703 = arith.addf %add3A_700, %squeeze3A_702 : f32
      %slice3A_704 = vector.extract_strided_slice %scan3A_526#3 {offsets = [12], sizes = [1], strides = [1]} : vector<16xf32> to vector<1xf32>
      %squeeze3A_705 = vector.extract %slice3A_704[0] : f32 from vector<1xf32>
      %add3A_706 = arith.addf %add3A_703, %squeeze3A_705 : f32
      %slice3A_707 = vector.extract_strided_slice %scan3A_526#3 {offsets = [13], sizes = [1], strides = [1]} : vector<16xf32> to vector<1xf32>
      %squeeze3A_708 = vector.extract %slice3A_707[0] : f32 from vector<1xf32>
      %add3A_709 = arith.addf %add3A_706, %squeeze3A_708 : f32
      %slice3A_710 = vector.extract_strided_slice %scan3A_526#3 {offsets = [14], sizes = [1], strides = [1]} : vector<16xf32> to vector<1xf32>
      %squeeze3A_711 = vector.extract %slice3A_710[0] : f32 from vector<1xf32>
      %add3A_712 = arith.addf %add3A_709, %squeeze3A_711 : f32
      %slice3A_713 = vector.extract_strided_slice %scan3A_526#3 {offsets = [15], sizes = [1], strides = [1]} : vector<16xf32> to vector<1xf32>
      %squeeze3A_714 = vector.extract %slice3A_713[0] : f32 from vector<1xf32>
      %add3A_715 = arith.addf %add3A_712, %squeeze3A_714 : f32
      %slice3A_716 = vector.extract_strided_slice %scan3A_526#4 {offsets = [0], sizes = [1], strides = [1]} : vector<16xf32> to vector<1xf32>
      %squeeze3A_717 = vector.extract %slice3A_716[0] : f32 from vector<1xf32>
      %slice3A_718 = vector.extract_strided_slice %scan3A_526#4 {offsets = [1], sizes = [1], strides = [1]} : vector<16xf32> to vector<1xf32>
      %squeeze3A_719 = vector.extract %slice3A_718[0] : f32 from vector<1xf32>
      %add3A_720 = arith.addf %squeeze3A_717, %squeeze3A_719 : f32
      %slice3A_721 = vector.extract_strided_slice %scan3A_526#4 {offsets = [2], sizes = [1], strides = [1]} : vector<16xf32> to vector<1xf32>
      %squeeze3A_722 = vector.extract %slice3A_721[0] : f32 from vector<1xf32>
      %add3A_723 = arith.addf %add3A_720, %squeeze3A_722 : f32
      %slice3A_724 = vector.extract_strided_slice %scan3A_526#4 {offsets = [3], sizes = [1], strides = [1]} : vector<16xf32> to vector<1xf32>
      %squeeze3A_725 = vector.extract %slice3A_724[0] : f32 from vector<1xf32>
      %add3A_726 = arith.addf %add3A_723, %squeeze3A_725 : f32
      %slice3A_727 = vector.extract_strided_slice %scan3A_526#4 {offsets = [4], sizes = [1], strides = [1]} : vector<16xf32> to vector<1xf32>
      %squeeze3A_728 = vector.extract %slice3A_727[0] : f32 from vector<1xf32>
      %add3A_729 = arith.addf %add3A_726, %squeeze3A_728 : f32
      %slice3A_730 = vector.extract_strided_slice %scan3A_526#4 {offsets = [5], sizes = [1], strides = [1]} : vector<16xf32> to vector<1xf32>
      %squeeze3A_731 = vector.extract %slice3A_730[0] : f32 from vector<1xf32>
      %add3A_732 = arith.addf %add3A_729, %squeeze3A_731 : f32
      %slice3A_733 = vector.extract_strided_slice %scan3A_526#4 {offsets = [6], sizes = [1], strides = [1]} : vector<16xf32> to vector<1xf32>
      %squeeze3A_734 = vector.extract %slice3A_733[0] : f32 from vector<1xf32>
      %add3A_735 = arith.addf %add3A_732, %squeeze3A_734 : f32
      %slice3A_736 = vector.extract_strided_slice %scan3A_526#4 {offsets = [7], sizes = [1], strides = [1]} : vector<16xf32> to vector<1xf32>
      %squeeze3A_737 = vector.extract %slice3A_736[0] : f32 from vector<1xf32>
      %add3A_738 = arith.addf %add3A_735, %squeeze3A_737 : f32
      %slice3A_739 = vector.extract_strided_slice %scan3A_526#4 {offsets = [8], sizes = [1], strides = [1]} : vector<16xf32> to vector<1xf32>
      %squeeze3A_740 = vector.extract %slice3A_739[0] : f32 from vector<1xf32>
      %add3A_741 = arith.addf %add3A_738, %squeeze3A_740 : f32
      %slice3A_742 = vector.extract_strided_slice %scan3A_526#4 {offsets = [9], sizes = [1], strides = [1]} : vector<16xf32> to vector<1xf32>
      %squeeze3A_743 = vector.extract %slice3A_742[0] : f32 from vector<1xf32>
      %add3A_744 = arith.addf %add3A_741, %squeeze3A_743 : f32
      %slice3A_745 = vector.extract_strided_slice %scan3A_526#4 {offsets = [10], sizes = [1], strides = [1]} : vector<16xf32> to vector<1xf32>
      %squeeze3A_746 = vector.extract %slice3A_745[0] : f32 from vector<1xf32>
      %add3A_747 = arith.addf %add3A_744, %squeeze3A_746 : f32
      %slice3A_748 = vector.extract_strided_slice %scan3A_526#4 {offsets = [11], sizes = [1], strides = [1]} : vector<16xf32> to vector<1xf32>
      %squeeze3A_749 = vector.extract %slice3A_748[0] : f32 from vector<1xf32>
      %add3A_750 = arith.addf %add3A_747, %squeeze3A_749 : f32
      %slice3A_751 = vector.extract_strided_slice %scan3A_526#4 {offsets = [12], sizes = [1], strides = [1]} : vector<16xf32> to vector<1xf32>
      %squeeze3A_752 = vector.extract %slice3A_751[0] : f32 from vector<1xf32>
      %add3A_753 = arith.addf %add3A_750, %squeeze3A_752 : f32
      %slice3A_754 = vector.extract_strided_slice %scan3A_526#4 {offsets = [13], sizes = [1], strides = [1]} : vector<16xf32> to vector<1xf32>
      %squeeze3A_755 = vector.extract %slice3A_754[0] : f32 from vector<1xf32>
      %add3A_756 = arith.addf %add3A_753, %squeeze3A_755 : f32
      %slice3A_757 = vector.extract_strided_slice %scan3A_526#4 {offsets = [14], sizes = [1], strides = [1]} : vector<16xf32> to vector<1xf32>
      %squeeze3A_758 = vector.extract %slice3A_757[0] : f32 from vector<1xf32>
      %add3A_759 = arith.addf %add3A_756, %squeeze3A_758 : f32
      %slice3A_760 = vector.extract_strided_slice %scan3A_526#4 {offsets = [15], sizes = [1], strides = [1]} : vector<16xf32> to vector<1xf32>
      %squeeze3A_761 = vector.extract %slice3A_760[0] : f32 from vector<1xf32>
      %add3A_762 = arith.addf %add3A_759, %squeeze3A_761 : f32
      %slice3A_763 = vector.extract_strided_slice %scan3A_526#5 {offsets = [0], sizes = [1], strides = [1]} : vector<16xf32> to vector<1xf32>
      %squeeze3A_764 = vector.extract %slice3A_763[0] : f32 from vector<1xf32>
      %slice3A_765 = vector.extract_strided_slice %scan3A_526#5 {offsets = [1], sizes = [1], strides = [1]} : vector<16xf32> to vector<1xf32>
      %squeeze3A_766 = vector.extract %slice3A_765[0] : f32 from vector<1xf32>
      %add3A_767 = arith.addf %squeeze3A_764, %squeeze3A_766 : f32
      %slice3A_768 = vector.extract_strided_slice %scan3A_526#5 {offsets = [2], sizes = [1], strides = [1]} : vector<16xf32> to vector<1xf32>
      %squeeze3A_769 = vector.extract %slice3A_768[0] : f32 from vector<1xf32>
      %add3A_770 = arith.addf %add3A_767, %squeeze3A_769 : f32
      %slice3A_771 = vector.extract_strided_slice %scan3A_526#5 {offsets = [3], sizes = [1], strides = [1]} : vector<16xf32> to vector<1xf32>
      %squeeze3A_772 = vector.extract %slice3A_771[0] : f32 from vector<1xf32>
      %add3A_773 = arith.addf %add3A_770, %squeeze3A_772 : f32
      %slice3A_774 = vector.extract_strided_slice %scan3A_526#5 {offsets = [4], sizes = [1], strides = [1]} : vector<16xf32> to vector<1xf32>
      %squeeze3A_775 = vector.extract %slice3A_774[0] : f32 from vector<1xf32>
      %add3A_776 = arith.addf %add3A_773, %squeeze3A_775 : f32
      %slice3A_777 = vector.extract_strided_slice %scan3A_526#5 {offsets = [5], sizes = [1], strides = [1]} : vector<16xf32> to vector<1xf32>
      %squeeze3A_778 = vector.extract %slice3A_777[0] : f32 from vector<1xf32>
      %add3A_779 = arith.addf %add3A_776, %squeeze3A_778 : f32
      %slice3A_780 = vector.extract_strided_slice %scan3A_526#5 {offsets = [6], sizes = [1], strides = [1]} : vector<16xf32> to vector<1xf32>
      %squeeze3A_781 = vector.extract %slice3A_780[0] : f32 from vector<1xf32>
      %add3A_782 = arith.addf %add3A_779, %squeeze3A_781 : f32
      %slice3A_783 = vector.extract_strided_slice %scan3A_526#5 {offsets = [7], sizes = [1], strides = [1]} : vector<16xf32> to vector<1xf32>
      %squeeze3A_784 = vector.extract %slice3A_783[0] : f32 from vector<1xf32>
      %add3A_785 = arith.addf %add3A_782, %squeeze3A_784 : f32
      %slice3A_786 = vector.extract_strided_slice %scan3A_526#5 {offsets = [8], sizes = [1], strides = [1]} : vector<16xf32> to vector<1xf32>
      %squeeze3A_787 = vector.extract %slice3A_786[0] : f32 from vector<1xf32>
      %add3A_788 = arith.addf %add3A_785, %squeeze3A_787 : f32
      %slice3A_789 = vector.extract_strided_slice %scan3A_526#5 {offsets = [9], sizes = [1], strides = [1]} : vector<16xf32> to vector<1xf32>
      %squeeze3A_790 = vector.extract %slice3A_789[0] : f32 from vector<1xf32>
      %add3A_791 = arith.addf %add3A_788, %squeeze3A_790 : f32
      %slice3A_792 = vector.extract_strided_slice %scan3A_526#5 {offsets = [10], sizes = [1], strides = [1]} : vector<16xf32> to vector<1xf32>
      %squeeze3A_793 = vector.extract %slice3A_792[0] : f32 from vector<1xf32>
      %add3A_794 = arith.addf %add3A_791, %squeeze3A_793 : f32
      %slice3A_795 = vector.extract_strided_slice %scan3A_526#5 {offsets = [11], sizes = [1], strides = [1]} : vector<16xf32> to vector<1xf32>
      %squeeze3A_796 = vector.extract %slice3A_795[0] : f32 from vector<1xf32>
      %add3A_797 = arith.addf %add3A_794, %squeeze3A_796 : f32
      %slice3A_798 = vector.extract_strided_slice %scan3A_526#5 {offsets = [12], sizes = [1], strides = [1]} : vector<16xf32> to vector<1xf32>
      %squeeze3A_799 = vector.extract %slice3A_798[0] : f32 from vector<1xf32>
      %add3A_800 = arith.addf %add3A_797, %squeeze3A_799 : f32
      %slice3A_801 = vector.extract_strided_slice %scan3A_526#5 {offsets = [13], sizes = [1], strides = [1]} : vector<16xf32> to vector<1xf32>
      %squeeze3A_802 = vector.extract %slice3A_801[0] : f32 from vector<1xf32>
      %add3A_803 = arith.addf %add3A_800, %squeeze3A_802 : f32
      %slice3A_804 = vector.extract_strided_slice %scan3A_526#5 {offsets = [14], sizes = [1], strides = [1]} : vector<16xf32> to vector<1xf32>
      %squeeze3A_805 = vector.extract %slice3A_804[0] : f32 from vector<1xf32>
      %add3A_806 = arith.addf %add3A_803, %squeeze3A_805 : f32
      %slice3A_807 = vector.extract_strided_slice %scan3A_526#5 {offsets = [15], sizes = [1], strides = [1]} : vector<16xf32> to vector<1xf32>
      %squeeze3A_808 = vector.extract %slice3A_807[0] : f32 from vector<1xf32>
      %add3A_809 = arith.addf %add3A_806, %squeeze3A_808 : f32
      %slice3A_810 = vector.extract_strided_slice %scan3A_526#6 {offsets = [0], sizes = [1], strides = [1]} : vector<16xf32> to vector<1xf32>
      %squeeze3A_811 = vector.extract %slice3A_810[0] : f32 from vector<1xf32>
      %slice3A_812 = vector.extract_strided_slice %scan3A_526#6 {offsets = [1], sizes = [1], strides = [1]} : vector<16xf32> to vector<1xf32>
      %squeeze3A_813 = vector.extract %slice3A_812[0] : f32 from vector<1xf32>
      %add3A_814 = arith.addf %squeeze3A_811, %squeeze3A_813 : f32
      %slice3A_815 = vector.extract_strided_slice %scan3A_526#6 {offsets = [2], sizes = [1], strides = [1]} : vector<16xf32> to vector<1xf32>
      %squeeze3A_816 = vector.extract %slice3A_815[0] : f32 from vector<1xf32>
      %add3A_817 = arith.addf %add3A_814, %squeeze3A_816 : f32
      %slice3A_818 = vector.extract_strided_slice %scan3A_526#6 {offsets = [3], sizes = [1], strides = [1]} : vector<16xf32> to vector<1xf32>
      %squeeze3A_819 = vector.extract %slice3A_818[0] : f32 from vector<1xf32>
      %add3A_820 = arith.addf %add3A_817, %squeeze3A_819 : f32
      %slice3A_821 = vector.extract_strided_slice %scan3A_526#6 {offsets = [4], sizes = [1], strides = [1]} : vector<16xf32> to vector<1xf32>
      %squeeze3A_822 = vector.extract %slice3A_821[0] : f32 from vector<1xf32>
      %add3A_823 = arith.addf %add3A_820, %squeeze3A_822 : f32
      %slice3A_824 = vector.extract_strided_slice %scan3A_526#6 {offsets = [5], sizes = [1], strides = [1]} : vector<16xf32> to vector<1xf32>
      %squeeze3A_825 = vector.extract %slice3A_824[0] : f32 from vector<1xf32>
      %add3A_826 = arith.addf %add3A_823, %squeeze3A_825 : f32
      %slice3A_827 = vector.extract_strided_slice %scan3A_526#6 {offsets = [6], sizes = [1], strides = [1]} : vector<16xf32> to vector<1xf32>
      %squeeze3A_828 = vector.extract %slice3A_827[0] : f32 from vector<1xf32>
      %add3A_829 = arith.addf %add3A_826, %squeeze3A_828 : f32
      %slice3A_830 = vector.extract_strided_slice %scan3A_526#6 {offsets = [7], sizes = [1], strides = [1]} : vector<16xf32> to vector<1xf32>
      %squeeze3A_831 = vector.extract %slice3A_830[0] : f32 from vector<1xf32>
      %add3A_832 = arith.addf %add3A_829, %squeeze3A_831 : f32
      %slice3A_833 = vector.extract_strided_slice %scan3A_526#6 {offsets = [8], sizes = [1], strides = [1]} : vector<16xf32> to vector<1xf32>
      %squeeze3A_834 = vector.extract %slice3A_833[0] : f32 from vector<1xf32>
      %add3A_835 = arith.addf %add3A_832, %squeeze3A_834 : f32
      %slice3A_836 = vector.extract_strided_slice %scan3A_526#6 {offsets = [9], sizes = [1], strides = [1]} : vector<16xf32> to vector<1xf32>
      %squeeze3A_837 = vector.extract %slice3A_836[0] : f32 from vector<1xf32>
      %add3A_838 = arith.addf %add3A_835, %squeeze3A_837 : f32
      %slice3A_839 = vector.extract_strided_slice %scan3A_526#6 {offsets = [10], sizes = [1], strides = [1]} : vector<16xf32> to vector<1xf32>
      %squeeze3A_840 = vector.extract %slice3A_839[0] : f32 from vector<1xf32>
      %add3A_841 = arith.addf %add3A_838, %squeeze3A_840 : f32
      %slice3A_842 = vector.extract_strided_slice %scan3A_526#6 {offsets = [11], sizes = [1], strides = [1]} : vector<16xf32> to vector<1xf32>
      %squeeze3A_843 = vector.extract %slice3A_842[0] : f32 from vector<1xf32>
      %add3A_844 = arith.addf %add3A_841, %squeeze3A_843 : f32
      %slice3A_845 = vector.extract_strided_slice %scan3A_526#6 {offsets = [12], sizes = [1], strides = [1]} : vector<16xf32> to vector<1xf32>
      %squeeze3A_846 = vector.extract %slice3A_845[0] : f32 from vector<1xf32>
      %add3A_847 = arith.addf %add3A_844, %squeeze3A_846 : f32
      %slice3A_848 = vector.extract_strided_slice %scan3A_526#6 {offsets = [13], sizes = [1], strides = [1]} : vector<16xf32> to vector<1xf32>
      %squeeze3A_849 = vector.extract %slice3A_848[0] : f32 from vector<1xf32>
      %add3A_850 = arith.addf %add3A_847, %squeeze3A_849 : f32
      %slice3A_851 = vector.extract_strided_slice %scan3A_526#6 {offsets = [14], sizes = [1], strides = [1]} : vector<16xf32> to vector<1xf32>
      %squeeze3A_852 = vector.extract %slice3A_851[0] : f32 from vector<1xf32>
      %add3A_853 = arith.addf %add3A_850, %squeeze3A_852 : f32
      %slice3A_854 = vector.extract_strided_slice %scan3A_526#6 {offsets = [15], sizes = [1], strides = [1]} : vector<16xf32> to vector<1xf32>
      %squeeze3A_855 = vector.extract %slice3A_854[0] : f32 from vector<1xf32>
      %add3A_856 = arith.addf %add3A_853, %squeeze3A_855 : f32
      %slice3A_857 = vector.extract_strided_slice %scan3A_526#7 {offsets = [0], sizes = [1], strides = [1]} : vector<16xf32> to vector<1xf32>
      %squeeze3A_858 = vector.extract %slice3A_857[0] : f32 from vector<1xf32>
      %slice3A_859 = vector.extract_strided_slice %scan3A_526#7 {offsets = [1], sizes = [1], strides = [1]} : vector<16xf32> to vector<1xf32>
      %squeeze3A_860 = vector.extract %slice3A_859[0] : f32 from vector<1xf32>
      %add3A_861 = arith.addf %squeeze3A_858, %squeeze3A_860 : f32
      %slice3A_862 = vector.extract_strided_slice %scan3A_526#7 {offsets = [2], sizes = [1], strides = [1]} : vector<16xf32> to vector<1xf32>
      %squeeze3A_863 = vector.extract %slice3A_862[0] : f32 from vector<1xf32>
      %add3A_864 = arith.addf %add3A_861, %squeeze3A_863 : f32
      %slice3A_865 = vector.extract_strided_slice %scan3A_526#7 {offsets = [3], sizes = [1], strides = [1]} : vector<16xf32> to vector<1xf32>
      %squeeze3A_866 = vector.extract %slice3A_865[0] : f32 from vector<1xf32>
      %add3A_867 = arith.addf %add3A_864, %squeeze3A_866 : f32
      %slice3A_868 = vector.extract_strided_slice %scan3A_526#7 {offsets = [4], sizes = [1], strides = [1]} : vector<16xf32> to vector<1xf32>
      %squeeze3A_869 = vector.extract %slice3A_868[0] : f32 from vector<1xf32>
      %add3A_870 = arith.addf %add3A_867, %squeeze3A_869 : f32
      %slice3A_871 = vector.extract_strided_slice %scan3A_526#7 {offsets = [5], sizes = [1], strides = [1]} : vector<16xf32> to vector<1xf32>
      %squeeze3A_872 = vector.extract %slice3A_871[0] : f32 from vector<1xf32>
      %add3A_873 = arith.addf %add3A_870, %squeeze3A_872 : f32
      %slice3A_874 = vector.extract_strided_slice %scan3A_526#7 {offsets = [6], sizes = [1], strides = [1]} : vector<16xf32> to vector<1xf32>
      %squeeze3A_875 = vector.extract %slice3A_874[0] : f32 from vector<1xf32>
      %add3A_876 = arith.addf %add3A_873, %squeeze3A_875 : f32
      %slice3A_877 = vector.extract_strided_slice %scan3A_526#7 {offsets = [7], sizes = [1], strides = [1]} : vector<16xf32> to vector<1xf32>
      %squeeze3A_878 = vector.extract %slice3A_877[0] : f32 from vector<1xf32>
      %add3A_879 = arith.addf %add3A_876, %squeeze3A_878 : f32
      %slice3A_880 = vector.extract_strided_slice %scan3A_526#7 {offsets = [8], sizes = [1], strides = [1]} : vector<16xf32> to vector<1xf32>
      %squeeze3A_881 = vector.extract %slice3A_880[0] : f32 from vector<1xf32>
      %add3A_882 = arith.addf %add3A_879, %squeeze3A_881 : f32
      %slice3A_883 = vector.extract_strided_slice %scan3A_526#7 {offsets = [9], sizes = [1], strides = [1]} : vector<16xf32> to vector<1xf32>
      %squeeze3A_884 = vector.extract %slice3A_883[0] : f32 from vector<1xf32>
      %add3A_885 = arith.addf %add3A_882, %squeeze3A_884 : f32
      %slice3A_886 = vector.extract_strided_slice %scan3A_526#7 {offsets = [10], sizes = [1], strides = [1]} : vector<16xf32> to vector<1xf32>
      %squeeze3A_887 = vector.extract %slice3A_886[0] : f32 from vector<1xf32>
      %add3A_888 = arith.addf %add3A_885, %squeeze3A_887 : f32
      %slice3A_889 = vector.extract_strided_slice %scan3A_526#7 {offsets = [11], sizes = [1], strides = [1]} : vector<16xf32> to vector<1xf32>
      %squeeze3A_890 = vector.extract %slice3A_889[0] : f32 from vector<1xf32>
      %add3A_891 = arith.addf %add3A_888, %squeeze3A_890 : f32
      %slice3A_892 = vector.extract_strided_slice %scan3A_526#7 {offsets = [12], sizes = [1], strides = [1]} : vector<16xf32> to vector<1xf32>
      %squeeze3A_893 = vector.extract %slice3A_892[0] : f32 from vector<1xf32>
      %add3A_894 = arith.addf %add3A_891, %squeeze3A_893 : f32
      %slice3A_895 = vector.extract_strided_slice %scan3A_526#7 {offsets = [13], sizes = [1], strides = [1]} : vector<16xf32> to vector<1xf32>
      %squeeze3A_896 = vector.extract %slice3A_895[0] : f32 from vector<1xf32>
      %add3A_897 = arith.addf %add3A_894, %squeeze3A_896 : f32
      %slice3A_898 = vector.extract_strided_slice %scan3A_526#7 {offsets = [14], sizes = [1], strides = [1]} : vector<16xf32> to vector<1xf32>
      %squeeze3A_899 = vector.extract %slice3A_898[0] : f32 from vector<1xf32>
      %add3A_900 = arith.addf %add3A_897, %squeeze3A_899 : f32
      %slice3A_901 = vector.extract_strided_slice %scan3A_526#7 {offsets = [15], sizes = [1], strides = [1]} : vector<16xf32> to vector<1xf32>
      %squeeze3A_902 = vector.extract %slice3A_901[0] : f32 from vector<1xf32>
      %add3A_903 = arith.addf %add3A_900, %squeeze3A_902 : f32
      %lt3A_904 = arith.constant 15 : i32
      %lt3A_905 = arith.cmpi slt, %scan3A_84, %lt3A_904 : i32
      %convert_element_type3A_906 = arith.extui %lt3A_905 : i1 to i32
      %cond3A_907 = arith.constant 0 : i32
      %cond3A_908 = arith.cmpi ne, %convert_element_type3A_906, %cond3A_907 : i32
      scf.if %cond3A_908 {
        %add3A_1044 = arith.constant 3 : i32
        %add3A_1045 = arith.addi %mul3A_86, %add3A_1044 : i32
        %mul3A_1046 = arith.constant 8 : i32
        %mul3A_1047 = arith.muli %add3A_1045, %mul3A_1046 : i32
        %add3A_1048 = arith.addi %mul3A_0, %mul3A_1047 : i32
        %dma_start3A_1049 = arith.constant 0 : i32
        %dma_start3A_1050 = tpu.memref_slice %arg2[%arg1, %add3A_1048, %dma_start3A_1049] : memref<16x512x4096xf32, #tpu.memory_space<hbm>> -> memref<1x8x4096xf32, #tpu.memory_space<hbm>>
        %dma_start3A_1051 = tpu.memref_squeeze %dma_start3A_1050 : memref<1x8x4096xf32, #tpu.memory_space<hbm>> -> memref<8x4096xf32, #tpu.memory_space<hbm>>
        %dma_start3A_1052 = arith.constant 0 : i32
        %dma_start3A_1053 = tpu.memref_slice %arg2[%arg1, %add3A_1048, %dma_start3A_1052] : memref<16x512x4096xf32, #tpu.memory_space<hbm>> -> memref<1x8x4096xf32, #tpu.memory_space<hbm>>
        %dma_start3A_1054 = tpu.memref_squeeze %dma_start3A_1053 : memref<1x8x4096xf32, #tpu.memory_space<hbm>> -> memref<8x4096xf32, #tpu.memory_space<hbm>>
        tpu.enqueue_dma source(%dma_start3A_1054 : memref<8x4096xf32, #tpu.memory_space<hbm>>) target(%arg6 : memref<8x4096xf32, #tpu.memory_space<vmem>>) target_semaphore(%arg10 : memref<!tpu.dma_semaphore, #tpu.memory_space<semaphore_mem>>)
      } else {
      }
      %broadcast_in_dim3A_909 = arith.constant 0.000000e+00 : f32
      %broadcast_in_dim3A_910 = vector.broadcast %broadcast_in_dim3A_909 : f32 to vector<16xf32>
      %eq3A = arith.constant 0 : i32
      %eq3A_911 = vector.broadcast %eq3A : i32 to vector<16xi32>
      %eq3A_912 = arith.cmpi eq, %iota3A, %eq3A_911 : vector<16xi32>
      %broadcast_in_dim3A_913 = arith.constant 0.000000e+00 : f32
      %broadcast_in_dim3A_914 = vector.broadcast %broadcast_in_dim3A_913 : f32 to vector<16xf32>
      %add3A_915 = vector.broadcast %add3A_163 : f32 to vector<16xf32>
      %add3A_916 = arith.addf %broadcast_in_dim3A_914, %add3A_915 : vector<16xf32>
      %select_n3A_917 = arith.select %eq3A_912, %add3A_916, %broadcast_in_dim3A_910 : vector<16xi1>, vector<16xf32>
      %eq3A_918 = arith.constant 1 : i32
      %eq3A_919 = vector.broadcast %eq3A_918 : i32 to vector<16xi32>
      %eq3A_920 = arith.cmpi eq, %iota3A, %eq3A_919 : vector<16xi32>
      %broadcast_in_dim3A_921 = arith.constant 0.000000e+00 : f32
      %broadcast_in_dim3A_922 = vector.broadcast %broadcast_in_dim3A_921 : f32 to vector<16xf32>
      %add3A_923 = vector.broadcast %add3A_210 : f32 to vector<16xf32>
      %add3A_924 = arith.addf %broadcast_in_dim3A_922, %add3A_923 : vector<16xf32>
      %select_n3A_925 = arith.select %eq3A_920, %add3A_924, %select_n3A_917 : vector<16xi1>, vector<16xf32>
      %eq3A_926 = arith.constant 2 : i32
      %eq3A_927 = vector.broadcast %eq3A_926 : i32 to vector<16xi32>
      %eq3A_928 = arith.cmpi eq, %iota3A, %eq3A_927 : vector<16xi32>
      %broadcast_in_dim3A_929 = arith.constant 0.000000e+00 : f32
      %broadcast_in_dim3A_930 = vector.broadcast %broadcast_in_dim3A_929 : f32 to vector<16xf32>
      %add3A_931 = vector.broadcast %add3A_257 : f32 to vector<16xf32>
      %add3A_932 = arith.addf %broadcast_in_dim3A_930, %add3A_931 : vector<16xf32>
      %select_n3A_933 = arith.select %eq3A_928, %add3A_932, %select_n3A_925 : vector<16xi1>, vector<16xf32>
      %eq3A_934 = arith.constant 3 : i32
      %eq3A_935 = vector.broadcast %eq3A_934 : i32 to vector<16xi32>
      %eq3A_936 = arith.cmpi eq, %iota3A, %eq3A_935 : vector<16xi32>
      %broadcast_in_dim3A_937 = arith.constant 0.000000e+00 : f32
      %broadcast_in_dim3A_938 = vector.broadcast %broadcast_in_dim3A_937 : f32 to vector<16xf32>
      %add3A_939 = vector.broadcast %add3A_304 : f32 to vector<16xf32>
      %add3A_940 = arith.addf %broadcast_in_dim3A_938, %add3A_939 : vector<16xf32>
      %select_n3A_941 = arith.select %eq3A_936, %add3A_940, %select_n3A_933 : vector<16xi1>, vector<16xf32>
      %eq3A_942 = arith.constant 4 : i32
      %eq3A_943 = vector.broadcast %eq3A_942 : i32 to vector<16xi32>
      %eq3A_944 = arith.cmpi eq, %iota3A, %eq3A_943 : vector<16xi32>
      %broadcast_in_dim3A_945 = arith.constant 0.000000e+00 : f32
      %broadcast_in_dim3A_946 = vector.broadcast %broadcast_in_dim3A_945 : f32 to vector<16xf32>
      %add3A_947 = vector.broadcast %add3A_351 : f32 to vector<16xf32>
      %add3A_948 = arith.addf %broadcast_in_dim3A_946, %add3A_947 : vector<16xf32>
      %select_n3A_949 = arith.select %eq3A_944, %add3A_948, %select_n3A_941 : vector<16xi1>, vector<16xf32>
      %eq3A_950 = arith.constant 5 : i32
      %eq3A_951 = vector.broadcast %eq3A_950 : i32 to vector<16xi32>
      %eq3A_952 = arith.cmpi eq, %iota3A, %eq3A_951 : vector<16xi32>
      %broadcast_in_dim3A_953 = arith.constant 0.000000e+00 : f32
      %broadcast_in_dim3A_954 = vector.broadcast %broadcast_in_dim3A_953 : f32 to vector<16xf32>
      %add3A_955 = vector.broadcast %add3A_398 : f32 to vector<16xf32>
      %add3A_956 = arith.addf %broadcast_in_dim3A_954, %add3A_955 : vector<16xf32>
      %select_n3A_957 = arith.select %eq3A_952, %add3A_956, %select_n3A_949 : vector<16xi1>, vector<16xf32>
      %eq3A_958 = arith.constant 6 : i32
      %eq3A_959 = vector.broadcast %eq3A_958 : i32 to vector<16xi32>
      %eq3A_960 = arith.cmpi eq, %iota3A, %eq3A_959 : vector<16xi32>
      %broadcast_in_dim3A_961 = arith.constant 0.000000e+00 : f32
      %broadcast_in_dim3A_962 = vector.broadcast %broadcast_in_dim3A_961 : f32 to vector<16xf32>
      %add3A_963 = vector.broadcast %add3A_445 : f32 to vector<16xf32>
      %add3A_964 = arith.addf %broadcast_in_dim3A_962, %add3A_963 : vector<16xf32>
      %select_n3A_965 = arith.select %eq3A_960, %add3A_964, %select_n3A_957 : vector<16xi1>, vector<16xf32>
      %eq3A_966 = arith.constant 7 : i32
      %eq3A_967 = vector.broadcast %eq3A_966 : i32 to vector<16xi32>
      %eq3A_968 = arith.cmpi eq, %iota3A, %eq3A_967 : vector<16xi32>
      %broadcast_in_dim3A_969 = arith.constant 0.000000e+00 : f32
      %broadcast_in_dim3A_970 = vector.broadcast %broadcast_in_dim3A_969 : f32 to vector<16xf32>
      %add3A_971 = vector.broadcast %add3A_492 : f32 to vector<16xf32>
      %add3A_972 = arith.addf %broadcast_in_dim3A_970, %add3A_971 : vector<16xf32>
      %select_n3A_973 = arith.select %eq3A_968, %add3A_972, %select_n3A_965 : vector<16xi1>, vector<16xf32>
      %eq3A_974 = arith.constant 8 : i32
      %eq3A_975 = vector.broadcast %eq3A_974 : i32 to vector<16xi32>
      %eq3A_976 = arith.cmpi eq, %iota3A, %eq3A_975 : vector<16xi32>
      %broadcast_in_dim3A_977 = arith.constant 0.000000e+00 : f32
      %broadcast_in_dim3A_978 = vector.broadcast %broadcast_in_dim3A_977 : f32 to vector<16xf32>
      %add3A_979 = vector.broadcast %add3A_574 : f32 to vector<16xf32>
      %add3A_980 = arith.addf %broadcast_in_dim3A_978, %add3A_979 : vector<16xf32>
      %select_n3A_981 = arith.select %eq3A_976, %add3A_980, %select_n3A_973 : vector<16xi1>, vector<16xf32>
      %eq3A_982 = arith.constant 9 : i32
      %eq3A_983 = vector.broadcast %eq3A_982 : i32 to vector<16xi32>
      %eq3A_984 = arith.cmpi eq, %iota3A, %eq3A_983 : vector<16xi32>
      %broadcast_in_dim3A_985 = arith.constant 0.000000e+00 : f32
      %broadcast_in_dim3A_986 = vector.broadcast %broadcast_in_dim3A_985 : f32 to vector<16xf32>
      %add3A_987 = vector.broadcast %add3A_621 : f32 to vector<16xf32>
      %add3A_988 = arith.addf %broadcast_in_dim3A_986, %add3A_987 : vector<16xf32>
      %select_n3A_989 = arith.select %eq3A_984, %add3A_988, %select_n3A_981 : vector<16xi1>, vector<16xf32>
      %eq3A_990 = arith.constant 10 : i32
      %eq3A_991 = vector.broadcast %eq3A_990 : i32 to vector<16xi32>
      %eq3A_992 = arith.cmpi eq, %iota3A, %eq3A_991 : vector<16xi32>
      %broadcast_in_dim3A_993 = arith.constant 0.000000e+00 : f32
      %broadcast_in_dim3A_994 = vector.broadcast %broadcast_in_dim3A_993 : f32 to vector<16xf32>
      %add3A_995 = vector.broadcast %add3A_668 : f32 to vector<16xf32>
      %add3A_996 = arith.addf %broadcast_in_dim3A_994, %add3A_995 : vector<16xf32>
      %select_n3A_997 = arith.select %eq3A_992, %add3A_996, %select_n3A_989 : vector<16xi1>, vector<16xf32>
      %eq3A_998 = arith.constant 11 : i32
      %eq3A_999 = vector.broadcast %eq3A_998 : i32 to vector<16xi32>
      %eq3A_1000 = arith.cmpi eq, %iota3A, %eq3A_999 : vector<16xi32>
      %broadcast_in_dim3A_1001 = arith.constant 0.000000e+00 : f32
      %broadcast_in_dim3A_1002 = vector.broadcast %broadcast_in_dim3A_1001 : f32 to vector<16xf32>
      %add3A_1003 = vector.broadcast %add3A_715 : f32 to vector<16xf32>
      %add3A_1004 = arith.addf %broadcast_in_dim3A_1002, %add3A_1003 : vector<16xf32>
      %select_n3A_1005 = arith.select %eq3A_1000, %add3A_1004, %select_n3A_997 : vector<16xi1>, vector<16xf32>
      %eq3A_1006 = arith.constant 12 : i32
      %eq3A_1007 = vector.broadcast %eq3A_1006 : i32 to vector<16xi32>
      %eq3A_1008 = arith.cmpi eq, %iota3A, %eq3A_1007 : vector<16xi32>
      %broadcast_in_dim3A_1009 = arith.constant 0.000000e+00 : f32
      %broadcast_in_dim3A_1010 = vector.broadcast %broadcast_in_dim3A_1009 : f32 to vector<16xf32>
      %add3A_1011 = vector.broadcast %add3A_762 : f32 to vector<16xf32>
      %add3A_1012 = arith.addf %broadcast_in_dim3A_1010, %add3A_1011 : vector<16xf32>
      %select_n3A_1013 = arith.select %eq3A_1008, %add3A_1012, %select_n3A_1005 : vector<16xi1>, vector<16xf32>
      %eq3A_1014 = arith.constant 13 : i32
      %eq3A_1015 = vector.broadcast %eq3A_1014 : i32 to vector<16xi32>
      %eq3A_1016 = arith.cmpi eq, %iota3A, %eq3A_1015 : vector<16xi32>
      %broadcast_in_dim3A_1017 = arith.constant 0.000000e+00 : f32
      %broadcast_in_dim3A_1018 = vector.broadcast %broadcast_in_dim3A_1017 : f32 to vector<16xf32>
      %add3A_1019 = vector.broadcast %add3A_809 : f32 to vector<16xf32>
      %add3A_1020 = arith.addf %broadcast_in_dim3A_1018, %add3A_1019 : vector<16xf32>
      %select_n3A_1021 = arith.select %eq3A_1016, %add3A_1020, %select_n3A_1013 : vector<16xi1>, vector<16xf32>
      %eq3A_1022 = arith.constant 14 : i32
      %eq3A_1023 = vector.broadcast %eq3A_1022 : i32 to vector<16xi32>
      %eq3A_1024 = arith.cmpi eq, %iota3A, %eq3A_1023 : vector<16xi32>
      %broadcast_in_dim3A_1025 = arith.constant 0.000000e+00 : f32
      %broadcast_in_dim3A_1026 = vector.broadcast %broadcast_in_dim3A_1025 : f32 to vector<16xf32>
      %add3A_1027 = vector.broadcast %add3A_856 : f32 to vector<16xf32>
      %add3A_1028 = arith.addf %broadcast_in_dim3A_1026, %add3A_1027 : vector<16xf32>
      %select_n3A_1029 = arith.select %eq3A_1024, %add3A_1028, %select_n3A_1021 : vector<16xi1>, vector<16xf32>
      %eq3A_1030 = arith.constant 15 : i32
      %eq3A_1031 = vector.broadcast %eq3A_1030 : i32 to vector<16xi32>
      %eq3A_1032 = arith.cmpi eq, %iota3A, %eq3A_1031 : vector<16xi32>
      %broadcast_in_dim3A_1033 = arith.constant 0.000000e+00 : f32
      %broadcast_in_dim3A_1034 = vector.broadcast %broadcast_in_dim3A_1033 : f32 to vector<16xf32>
      %add3A_1035 = vector.broadcast %add3A_903 : f32 to vector<16xf32>
      %add3A_1036 = arith.addf %broadcast_in_dim3A_1034, %add3A_1035 : vector<16xf32>
      %select_n3A_1037 = arith.select %eq3A_1032, %add3A_1036, %select_n3A_1029 : vector<16xi1>, vector<16xf32>
      %mul3A_1038 = arith.mulf %select_n3A_1037, %select_n3A : vector<16xf32>
      %mul3A_1039 = arith.constant 16 : i32
      %mul3A_1040 = arith.muli %scan3A_84, %mul3A_1039 : i32
      %swap3A = arith.index_cast %mul3A_1040 : i32 to index
      %swap3A_1041 = tpu.vector_load %arg8[%swap3A] {strides = array<i32>} : memref<256xf32, #tpu.memory_space<vmem>>, vector<16xf32>,
      %swap3A_1042 = vector.shape_cast %swap3A_1041 : vector<16xf32> to vector<16xf32>
      %swap3A_1043 = vector.shape_cast %mul3A_1038 : vector<16xf32> to vector<16xf32>
      tpu.vector_store %arg8[%swap3A], %swap3A_1043 {strides = array<i32>} : memref<256xf32, #tpu.memory_space<vmem>>, vector<16xf32>,
    }
    %scan3A_83 = arith.constant 16 : i32
    "tpu.region"() ({
      %run_scoped3A = tpu.sem_alloc : memref<!tpu.dma_semaphore, #tpu.memory_space<semaphore_mem>>
      %dma_start3A_84 = tpu.memref_slice %arg4[%arg1, %mul3A_0] : memref<16x512xf32, #tpu.memory_space<hbm>> -> memref<1x256xf32, #tpu.memory_space<hbm>>
      %dma_start3A_85 = tpu.memref_squeeze %dma_start3A_84 : memref<1x256xf32, #tpu.memory_space<hbm>> -> memref<256xf32, #tpu.memory_space<hbm>>
      %dma_start3A_86 = tpu.memref_slice %arg4[%arg1, %mul3A_0] : memref<16x512xf32, #tpu.memory_space<hbm>> -> memref<1x256xf32, #tpu.memory_space<hbm>>
      %dma_start3A_87 = tpu.memref_squeeze %dma_start3A_86 : memref<1x256xf32, #tpu.memory_space<hbm>> -> memref<256xf32, #tpu.memory_space<hbm>>
      tpu.enqueue_dma source(%arg8 : memref<256xf32, #tpu.memory_space<vmem>>) target(%dma_start3A_87 : memref<256xf32, #tpu.memory_space<hbm>>) target_semaphore(%run_scoped3A : memref<!tpu.dma_semaphore, #tpu.memory_space<semaphore_mem>>)
      %dma_wait3A = tpu.memref_slice %arg4[%arg1, %mul3A_0] : memref<16x512xf32, #tpu.memory_space<hbm>> -> memref<1x256xf32, #tpu.memory_space<hbm>>
      %dma_wait3A_88 = tpu.memref_squeeze %dma_wait3A : memref<1x256xf32, #tpu.memory_space<hbm>> -> memref<256xf32, #tpu.memory_space<hbm>>
      %dma_wait3A_89 = tpu.memref_slice %arg4[%arg1, %mul3A_0] : memref<16x512xf32, #tpu.memory_space<hbm>> -> memref<1x256xf32, #tpu.memory_space<hbm>>
      %dma_wait3A_90 = tpu.memref_squeeze %dma_wait3A_89 : memref<1x256xf32, #tpu.memory_space<hbm>> -> memref<256xf32, #tpu.memory_space<hbm>>
      tpu.wait_dma2 semaphore(%run_scoped3A : memref<!tpu.dma_semaphore, #tpu.memory_space<semaphore_mem>>) src(%arg8 : memref<256xf32, #tpu.memory_space<vmem>>) dst(%dma_wait3A_90 : memref<256xf32, #tpu.memory_space<hbm>>)
      tpu.yield
    }) : () -> ()
    return
  }
}

module attributes {stable_mosaic.version = 14 : i64} {
  func.func @_fused_body(%arg0: i32, %arg1: memref<1x1x512xf32, #tpu.memory_space<vmem>>, %arg2: memref<512x512xf32, #tpu.memory_space<vmem>>, %arg3: memref<1x1x4096xf32, #tpu.memory_space<vmem>>, %arg4: memref<512x64xf32, #tpu.memory_space<vmem>>, %arg5: memref<512x1xf32, #tpu.memory_space<vmem>>, %arg6: memref<1x512xf32, #tpu.memory_space<vmem>>, %arg7: memref<1x1xf32, #tpu.memory_space<vmem>>, %arg8: memref<1x256x4096xf32, #tpu.memory_space<vmem>>, %arg9: memref<1x256x4096xf32, #tpu.memory_space<vmem>>, %arg10: memref<1x1x4096xf32, #tpu.memory_space<vmem>>, %arg11: memref<1x1x4096xf32, #tpu.memory_space<vmem>>, %arg12: memref<1x1x4096xf32, #tpu.memory_space<vmem>>, %arg13: memref<1x1x4096xf32, #tpu.memory_space<vmem>>, %arg14: memref<1x1x4096xf32, #tpu.memory_space<vmem>>, %arg15: memref<1x1x4096xf32, #tpu.memory_space<vmem>>, %arg16: memref<64x4096xf32, #tpu.memory_space<vmem>>) attributes {dimension_semantics = [#tpu.dimension_semantics<parallel>], iteration_bounds = array<i64: 16>, scalar_prefetch = 0 : i64, scratch_operands = 1 : i64, tpu.core_type = #tpu.core_type<tc>, window_params = [{transform_indices = @transform_0, window_bounds = array<i64: 1, 1, 512>}, {pipeline_mode = #tpu.pipeline_mode<synchronous>, transform_indices = @transform_1, window_bounds = array<i64: 512, 512>}, {transform_indices = @transform_2, window_bounds = array<i64: 1, 1, 4096>}, {pipeline_mode = #tpu.pipeline_mode<synchronous>, transform_indices = @transform_3, window_bounds = array<i64: 512, 64>}, {pipeline_mode = #tpu.pipeline_mode<synchronous>, transform_indices = @transform_4, window_bounds = array<i64: 512, 1>}, {pipeline_mode = #tpu.pipeline_mode<synchronous>, transform_indices = @transform_5, window_bounds = array<i64: 1, 512>}, {pipeline_mode = #tpu.pipeline_mode<synchronous>, transform_indices = @transform_6, window_bounds = array<i64: 1, 1>}, {transform_indices = @transform_7, window_bounds = array<i64: 1, 256, 4096>}, {transform_indices = @transform_8, window_bounds = array<i64: 1, 256, 4096>}, {transform_indices = @transform_9, window_bounds = array<i64: 1, 1, 4096>}, {transform_indices = @transform_10, window_bounds = array<i64: 1, 1, 4096>}, {transform_indices = @transform_11, window_bounds = array<i64: 1, 1, 4096>}, {transform_indices = @transform_12, window_bounds = array<i64: 1, 1, 4096>}, {transform_indices = @transform_13, window_bounds = array<i64: 1, 1, 4096>}, {transform_indices = @transform_14, window_bounds = array<i64: 1, 1, 4096>}]} {
    %iota3A = tpu.iota {dimensions = array<i32: 1>} : vector<1x4096xi32>
    %jit3A = arith.constant 64 : i32
    %div3A = vector.broadcast %jit3A : i32 to vector<1x4096xi32>
    %div3A_0 = arith.divsi %iota3A, %div3A : vector<1x4096xi32>
    %sign3A = arith.constant 0 : i32
    %sign3A_1 = vector.broadcast %sign3A : i32 to vector<1x4096xi32>
    %sign3A_2 = arith.cmpi sgt, %iota3A, %sign3A_1 : vector<1x4096xi32>
    %sign3A_3 = arith.extui %sign3A_2 : vector<1x4096xi1> to vector<1x4096xi32>
    %sign3A_4 = arith.constant 0 : i32
    %sign3A_5 = vector.broadcast %sign3A_4 : i32 to vector<1x4096xi32>
    %sign3A_6 = arith.cmpi slt, %iota3A, %sign3A_5 : vector<1x4096xi32>
    %sign3A_7 = arith.extui %sign3A_6 : vector<1x4096xi1> to vector<1x4096xi32>
    %sign3A_8 = arith.subi %sign3A_3, %sign3A_7 : vector<1x4096xi32>
    %sign3A_9 = arith.constant 0 : i32
    %sign3A_10 = arith.cmpi sgt, %jit3A, %sign3A_9 : i32
    %sign3A_11 = arith.extui %sign3A_10 : i1 to i32
    %sign3A_12 = arith.constant 0 : i32
    %sign3A_13 = arith.cmpi slt, %jit3A, %sign3A_12 : i32
    %sign3A_14 = arith.extui %sign3A_13 : i1 to i32
    %sign3A_15 = arith.subi %sign3A_11, %sign3A_14 : i32
    %ne3A = vector.broadcast %sign3A_15 : i32 to vector<1x4096xi32>
    %ne3A_16 = arith.cmpi ne, %sign3A_8, %ne3A : vector<1x4096xi32>
    %rem3A = vector.broadcast %jit3A : i32 to vector<1x4096xi32>
    %rem3A_17 = arith.remsi %iota3A, %rem3A : vector<1x4096xi32>
    %ne3A_18 = arith.constant 0 : i32
    %ne3A_19 = vector.broadcast %ne3A_18 : i32 to vector<1x4096xi32>
    %ne3A_20 = arith.cmpi ne, %rem3A_17, %ne3A_19 : vector<1x4096xi32>
    %and3A = arith.andi %ne3A_16, %ne3A_20 : vector<1x4096xi1>
    %sub3A = arith.constant 1 : i32
    %sub3A_21 = vector.broadcast %sub3A : i32 to vector<1x4096xi32>
    %sub3A_22 = arith.subi %div3A_0, %sub3A_21 : vector<1x4096xi32>
    %select_n3A = arith.select %and3A, %sub3A_22, %div3A_0 : vector<1x4096xi1>, vector<1x4096xi32>
    %jit3A_23 = arith.constant 64 : i32
    %eq3A = arith.constant 0 : i32
    %eq3A_24 = arith.cmpi eq, %jit3A_23, %eq3A : i32
    %jit3A_25 = arith.constant 1 : i32
    %select_n3A_26 = arith.select %eq3A_24, %jit3A_25, %jit3A_23 : i32
    %rem3A_27 = vector.broadcast %select_n3A_26 : i32 to vector<1x4096xi32>
    %rem3A_28 = arith.remsi %iota3A, %rem3A_27 : vector<1x4096xi32>
    %ne3A_29 = arith.constant 0 : i32
    %ne3A_30 = vector.broadcast %ne3A_29 : i32 to vector<1x4096xi32>
    %ne3A_31 = arith.cmpi ne, %rem3A_28, %ne3A_30 : vector<1x4096xi32>
    %lt3A = arith.constant 0 : i32
    %lt3A_32 = vector.broadcast %lt3A : i32 to vector<1x4096xi32>
    %lt3A_33 = arith.cmpi slt, %rem3A_28, %lt3A_32 : vector<1x4096xi32>
    %lt3A_34 = arith.constant 0 : i32
    %lt3A_35 = arith.cmpi slt, %select_n3A_26, %lt3A_34 : i32
    %ne3A_36 = vector.broadcast %lt3A_35 : i1 to vector<1x4096xi1>
    %ne3A_37 = vector.broadcast %ne3A_36 : vector<1x4096xi1> to vector<1x4096xi1>
    %ne3A_38 = arith.xori %lt3A_33, %ne3A_37 : vector<1x4096xi1>
    %and3A_39 = arith.andi %ne3A_38, %ne3A_31 : vector<1x4096xi1>
    %add3A = vector.broadcast %select_n3A_26 : i32 to vector<1x4096xi32>
    %add3A_40 = arith.addi %rem3A_28, %add3A : vector<1x4096xi32>
    %select_n3A_41 = arith.select %and3A_39, %add3A_40, %rem3A_28 : vector<1x4096xi1>, vector<1x4096xi32>
    %add3A_42 = arith.constant -2 : i32
    %add3A_43 = vector.broadcast %add3A_42 : i32 to vector<1x4096xi32>
    %add3A_44 = arith.addi %select_n3A, %add3A_43 : vector<1x4096xi32>
    %ge3A = arith.constant 0 : i32
    %ge3A_45 = vector.broadcast %ge3A : i32 to vector<1x4096xi32>
    %ge3A_46 = arith.cmpi sge, %add3A_44, %ge3A_45 : vector<1x4096xi32>
    %add3A_47 = arith.constant -2 : i32
    %add3A_48 = vector.broadcast %add3A_47 : i32 to vector<1x4096xi32>
    %add3A_49 = arith.addi %select_n3A, %add3A_48 : vector<1x4096xi32>
    %lt3A_50 = arith.constant 64 : i32
    %lt3A_51 = vector.broadcast %lt3A_50 : i32 to vector<1x4096xi32>
    %lt3A_52 = arith.cmpi slt, %add3A_49, %lt3A_51 : vector<1x4096xi32>
    %and3A_53 = arith.andi %ge3A_46, %lt3A_52 : vector<1x4096xi1>
    %convert_element_type3A = arith.extui %and3A_53 : vector<1x4096xi1> to vector<1x4096xi32>
    %convert_element_type3A_54 = arith.sitofp %convert_element_type3A : vector<1x4096xi32> to vector<1x4096xf32>
    %add3A_55 = arith.constant -1 : i32
    %add3A_56 = vector.broadcast %add3A_55 : i32 to vector<1x4096xi32>
    %add3A_57 = arith.addi %select_n3A, %add3A_56 : vector<1x4096xi32>
    %ge3A_58 = arith.constant 0 : i32
    %ge3A_59 = vector.broadcast %ge3A_58 : i32 to vector<1x4096xi32>
    %ge3A_60 = arith.cmpi sge, %add3A_57, %ge3A_59 : vector<1x4096xi32>
    %add3A_61 = arith.constant -1 : i32
    %add3A_62 = vector.broadcast %add3A_61 : i32 to vector<1x4096xi32>
    %add3A_63 = arith.addi %select_n3A, %add3A_62 : vector<1x4096xi32>
    %lt3A_64 = arith.constant 64 : i32
    %lt3A_65 = vector.broadcast %lt3A_64 : i32 to vector<1x4096xi32>
    %lt3A_66 = arith.cmpi slt, %add3A_63, %lt3A_65 : vector<1x4096xi32>
    %and3A_67 = arith.andi %ge3A_60, %lt3A_66 : vector<1x4096xi1>
    %convert_element_type3A_68 = arith.extui %and3A_67 : vector<1x4096xi1> to vector<1x4096xi32>
    %convert_element_type3A_69 = arith.sitofp %convert_element_type3A_68 : vector<1x4096xi32> to vector<1x4096xf32>
    %add3A_70 = arith.constant 0 : i32
    %add3A_71 = vector.broadcast %add3A_70 : i32 to vector<1x4096xi32>
    %add3A_72 = arith.addi %select_n3A, %add3A_71 : vector<1x4096xi32>
    %ge3A_73 = arith.constant 0 : i32
    %ge3A_74 = vector.broadcast %ge3A_73 : i32 to vector<1x4096xi32>
    %ge3A_75 = arith.cmpi sge, %add3A_72, %ge3A_74 : vector<1x4096xi32>
    %add3A_76 = arith.constant 0 : i32
    %add3A_77 = vector.broadcast %add3A_76 : i32 to vector<1x4096xi32>
    %add3A_78 = arith.addi %select_n3A, %add3A_77 : vector<1x4096xi32>
    %lt3A_79 = arith.constant 64 : i32
    %lt3A_80 = vector.broadcast %lt3A_79 : i32 to vector<1x4096xi32>
    %lt3A_81 = arith.cmpi slt, %add3A_78, %lt3A_80 : vector<1x4096xi32>
    %and3A_82 = arith.andi %ge3A_75, %lt3A_81 : vector<1x4096xi1>
    %convert_element_type3A_83 = arith.extui %and3A_82 : vector<1x4096xi1> to vector<1x4096xi32>
    %convert_element_type3A_84 = arith.sitofp %convert_element_type3A_83 : vector<1x4096xi32> to vector<1x4096xf32>
    %add3A_85 = arith.constant 1 : i32
    %add3A_86 = vector.broadcast %add3A_85 : i32 to vector<1x4096xi32>
    %add3A_87 = arith.addi %select_n3A, %add3A_86 : vector<1x4096xi32>
    %ge3A_88 = arith.constant 0 : i32
    %ge3A_89 = vector.broadcast %ge3A_88 : i32 to vector<1x4096xi32>
    %ge3A_90 = arith.cmpi sge, %add3A_87, %ge3A_89 : vector<1x4096xi32>
    %add3A_91 = arith.constant 1 : i32
    %add3A_92 = vector.broadcast %add3A_91 : i32 to vector<1x4096xi32>
    %add3A_93 = arith.addi %select_n3A, %add3A_92 : vector<1x4096xi32>
    %lt3A_94 = arith.constant 64 : i32
    %lt3A_95 = vector.broadcast %lt3A_94 : i32 to vector<1x4096xi32>
    %lt3A_96 = arith.cmpi slt, %add3A_93, %lt3A_95 : vector<1x4096xi32>
    %and3A_97 = arith.andi %ge3A_90, %lt3A_96 : vector<1x4096xi1>
    %convert_element_type3A_98 = arith.extui %and3A_97 : vector<1x4096xi1> to vector<1x4096xi32>
    %convert_element_type3A_99 = arith.sitofp %convert_element_type3A_98 : vector<1x4096xi32> to vector<1x4096xf32>
    %add3A_100 = arith.constant 2 : i32
    %add3A_101 = vector.broadcast %add3A_100 : i32 to vector<1x4096xi32>
    %add3A_102 = arith.addi %select_n3A, %add3A_101 : vector<1x4096xi32>
    %ge3A_103 = arith.constant 0 : i32
    %ge3A_104 = vector.broadcast %ge3A_103 : i32 to vector<1x4096xi32>
    %ge3A_105 = arith.cmpi sge, %add3A_102, %ge3A_104 : vector<1x4096xi32>
    %add3A_106 = arith.constant 2 : i32
    %add3A_107 = vector.broadcast %add3A_106 : i32 to vector<1x4096xi32>
    %add3A_108 = arith.addi %select_n3A, %add3A_107 : vector<1x4096xi32>
    %lt3A_109 = arith.constant 64 : i32
    %lt3A_110 = vector.broadcast %lt3A_109 : i32 to vector<1x4096xi32>
    %lt3A_111 = arith.cmpi slt, %add3A_108, %lt3A_110 : vector<1x4096xi32>
    %and3A_112 = arith.andi %ge3A_105, %lt3A_111 : vector<1x4096xi1>
    %convert_element_type3A_113 = arith.extui %and3A_112 : vector<1x4096xi1> to vector<1x4096xi32>
    %convert_element_type3A_114 = arith.sitofp %convert_element_type3A_113 : vector<1x4096xi32> to vector<1x4096xf32>
    %add3A_115 = arith.constant -2 : i32
    %add3A_116 = vector.broadcast %add3A_115 : i32 to vector<1x4096xi32>
    %add3A_117 = arith.addi %select_n3A_41, %add3A_116 : vector<1x4096xi32>
    %ge3A_118 = arith.constant 0 : i32
    %ge3A_119 = vector.broadcast %ge3A_118 : i32 to vector<1x4096xi32>
    %ge3A_120 = arith.cmpi sge, %add3A_117, %ge3A_119 : vector<1x4096xi32>
    %add3A_121 = arith.constant -2 : i32
    %add3A_122 = vector.broadcast %add3A_121 : i32 to vector<1x4096xi32>
    %add3A_123 = arith.addi %select_n3A_41, %add3A_122 : vector<1x4096xi32>
    %lt3A_124 = arith.constant 64 : i32
    %lt3A_125 = vector.broadcast %lt3A_124 : i32 to vector<1x4096xi32>
    %lt3A_126 = arith.cmpi slt, %add3A_123, %lt3A_125 : vector<1x4096xi32>
    %and3A_127 = arith.andi %ge3A_120, %lt3A_126 : vector<1x4096xi1>
    %convert_element_type3A_128 = arith.extui %and3A_127 : vector<1x4096xi1> to vector<1x4096xi32>
    %convert_element_type3A_129 = arith.sitofp %convert_element_type3A_128 : vector<1x4096xi32> to vector<1x4096xf32>
    %add3A_130 = arith.constant -1 : i32
    %add3A_131 = vector.broadcast %add3A_130 : i32 to vector<1x4096xi32>
    %add3A_132 = arith.addi %select_n3A_41, %add3A_131 : vector<1x4096xi32>
    %ge3A_133 = arith.constant 0 : i32
    %ge3A_134 = vector.broadcast %ge3A_133 : i32 to vector<1x4096xi32>
    %ge3A_135 = arith.cmpi sge, %add3A_132, %ge3A_134 : vector<1x4096xi32>
    %add3A_136 = arith.constant -1 : i32
    %add3A_137 = vector.broadcast %add3A_136 : i32 to vector<1x4096xi32>
    %add3A_138 = arith.addi %select_n3A_41, %add3A_137 : vector<1x4096xi32>
    %lt3A_139 = arith.constant 64 : i32
    %lt3A_140 = vector.broadcast %lt3A_139 : i32 to vector<1x4096xi32>
    %lt3A_141 = arith.cmpi slt, %add3A_138, %lt3A_140 : vector<1x4096xi32>
    %and3A_142 = arith.andi %ge3A_135, %lt3A_141 : vector<1x4096xi1>
    %convert_element_type3A_143 = arith.extui %and3A_142 : vector<1x4096xi1> to vector<1x4096xi32>
    %convert_element_type3A_144 = arith.sitofp %convert_element_type3A_143 : vector<1x4096xi32> to vector<1x4096xf32>
    %add3A_145 = arith.constant 0 : i32
    %add3A_146 = vector.broadcast %add3A_145 : i32 to vector<1x4096xi32>
    %add3A_147 = arith.addi %select_n3A_41, %add3A_146 : vector<1x4096xi32>
    %ge3A_148 = arith.constant 0 : i32
    %ge3A_149 = vector.broadcast %ge3A_148 : i32 to vector<1x4096xi32>
    %ge3A_150 = arith.cmpi sge, %add3A_147, %ge3A_149 : vector<1x4096xi32>
    %add3A_151 = arith.constant 0 : i32
    %add3A_152 = vector.broadcast %add3A_151 : i32 to vector<1x4096xi32>
    %add3A_153 = arith.addi %select_n3A_41, %add3A_152 : vector<1x4096xi32>
    %lt3A_154 = arith.constant 64 : i32
    %lt3A_155 = vector.broadcast %lt3A_154 : i32 to vector<1x4096xi32>
    %lt3A_156 = arith.cmpi slt, %add3A_153, %lt3A_155 : vector<1x4096xi32>
    %and3A_157 = arith.andi %ge3A_150, %lt3A_156 : vector<1x4096xi1>
    %convert_element_type3A_158 = arith.extui %and3A_157 : vector<1x4096xi1> to vector<1x4096xi32>
    %convert_element_type3A_159 = arith.sitofp %convert_element_type3A_158 : vector<1x4096xi32> to vector<1x4096xf32>
    %add3A_160 = arith.constant 1 : i32
    %add3A_161 = vector.broadcast %add3A_160 : i32 to vector<1x4096xi32>
    %add3A_162 = arith.addi %select_n3A_41, %add3A_161 : vector<1x4096xi32>
    %ge3A_163 = arith.constant 0 : i32
    %ge3A_164 = vector.broadcast %ge3A_163 : i32 to vector<1x4096xi32>
    %ge3A_165 = arith.cmpi sge, %add3A_162, %ge3A_164 : vector<1x4096xi32>
    %add3A_166 = arith.constant 1 : i32
    %add3A_167 = vector.broadcast %add3A_166 : i32 to vector<1x4096xi32>
    %add3A_168 = arith.addi %select_n3A_41, %add3A_167 : vector<1x4096xi32>
    %lt3A_169 = arith.constant 64 : i32
    %lt3A_170 = vector.broadcast %lt3A_169 : i32 to vector<1x4096xi32>
    %lt3A_171 = arith.cmpi slt, %add3A_168, %lt3A_170 : vector<1x4096xi32>
    %and3A_172 = arith.andi %ge3A_165, %lt3A_171 : vector<1x4096xi1>
    %convert_element_type3A_173 = arith.extui %and3A_172 : vector<1x4096xi1> to vector<1x4096xi32>
    %convert_element_type3A_174 = arith.sitofp %convert_element_type3A_173 : vector<1x4096xi32> to vector<1x4096xf32>
    %add3A_175 = arith.constant 2 : i32
    %add3A_176 = vector.broadcast %add3A_175 : i32 to vector<1x4096xi32>
    %add3A_177 = arith.addi %select_n3A_41, %add3A_176 : vector<1x4096xi32>
    %ge3A_178 = arith.constant 0 : i32
    %ge3A_179 = vector.broadcast %ge3A_178 : i32 to vector<1x4096xi32>
    %ge3A_180 = arith.cmpi sge, %add3A_177, %ge3A_179 : vector<1x4096xi32>
    %add3A_181 = arith.constant 2 : i32
    %add3A_182 = vector.broadcast %add3A_181 : i32 to vector<1x4096xi32>
    %add3A_183 = arith.addi %select_n3A_41, %add3A_182 : vector<1x4096xi32>
    %lt3A_184 = arith.constant 64 : i32
    %lt3A_185 = vector.broadcast %lt3A_184 : i32 to vector<1x4096xi32>
    %lt3A_186 = arith.cmpi slt, %add3A_183, %lt3A_185 : vector<1x4096xi32>
    %and3A_187 = arith.andi %ge3A_180, %lt3A_186 : vector<1x4096xi1>
    %convert_element_type3A_188 = arith.extui %and3A_187 : vector<1x4096xi1> to vector<1x4096xi32>
    %convert_element_type3A_189 = arith.sitofp %convert_element_type3A_188 : vector<1x4096xi32> to vector<1x4096xf32>
    %get3A = arith.constant 0 : index
    %get3A_190 = arith.constant 0 : index
    %get3A_191 = arith.constant 0 : index
    %get3A_192 = vector.load %arg3[%get3A, %get3A_190, %get3A_191] : memref<1x1x4096xf32, #tpu.memory_space<vmem>>, vector<1x1x4096xf32>
    %get3A_193 = vector.shape_cast %get3A_192 : vector<1x1x4096xf32> to vector<1x4096xf32>
    %slice3A = vector.extract_strided_slice %get3A_193 {offsets = [0, 3966], sizes = [1, 130], strides = [1, 1]} : vector<1x4096xf32> to vector<1x130xf32>
    %slice3A_194 = vector.extract_strided_slice %get3A_193 {offsets = [0, 0], sizes = [1, 3966], strides = [1, 1]} : vector<1x4096xf32> to vector<1x3966xf32>
    %concatenate3A = tpu.concatenate %slice3A, %slice3A_194 in 1 : vector<1x130xf32>, vector<1x3966xf32> -> vector<1x4096xf32>
    %mul3A = arith.mulf %concatenate3A, %convert_element_type3A_54 : vector<1x4096xf32>
    %mul3A_195 = arith.mulf %mul3A, %convert_element_type3A_129 : vector<1x4096xf32>
    %swap3A = arith.constant 0 : index
    %swap3A_196 = arith.constant 0 : index
    %swap3A_197 = vector.load %arg16[%swap3A, %swap3A_196] : memref<64x4096xf32, #tpu.memory_space<vmem>>, vector<1x4096xf32>
    tpu.vector_store %arg16[%swap3A, %swap3A_196], %mul3A_195 {strides = array<i32>} : memref<64x4096xf32, #tpu.memory_space<vmem>>, vector<1x4096xf32>,
    %slice3A_198 = vector.extract_strided_slice %get3A_193 {offsets = [0, 3967], sizes = [1, 129], strides = [1, 1]} : vector<1x4096xf32> to vector<1x129xf32>
    %slice3A_199 = vector.extract_strided_slice %get3A_193 {offsets = [0, 0], sizes = [1, 3967], strides = [1, 1]} : vector<1x4096xf32> to vector<1x3967xf32>
    %concatenate3A_200 = tpu.concatenate %slice3A_198, %slice3A_199 in 1 : vector<1x129xf32>, vector<1x3967xf32> -> vector<1x4096xf32>
    %mul3A_201 = arith.mulf %concatenate3A_200, %convert_element_type3A_54 : vector<1x4096xf32>
    %mul3A_202 = arith.mulf %mul3A_201, %convert_element_type3A_144 : vector<1x4096xf32>
    %swap3A_203 = arith.constant 1 : index
    %swap3A_204 = arith.constant 0 : index
    %swap3A_205 = vector.load %arg16[%swap3A_203, %swap3A_204] : memref<64x4096xf32, #tpu.memory_space<vmem>>, vector<1x4096xf32>
    tpu.vector_store %arg16[%swap3A_203, %swap3A_204], %mul3A_202 {strides = array<i32>} : memref<64x4096xf32, #tpu.memory_space<vmem>>, vector<1x4096xf32>,
    %slice3A_206 = vector.extract_strided_slice %get3A_193 {offsets = [0, 3968], sizes = [1, 128], strides = [1, 1]} : vector<1x4096xf32> to vector<1x128xf32>
    %slice3A_207 = vector.extract_strided_slice %get3A_193 {offsets = [0, 0], sizes = [1, 3968], strides = [1, 1]} : vector<1x4096xf32> to vector<1x3968xf32>
    %concatenate3A_208 = tpu.concatenate %slice3A_206, %slice3A_207 in 1 : vector<1x128xf32>, vector<1x3968xf32> -> vector<1x4096xf32>
    %mul3A_209 = arith.mulf %concatenate3A_208, %convert_element_type3A_54 : vector<1x4096xf32>
    %mul3A_210 = arith.mulf %mul3A_209, %convert_element_type3A_159 : vector<1x4096xf32>
    %swap3A_211 = arith.constant 2 : index
    %swap3A_212 = arith.constant 0 : index
    %swap3A_213 = vector.load %arg16[%swap3A_211, %swap3A_212] : memref<64x4096xf32, #tpu.memory_space<vmem>>, vector<1x4096xf32>
    tpu.vector_store %arg16[%swap3A_211, %swap3A_212], %mul3A_210 {strides = array<i32>} : memref<64x4096xf32, #tpu.memory_space<vmem>>, vector<1x4096xf32>,
    %slice3A_214 = vector.extract_strided_slice %get3A_193 {offsets = [0, 3969], sizes = [1, 127], strides = [1, 1]} : vector<1x4096xf32> to vector<1x127xf32>
    %slice3A_215 = vector.extract_strided_slice %get3A_193 {offsets = [0, 0], sizes = [1, 3969], strides = [1, 1]} : vector<1x4096xf32> to vector<1x3969xf32>
    %concatenate3A_216 = tpu.concatenate %slice3A_214, %slice3A_215 in 1 : vector<1x127xf32>, vector<1x3969xf32> -> vector<1x4096xf32>
    %mul3A_217 = arith.mulf %concatenate3A_216, %convert_element_type3A_54 : vector<1x4096xf32>
    %mul3A_218 = arith.mulf %mul3A_217, %convert_element_type3A_174 : vector<1x4096xf32>
    %swap3A_219 = arith.constant 3 : index
    %swap3A_220 = arith.constant 0 : index
    %swap3A_221 = vector.load %arg16[%swap3A_219, %swap3A_220] : memref<64x4096xf32, #tpu.memory_space<vmem>>, vector<1x4096xf32>
    tpu.vector_store %arg16[%swap3A_219, %swap3A_220], %mul3A_218 {strides = array<i32>} : memref<64x4096xf32, #tpu.memory_space<vmem>>, vector<1x4096xf32>,
    %slice3A_222 = vector.extract_strided_slice %get3A_193 {offsets = [0, 3970], sizes = [1, 126], strides = [1, 1]} : vector<1x4096xf32> to vector<1x126xf32>
    %slice3A_223 = vector.extract_strided_slice %get3A_193 {offsets = [0, 0], sizes = [1, 3970], strides = [1, 1]} : vector<1x4096xf32> to vector<1x3970xf32>
    %concatenate3A_224 = tpu.concatenate %slice3A_222, %slice3A_223 in 1 : vector<1x126xf32>, vector<1x3970xf32> -> vector<1x4096xf32>
    %mul3A_225 = arith.mulf %concatenate3A_224, %convert_element_type3A_54 : vector<1x4096xf32>
    %mul3A_226 = arith.mulf %mul3A_225, %convert_element_type3A_189 : vector<1x4096xf32>
    %swap3A_227 = arith.constant 4 : index
    %swap3A_228 = arith.constant 0 : index
    %swap3A_229 = vector.load %arg16[%swap3A_227, %swap3A_228] : memref<64x4096xf32, #tpu.memory_space<vmem>>, vector<1x4096xf32>
    tpu.vector_store %arg16[%swap3A_227, %swap3A_228], %mul3A_226 {strides = array<i32>} : memref<64x4096xf32, #tpu.memory_space<vmem>>, vector<1x4096xf32>,
    %slice3A_230 = vector.extract_strided_slice %get3A_193 {offsets = [0, 4030], sizes = [1, 66], strides = [1, 1]} : vector<1x4096xf32> to vector<1x66xf32>
    %slice3A_231 = vector.extract_strided_slice %get3A_193 {offsets = [0, 0], sizes = [1, 4030], strides = [1, 1]} : vector<1x4096xf32> to vector<1x4030xf32>
    %concatenate3A_232 = tpu.concatenate %slice3A_230, %slice3A_231 in 1 : vector<1x66xf32>, vector<1x4030xf32> -> vector<1x4096xf32>
    %mul3A_233 = arith.mulf %concatenate3A_232, %convert_element_type3A_69 : vector<1x4096xf32>
    %mul3A_234 = arith.mulf %mul3A_233, %convert_element_type3A_129 : vector<1x4096xf32>
    %swap3A_235 = arith.constant 5 : index
    %swap3A_236 = arith.constant 0 : index
    %swap3A_237 = vector.load %arg16[%swap3A_235, %swap3A_236] : memref<64x4096xf32, #tpu.memory_space<vmem>>, vector<1x4096xf32>
    tpu.vector_store %arg16[%swap3A_235, %swap3A_236], %mul3A_234 {strides = array<i32>} : memref<64x4096xf32, #tpu.memory_space<vmem>>, vector<1x4096xf32>,
    %slice3A_238 = vector.extract_strided_slice %get3A_193 {offsets = [0, 4031], sizes = [1, 65], strides = [1, 1]} : vector<1x4096xf32> to vector<1x65xf32>
    %slice3A_239 = vector.extract_strided_slice %get3A_193 {offsets = [0, 0], sizes = [1, 4031], strides = [1, 1]} : vector<1x4096xf32> to vector<1x4031xf32>
    %concatenate3A_240 = tpu.concatenate %slice3A_238, %slice3A_239 in 1 : vector<1x65xf32>, vector<1x4031xf32> -> vector<1x4096xf32>
    %mul3A_241 = arith.mulf %concatenate3A_240, %convert_element_type3A_69 : vector<1x4096xf32>
    %mul3A_242 = arith.mulf %mul3A_241, %convert_element_type3A_144 : vector<1x4096xf32>
    %swap3A_243 = arith.constant 6 : index
    %swap3A_244 = arith.constant 0 : index
    %swap3A_245 = vector.load %arg16[%swap3A_243, %swap3A_244] : memref<64x4096xf32, #tpu.memory_space<vmem>>, vector<1x4096xf32>
    tpu.vector_store %arg16[%swap3A_243, %swap3A_244], %mul3A_242 {strides = array<i32>} : memref<64x4096xf32, #tpu.memory_space<vmem>>, vector<1x4096xf32>,
    %slice3A_246 = vector.extract_strided_slice %get3A_193 {offsets = [0, 4032], sizes = [1, 64], strides = [1, 1]} : vector<1x4096xf32> to vector<1x64xf32>
    %slice3A_247 = vector.extract_strided_slice %get3A_193 {offsets = [0, 0], sizes = [1, 4032], strides = [1, 1]} : vector<1x4096xf32> to vector<1x4032xf32>
    %concatenate3A_248 = tpu.concatenate %slice3A_246, %slice3A_247 in 1 : vector<1x64xf32>, vector<1x4032xf32> -> vector<1x4096xf32>
    %mul3A_249 = arith.mulf %concatenate3A_248, %convert_element_type3A_69 : vector<1x4096xf32>
    %mul3A_250 = arith.mulf %mul3A_249, %convert_element_type3A_159 : vector<1x4096xf32>
    %swap3A_251 = arith.constant 7 : index
    %swap3A_252 = arith.constant 0 : index
    %swap3A_253 = vector.load %arg16[%swap3A_251, %swap3A_252] : memref<64x4096xf32, #tpu.memory_space<vmem>>, vector<1x4096xf32>
    tpu.vector_store %arg16[%swap3A_251, %swap3A_252], %mul3A_250 {strides = array<i32>} : memref<64x4096xf32, #tpu.memory_space<vmem>>, vector<1x4096xf32>,
    %slice3A_254 = vector.extract_strided_slice %get3A_193 {offsets = [0, 4033], sizes = [1, 63], strides = [1, 1]} : vector<1x4096xf32> to vector<1x63xf32>
    %slice3A_255 = vector.extract_strided_slice %get3A_193 {offsets = [0, 0], sizes = [1, 4033], strides = [1, 1]} : vector<1x4096xf32> to vector<1x4033xf32>
    %concatenate3A_256 = tpu.concatenate %slice3A_254, %slice3A_255 in 1 : vector<1x63xf32>, vector<1x4033xf32> -> vector<1x4096xf32>
    %mul3A_257 = arith.mulf %concatenate3A_256, %convert_element_type3A_69 : vector<1x4096xf32>
    %mul3A_258 = arith.mulf %mul3A_257, %convert_element_type3A_174 : vector<1x4096xf32>
    %swap3A_259 = arith.constant 8 : index
    %swap3A_260 = arith.constant 0 : index
    %swap3A_261 = vector.load %arg16[%swap3A_259, %swap3A_260] : memref<64x4096xf32, #tpu.memory_space<vmem>>, vector<1x4096xf32>
    tpu.vector_store %arg16[%swap3A_259, %swap3A_260], %mul3A_258 {strides = array<i32>} : memref<64x4096xf32, #tpu.memory_space<vmem>>, vector<1x4096xf32>,
    %slice3A_262 = vector.extract_strided_slice %get3A_193 {offsets = [0, 4034], sizes = [1, 62], strides = [1, 1]} : vector<1x4096xf32> to vector<1x62xf32>
    %slice3A_263 = vector.extract_strided_slice %get3A_193 {offsets = [0, 0], sizes = [1, 4034], strides = [1, 1]} : vector<1x4096xf32> to vector<1x4034xf32>
    %concatenate3A_264 = tpu.concatenate %slice3A_262, %slice3A_263 in 1 : vector<1x62xf32>, vector<1x4034xf32> -> vector<1x4096xf32>
    %mul3A_265 = arith.mulf %concatenate3A_264, %convert_element_type3A_69 : vector<1x4096xf32>
    %mul3A_266 = arith.mulf %mul3A_265, %convert_element_type3A_189 : vector<1x4096xf32>
    %swap3A_267 = arith.constant 9 : index
    %swap3A_268 = arith.constant 0 : index
    %swap3A_269 = vector.load %arg16[%swap3A_267, %swap3A_268] : memref<64x4096xf32, #tpu.memory_space<vmem>>, vector<1x4096xf32>
    tpu.vector_store %arg16[%swap3A_267, %swap3A_268], %mul3A_266 {strides = array<i32>} : memref<64x4096xf32, #tpu.memory_space<vmem>>, vector<1x4096xf32>,
    %slice3A_270 = vector.extract_strided_slice %get3A_193 {offsets = [0, 4094], sizes = [1, 2], strides = [1, 1]} : vector<1x4096xf32> to vector<1x2xf32>
    %slice3A_271 = vector.extract_strided_slice %get3A_193 {offsets = [0, 0], sizes = [1, 4094], strides = [1, 1]} : vector<1x4096xf32> to vector<1x4094xf32>
    %concatenate3A_272 = tpu.concatenate %slice3A_270, %slice3A_271 in 1 : vector<1x2xf32>, vector<1x4094xf32> -> vector<1x4096xf32>
    %mul3A_273 = arith.mulf %concatenate3A_272, %convert_element_type3A_84 : vector<1x4096xf32>
    %mul3A_274 = arith.mulf %mul3A_273, %convert_element_type3A_129 : vector<1x4096xf32>
    %swap3A_275 = arith.constant 10 : index
    %swap3A_276 = arith.constant 0 : index
    %swap3A_277 = vector.load %arg16[%swap3A_275, %swap3A_276] : memref<64x4096xf32, #tpu.memory_space<vmem>>, vector<1x4096xf32>
    tpu.vector_store %arg16[%swap3A_275, %swap3A_276], %mul3A_274 {strides = array<i32>} : memref<64x4096xf32, #tpu.memory_space<vmem>>, vector<1x4096xf32>,
    %slice3A_278 = vector.extract_strided_slice %get3A_193 {offsets = [0, 4095], sizes = [1, 1], strides = [1, 1]} : vector<1x4096xf32> to vector<1x1xf32>
    %slice3A_279 = vector.extract_strided_slice %get3A_193 {offsets = [0, 0], sizes = [1, 4095], strides = [1, 1]} : vector<1x4096xf32> to vector<1x4095xf32>
    %concatenate3A_280 = tpu.concatenate %slice3A_278, %slice3A_279 in 1 : vector<1x1xf32>, vector<1x4095xf32> -> vector<1x4096xf32>
    %mul3A_281 = arith.mulf %concatenate3A_280, %convert_element_type3A_84 : vector<1x4096xf32>
    %mul3A_282 = arith.mulf %mul3A_281, %convert_element_type3A_144 : vector<1x4096xf32>
    %swap3A_283 = arith.constant 11 : index
    %swap3A_284 = arith.constant 0 : index
    %swap3A_285 = vector.load %arg16[%swap3A_283, %swap3A_284] : memref<64x4096xf32, #tpu.memory_space<vmem>>, vector<1x4096xf32>
    tpu.vector_store %arg16[%swap3A_283, %swap3A_284], %mul3A_282 {strides = array<i32>} : memref<64x4096xf32, #tpu.memory_space<vmem>>, vector<1x4096xf32>,
    %mul3A_286 = arith.mulf %get3A_193, %convert_element_type3A_84 : vector<1x4096xf32>
    %mul3A_287 = arith.mulf %mul3A_286, %convert_element_type3A_159 : vector<1x4096xf32>
    %swap3A_288 = arith.constant 12 : index
    %swap3A_289 = arith.constant 0 : index
    %swap3A_290 = vector.load %arg16[%swap3A_288, %swap3A_289] : memref<64x4096xf32, #tpu.memory_space<vmem>>, vector<1x4096xf32>
    tpu.vector_store %arg16[%swap3A_288, %swap3A_289], %mul3A_287 {strides = array<i32>} : memref<64x4096xf32, #tpu.memory_space<vmem>>, vector<1x4096xf32>,
    %slice3A_291 = vector.extract_strided_slice %get3A_193 {offsets = [0, 1], sizes = [1, 4095], strides = [1, 1]} : vector<1x4096xf32> to vector<1x4095xf32>
    %slice3A_292 = vector.extract_strided_slice %get3A_193 {offsets = [0, 0], sizes = [1, 1], strides = [1, 1]} : vector<1x4096xf32> to vector<1x1xf32>
    %concatenate3A_293 = tpu.concatenate %slice3A_291, %slice3A_292 in 1 : vector<1x4095xf32>, vector<1x1xf32> -> vector<1x4096xf32>
    %mul3A_294 = arith.mulf %concatenate3A_293, %convert_element_type3A_84 : vector<1x4096xf32>
    %mul3A_295 = arith.mulf %mul3A_294, %convert_element_type3A_174 : vector<1x4096xf32>
    %swap3A_296 = arith.constant 13 : index
    %swap3A_297 = arith.constant 0 : index
    %swap3A_298 = vector.load %arg16[%swap3A_296, %swap3A_297] : memref<64x4096xf32, #tpu.memory_space<vmem>>, vector<1x4096xf32>
    tpu.vector_store %arg16[%swap3A_296, %swap3A_297], %mul3A_295 {strides = array<i32>} : memref<64x4096xf32, #tpu.memory_space<vmem>>, vector<1x4096xf32>,
    %slice3A_299 = vector.extract_strided_slice %get3A_193 {offsets = [0, 2], sizes = [1, 4094], strides = [1, 1]} : vector<1x4096xf32> to vector<1x4094xf32>
    %slice3A_300 = vector.extract_strided_slice %get3A_193 {offsets = [0, 0], sizes = [1, 2], strides = [1, 1]} : vector<1x4096xf32> to vector<1x2xf32>
    %concatenate3A_301 = tpu.concatenate %slice3A_299, %slice3A_300 in 1 : vector<1x4094xf32>, vector<1x2xf32> -> vector<1x4096xf32>
    %mul3A_302 = arith.mulf %concatenate3A_301, %convert_element_type3A_84 : vector<1x4096xf32>
    %mul3A_303 = arith.mulf %mul3A_302, %convert_element_type3A_189 : vector<1x4096xf32>
    %swap3A_304 = arith.constant 14 : index
    %swap3A_305 = arith.constant 0 : index
    %swap3A_306 = vector.load %arg16[%swap3A_304, %swap3A_305] : memref<64x4096xf32, #tpu.memory_space<vmem>>, vector<1x4096xf32>
    tpu.vector_store %arg16[%swap3A_304, %swap3A_305], %mul3A_303 {strides = array<i32>} : memref<64x4096xf32, #tpu.memory_space<vmem>>, vector<1x4096xf32>,
    %slice3A_307 = vector.extract_strided_slice %get3A_193 {offsets = [0, 62], sizes = [1, 4034], strides = [1, 1]} : vector<1x4096xf32> to vector<1x4034xf32>
    %slice3A_308 = vector.extract_strided_slice %get3A_193 {offsets = [0, 0], sizes = [1, 62], strides = [1, 1]} : vector<1x4096xf32> to vector<1x62xf32>
    %concatenate3A_309 = tpu.concatenate %slice3A_307, %slice3A_308 in 1 : vector<1x4034xf32>, vector<1x62xf32> -> vector<1x4096xf32>
    %mul3A_310 = arith.mulf %concatenate3A_309, %convert_element_type3A_99 : vector<1x4096xf32>
    %mul3A_311 = arith.mulf %mul3A_310, %convert_element_type3A_129 : vector<1x4096xf32>
    %swap3A_312 = arith.constant 15 : index
    %swap3A_313 = arith.constant 0 : index
    %swap3A_314 = vector.load %arg16[%swap3A_312, %swap3A_313] : memref<64x4096xf32, #tpu.memory_space<vmem>>, vector<1x4096xf32>
    tpu.vector_store %arg16[%swap3A_312, %swap3A_313], %mul3A_311 {strides = array<i32>} : memref<64x4096xf32, #tpu.memory_space<vmem>>, vector<1x4096xf32>,
    %slice3A_315 = vector.extract_strided_slice %get3A_193 {offsets = [0, 63], sizes = [1, 4033], strides = [1, 1]} : vector<1x4096xf32> to vector<1x4033xf32>
    %slice3A_316 = vector.extract_strided_slice %get3A_193 {offsets = [0, 0], sizes = [1, 63], strides = [1, 1]} : vector<1x4096xf32> to vector<1x63xf32>
    %concatenate3A_317 = tpu.concatenate %slice3A_315, %slice3A_316 in 1 : vector<1x4033xf32>, vector<1x63xf32> -> vector<1x4096xf32>
    %mul3A_318 = arith.mulf %concatenate3A_317, %convert_element_type3A_99 : vector<1x4096xf32>
    %mul3A_319 = arith.mulf %mul3A_318, %convert_element_type3A_144 : vector<1x4096xf32>
    %swap3A_320 = arith.constant 16 : index
    %swap3A_321 = arith.constant 0 : index
    %swap3A_322 = vector.load %arg16[%swap3A_320, %swap3A_321] : memref<64x4096xf32, #tpu.memory_space<vmem>>, vector<1x4096xf32>
    tpu.vector_store %arg16[%swap3A_320, %swap3A_321], %mul3A_319 {strides = array<i32>} : memref<64x4096xf32, #tpu.memory_space<vmem>>, vector<1x4096xf32>,
    %slice3A_323 = vector.extract_strided_slice %get3A_193 {offsets = [0, 64], sizes = [1, 4032], strides = [1, 1]} : vector<1x4096xf32> to vector<1x4032xf32>
    %slice3A_324 = vector.extract_strided_slice %get3A_193 {offsets = [0, 0], sizes = [1, 64], strides = [1, 1]} : vector<1x4096xf32> to vector<1x64xf32>
    %concatenate3A_325 = tpu.concatenate %slice3A_323, %slice3A_324 in 1 : vector<1x4032xf32>, vector<1x64xf32> -> vector<1x4096xf32>
    %mul3A_326 = arith.mulf %concatenate3A_325, %convert_element_type3A_99 : vector<1x4096xf32>
    %mul3A_327 = arith.mulf %mul3A_326, %convert_element_type3A_159 : vector<1x4096xf32>
    %swap3A_328 = arith.constant 17 : index
    %swap3A_329 = arith.constant 0 : index
    %swap3A_330 = vector.load %arg16[%swap3A_328, %swap3A_329] : memref<64x4096xf32, #tpu.memory_space<vmem>>, vector<1x4096xf32>
    tpu.vector_store %arg16[%swap3A_328, %swap3A_329], %mul3A_327 {strides = array<i32>} : memref<64x4096xf32, #tpu.memory_space<vmem>>, vector<1x4096xf32>,
    %slice3A_331 = vector.extract_strided_slice %get3A_193 {offsets = [0, 65], sizes = [1, 4031], strides = [1, 1]} : vector<1x4096xf32> to vector<1x4031xf32>
    %slice3A_332 = vector.extract_strided_slice %get3A_193 {offsets = [0, 0], sizes = [1, 65], strides = [1, 1]} : vector<1x4096xf32> to vector<1x65xf32>
    %concatenate3A_333 = tpu.concatenate %slice3A_331, %slice3A_332 in 1 : vector<1x4031xf32>, vector<1x65xf32> -> vector<1x4096xf32>
    %mul3A_334 = arith.mulf %concatenate3A_333, %convert_element_type3A_99 : vector<1x4096xf32>
    %mul3A_335 = arith.mulf %mul3A_334, %convert_element_type3A_174 : vector<1x4096xf32>
    %swap3A_336 = arith.constant 18 : index
    %swap3A_337 = arith.constant 0 : index
    %swap3A_338 = vector.load %arg16[%swap3A_336, %swap3A_337] : memref<64x4096xf32, #tpu.memory_space<vmem>>, vector<1x4096xf32>
    tpu.vector_store %arg16[%swap3A_336, %swap3A_337], %mul3A_335 {strides = array<i32>} : memref<64x4096xf32, #tpu.memory_space<vmem>>, vector<1x4096xf32>,
    %slice3A_339 = vector.extract_strided_slice %get3A_193 {offsets = [0, 66], sizes = [1, 4030], strides = [1, 1]} : vector<1x4096xf32> to vector<1x4030xf32>
    %slice3A_340 = vector.extract_strided_slice %get3A_193 {offsets = [0, 0], sizes = [1, 66], strides = [1, 1]} : vector<1x4096xf32> to vector<1x66xf32>
    %concatenate3A_341 = tpu.concatenate %slice3A_339, %slice3A_340 in 1 : vector<1x4030xf32>, vector<1x66xf32> -> vector<1x4096xf32>
    %mul3A_342 = arith.mulf %concatenate3A_341, %convert_element_type3A_99 : vector<1x4096xf32>
    %mul3A_343 = arith.mulf %mul3A_342, %convert_element_type3A_189 : vector<1x4096xf32>
    %swap3A_344 = arith.constant 19 : index
    %swap3A_345 = arith.constant 0 : index
    %swap3A_346 = vector.load %arg16[%swap3A_344, %swap3A_345] : memref<64x4096xf32, #tpu.memory_space<vmem>>, vector<1x4096xf32>
    tpu.vector_store %arg16[%swap3A_344, %swap3A_345], %mul3A_343 {strides = array<i32>} : memref<64x4096xf32, #tpu.memory_space<vmem>>, vector<1x4096xf32>,
    %slice3A_347 = vector.extract_strided_slice %get3A_193 {offsets = [0, 126], sizes = [1, 3970], strides = [1, 1]} : vector<1x4096xf32> to vector<1x3970xf32>
    %slice3A_348 = vector.extract_strided_slice %get3A_193 {offsets = [0, 0], sizes = [1, 126], strides = [1, 1]} : vector<1x4096xf32> to vector<1x126xf32>
    %concatenate3A_349 = tpu.concatenate %slice3A_347, %slice3A_348 in 1 : vector<1x3970xf32>, vector<1x126xf32> -> vector<1x4096xf32>
    %mul3A_350 = arith.mulf %concatenate3A_349, %convert_element_type3A_114 : vector<1x4096xf32>
    %mul3A_351 = arith.mulf %mul3A_350, %convert_element_type3A_129 : vector<1x4096xf32>
    %swap3A_352 = arith.constant 20 : index
    %swap3A_353 = arith.constant 0 : index
    %swap3A_354 = vector.load %arg16[%swap3A_352, %swap3A_353] : memref<64x4096xf32, #tpu.memory_space<vmem>>, vector<1x4096xf32>
    tpu.vector_store %arg16[%swap3A_352, %swap3A_353], %mul3A_351 {strides = array<i32>} : memref<64x4096xf32, #tpu.memory_space<vmem>>, vector<1x4096xf32>,
    %slice3A_355 = vector.extract_strided_slice %get3A_193 {offsets = [0, 127], sizes = [1, 3969], strides = [1, 1]} : vector<1x4096xf32> to vector<1x3969xf32>
    %slice3A_356 = vector.extract_strided_slice %get3A_193 {offsets = [0, 0], sizes = [1, 127], strides = [1, 1]} : vector<1x4096xf32> to vector<1x127xf32>
    %concatenate3A_357 = tpu.concatenate %slice3A_355, %slice3A_356 in 1 : vector<1x3969xf32>, vector<1x127xf32> -> vector<1x4096xf32>
    %mul3A_358 = arith.mulf %concatenate3A_357, %convert_element_type3A_114 : vector<1x4096xf32>
    %mul3A_359 = arith.mulf %mul3A_358, %convert_element_type3A_144 : vector<1x4096xf32>
    %swap3A_360 = arith.constant 21 : index
    %swap3A_361 = arith.constant 0 : index
    %swap3A_362 = vector.load %arg16[%swap3A_360, %swap3A_361] : memref<64x4096xf32, #tpu.memory_space<vmem>>, vector<1x4096xf32>
    tpu.vector_store %arg16[%swap3A_360, %swap3A_361], %mul3A_359 {strides = array<i32>} : memref<64x4096xf32, #tpu.memory_space<vmem>>, vector<1x4096xf32>,
    %slice3A_363 = vector.extract_strided_slice %get3A_193 {offsets = [0, 128], sizes = [1, 3968], strides = [1, 1]} : vector<1x4096xf32> to vector<1x3968xf32>
    %slice3A_364 = vector.extract_strided_slice %get3A_193 {offsets = [0, 0], sizes = [1, 128], strides = [1, 1]} : vector<1x4096xf32> to vector<1x128xf32>
    %concatenate3A_365 = tpu.concatenate %slice3A_363, %slice3A_364 in 1 : vector<1x3968xf32>, vector<1x128xf32> -> vector<1x4096xf32>
    %mul3A_366 = arith.mulf %concatenate3A_365, %convert_element_type3A_114 : vector<1x4096xf32>
    %mul3A_367 = arith.mulf %mul3A_366, %convert_element_type3A_159 : vector<1x4096xf32>
    %swap3A_368 = arith.constant 22 : index
    %swap3A_369 = arith.constant 0 : index
    %swap3A_370 = vector.load %arg16[%swap3A_368, %swap3A_369] : memref<64x4096xf32, #tpu.memory_space<vmem>>, vector<1x4096xf32>
    tpu.vector_store %arg16[%swap3A_368, %swap3A_369], %mul3A_367 {strides = array<i32>} : memref<64x4096xf32, #tpu.memory_space<vmem>>, vector<1x4096xf32>,
    %slice3A_371 = vector.extract_strided_slice %get3A_193 {offsets = [0, 129], sizes = [1, 3967], strides = [1, 1]} : vector<1x4096xf32> to vector<1x3967xf32>
    %slice3A_372 = vector.extract_strided_slice %get3A_193 {offsets = [0, 0], sizes = [1, 129], strides = [1, 1]} : vector<1x4096xf32> to vector<1x129xf32>
    %concatenate3A_373 = tpu.concatenate %slice3A_371, %slice3A_372 in 1 : vector<1x3967xf32>, vector<1x129xf32> -> vector<1x4096xf32>
    %mul3A_374 = arith.mulf %concatenate3A_373, %convert_element_type3A_114 : vector<1x4096xf32>
    %mul3A_375 = arith.mulf %mul3A_374, %convert_element_type3A_174 : vector<1x4096xf32>
    %swap3A_376 = arith.constant 23 : index
    %swap3A_377 = arith.constant 0 : index
    %swap3A_378 = vector.load %arg16[%swap3A_376, %swap3A_377] : memref<64x4096xf32, #tpu.memory_space<vmem>>, vector<1x4096xf32>
    tpu.vector_store %arg16[%swap3A_376, %swap3A_377], %mul3A_375 {strides = array<i32>} : memref<64x4096xf32, #tpu.memory_space<vmem>>, vector<1x4096xf32>,
    %slice3A_379 = vector.extract_strided_slice %get3A_193 {offsets = [0, 130], sizes = [1, 3966], strides = [1, 1]} : vector<1x4096xf32> to vector<1x3966xf32>
    %slice3A_380 = vector.extract_strided_slice %get3A_193 {offsets = [0, 0], sizes = [1, 130], strides = [1, 1]} : vector<1x4096xf32> to vector<1x130xf32>
    %concatenate3A_381 = tpu.concatenate %slice3A_379, %slice3A_380 in 1 : vector<1x3966xf32>, vector<1x130xf32> -> vector<1x4096xf32>
    %mul3A_382 = arith.mulf %concatenate3A_381, %convert_element_type3A_114 : vector<1x4096xf32>
    %mul3A_383 = arith.mulf %mul3A_382, %convert_element_type3A_189 : vector<1x4096xf32>
    %swap3A_384 = arith.constant 24 : index
    %swap3A_385 = arith.constant 0 : index
    %swap3A_386 = vector.load %arg16[%swap3A_384, %swap3A_385] : memref<64x4096xf32, #tpu.memory_space<vmem>>, vector<1x4096xf32>
    tpu.vector_store %arg16[%swap3A_384, %swap3A_385], %mul3A_383 {strides = array<i32>} : memref<64x4096xf32, #tpu.memory_space<vmem>>, vector<1x4096xf32>,
    %get3A_387 = arith.constant 0 : index
    %get3A_388 = arith.constant 0 : index
    %get3A_389 = arith.constant 0 : index
    %get3A_390 = vector.load %arg12[%get3A_387, %get3A_388, %get3A_389] : memref<1x1x4096xf32, #tpu.memory_space<vmem>>, vector<1x1x4096xf32>
    %get3A_391 = vector.shape_cast %get3A_390 : vector<1x1x4096xf32> to vector<1x4096xf32>
    %slice3A_392 = vector.extract_strided_slice %get3A_391 {offsets = [0, 3966], sizes = [1, 130], strides = [1, 1]} : vector<1x4096xf32> to vector<1x130xf32>
    %slice3A_393 = vector.extract_strided_slice %get3A_391 {offsets = [0, 0], sizes = [1, 3966], strides = [1, 1]} : vector<1x4096xf32> to vector<1x3966xf32>
    %concatenate3A_394 = tpu.concatenate %slice3A_392, %slice3A_393 in 1 : vector<1x130xf32>, vector<1x3966xf32> -> vector<1x4096xf32>
    %mul3A_395 = arith.mulf %concatenate3A_394, %convert_element_type3A_54 : vector<1x4096xf32>
    %mul3A_396 = arith.mulf %mul3A_395, %convert_element_type3A_129 : vector<1x4096xf32>
    %swap3A_397 = arith.constant 25 : index
    %swap3A_398 = arith.constant 0 : index
    %swap3A_399 = vector.load %arg16[%swap3A_397, %swap3A_398] : memref<64x4096xf32, #tpu.memory_space<vmem>>, vector<1x4096xf32>
    tpu.vector_store %arg16[%swap3A_397, %swap3A_398], %mul3A_396 {strides = array<i32>} : memref<64x4096xf32, #tpu.memory_space<vmem>>, vector<1x4096xf32>,
    %slice3A_400 = vector.extract_strided_slice %get3A_391 {offsets = [0, 3967], sizes = [1, 129], strides = [1, 1]} : vector<1x4096xf32> to vector<1x129xf32>
    %slice3A_401 = vector.extract_strided_slice %get3A_391 {offsets = [0, 0], sizes = [1, 3967], strides = [1, 1]} : vector<1x4096xf32> to vector<1x3967xf32>
    %concatenate3A_402 = tpu.concatenate %slice3A_400, %slice3A_401 in 1 : vector<1x129xf32>, vector<1x3967xf32> -> vector<1x4096xf32>
    %mul3A_403 = arith.mulf %concatenate3A_402, %convert_element_type3A_54 : vector<1x4096xf32>
    %mul3A_404 = arith.mulf %mul3A_403, %convert_element_type3A_144 : vector<1x4096xf32>
    %swap3A_405 = arith.constant 26 : index
    %swap3A_406 = arith.constant 0 : index
    %swap3A_407 = vector.load %arg16[%swap3A_405, %swap3A_406] : memref<64x4096xf32, #tpu.memory_space<vmem>>, vector<1x4096xf32>
    tpu.vector_store %arg16[%swap3A_405, %swap3A_406], %mul3A_404 {strides = array<i32>} : memref<64x4096xf32, #tpu.memory_space<vmem>>, vector<1x4096xf32>,
    %slice3A_408 = vector.extract_strided_slice %get3A_391 {offsets = [0, 3968], sizes = [1, 128], strides = [1, 1]} : vector<1x4096xf32> to vector<1x128xf32>
    %slice3A_409 = vector.extract_strided_slice %get3A_391 {offsets = [0, 0], sizes = [1, 3968], strides = [1, 1]} : vector<1x4096xf32> to vector<1x3968xf32>
    %concatenate3A_410 = tpu.concatenate %slice3A_408, %slice3A_409 in 1 : vector<1x128xf32>, vector<1x3968xf32> -> vector<1x4096xf32>
    %mul3A_411 = arith.mulf %concatenate3A_410, %convert_element_type3A_54 : vector<1x4096xf32>
    %mul3A_412 = arith.mulf %mul3A_411, %convert_element_type3A_159 : vector<1x4096xf32>
    %swap3A_413 = arith.constant 27 : index
    %swap3A_414 = arith.constant 0 : index
    %swap3A_415 = vector.load %arg16[%swap3A_413, %swap3A_414] : memref<64x4096xf32, #tpu.memory_space<vmem>>, vector<1x4096xf32>
    tpu.vector_store %arg16[%swap3A_413, %swap3A_414], %mul3A_412 {strides = array<i32>} : memref<64x4096xf32, #tpu.memory_space<vmem>>, vector<1x4096xf32>,
    %slice3A_416 = vector.extract_strided_slice %get3A_391 {offsets = [0, 3969], sizes = [1, 127], strides = [1, 1]} : vector<1x4096xf32> to vector<1x127xf32>
    %slice3A_417 = vector.extract_strided_slice %get3A_391 {offsets = [0, 0], sizes = [1, 3969], strides = [1, 1]} : vector<1x4096xf32> to vector<1x3969xf32>
    %concatenate3A_418 = tpu.concatenate %slice3A_416, %slice3A_417 in 1 : vector<1x127xf32>, vector<1x3969xf32> -> vector<1x4096xf32>
    %mul3A_419 = arith.mulf %concatenate3A_418, %convert_element_type3A_54 : vector<1x4096xf32>
    %mul3A_420 = arith.mulf %mul3A_419, %convert_element_type3A_174 : vector<1x4096xf32>
    %swap3A_421 = arith.constant 28 : index
    %swap3A_422 = arith.constant 0 : index
    %swap3A_423 = vector.load %arg16[%swap3A_421, %swap3A_422] : memref<64x4096xf32, #tpu.memory_space<vmem>>, vector<1x4096xf32>
    tpu.vector_store %arg16[%swap3A_421, %swap3A_422], %mul3A_420 {strides = array<i32>} : memref<64x4096xf32, #tpu.memory_space<vmem>>, vector<1x4096xf32>,
    %slice3A_424 = vector.extract_strided_slice %get3A_391 {offsets = [0, 3970], sizes = [1, 126], strides = [1, 1]} : vector<1x4096xf32> to vector<1x126xf32>
    %slice3A_425 = vector.extract_strided_slice %get3A_391 {offsets = [0, 0], sizes = [1, 3970], strides = [1, 1]} : vector<1x4096xf32> to vector<1x3970xf32>
    %concatenate3A_426 = tpu.concatenate %slice3A_424, %slice3A_425 in 1 : vector<1x126xf32>, vector<1x3970xf32> -> vector<1x4096xf32>
    %mul3A_427 = arith.mulf %concatenate3A_426, %convert_element_type3A_54 : vector<1x4096xf32>
    %mul3A_428 = arith.mulf %mul3A_427, %convert_element_type3A_189 : vector<1x4096xf32>
    %swap3A_429 = arith.constant 29 : index
    %swap3A_430 = arith.constant 0 : index
    %swap3A_431 = vector.load %arg16[%swap3A_429, %swap3A_430] : memref<64x4096xf32, #tpu.memory_space<vmem>>, vector<1x4096xf32>
    tpu.vector_store %arg16[%swap3A_429, %swap3A_430], %mul3A_428 {strides = array<i32>} : memref<64x4096xf32, #tpu.memory_space<vmem>>, vector<1x4096xf32>,
    %slice3A_432 = vector.extract_strided_slice %get3A_391 {offsets = [0, 4030], sizes = [1, 66], strides = [1, 1]} : vector<1x4096xf32> to vector<1x66xf32>
    %slice3A_433 = vector.extract_strided_slice %get3A_391 {offsets = [0, 0], sizes = [1, 4030], strides = [1, 1]} : vector<1x4096xf32> to vector<1x4030xf32>
    %concatenate3A_434 = tpu.concatenate %slice3A_432, %slice3A_433 in 1 : vector<1x66xf32>, vector<1x4030xf32> -> vector<1x4096xf32>
    %mul3A_435 = arith.mulf %concatenate3A_434, %convert_element_type3A_69 : vector<1x4096xf32>
    %mul3A_436 = arith.mulf %mul3A_435, %convert_element_type3A_129 : vector<1x4096xf32>
    %swap3A_437 = arith.constant 30 : index
    %swap3A_438 = arith.constant 0 : index
    %swap3A_439 = vector.load %arg16[%swap3A_437, %swap3A_438] : memref<64x4096xf32, #tpu.memory_space<vmem>>, vector<1x4096xf32>
    tpu.vector_store %arg16[%swap3A_437, %swap3A_438], %mul3A_436 {strides = array<i32>} : memref<64x4096xf32, #tpu.memory_space<vmem>>, vector<1x4096xf32>,
    %slice3A_440 = vector.extract_strided_slice %get3A_391 {offsets = [0, 4031], sizes = [1, 65], strides = [1, 1]} : vector<1x4096xf32> to vector<1x65xf32>
    %slice3A_441 = vector.extract_strided_slice %get3A_391 {offsets = [0, 0], sizes = [1, 4031], strides = [1, 1]} : vector<1x4096xf32> to vector<1x4031xf32>
    %concatenate3A_442 = tpu.concatenate %slice3A_440, %slice3A_441 in 1 : vector<1x65xf32>, vector<1x4031xf32> -> vector<1x4096xf32>
    %mul3A_443 = arith.mulf %concatenate3A_442, %convert_element_type3A_69 : vector<1x4096xf32>
    %mul3A_444 = arith.mulf %mul3A_443, %convert_element_type3A_144 : vector<1x4096xf32>
    %swap3A_445 = arith.constant 31 : index
    %swap3A_446 = arith.constant 0 : index
    %swap3A_447 = vector.load %arg16[%swap3A_445, %swap3A_446] : memref<64x4096xf32, #tpu.memory_space<vmem>>, vector<1x4096xf32>
    tpu.vector_store %arg16[%swap3A_445, %swap3A_446], %mul3A_444 {strides = array<i32>} : memref<64x4096xf32, #tpu.memory_space<vmem>>, vector<1x4096xf32>,
    %slice3A_448 = vector.extract_strided_slice %get3A_391 {offsets = [0, 4032], sizes = [1, 64], strides = [1, 1]} : vector<1x4096xf32> to vector<1x64xf32>
    %slice3A_449 = vector.extract_strided_slice %get3A_391 {offsets = [0, 0], sizes = [1, 4032], strides = [1, 1]} : vector<1x4096xf32> to vector<1x4032xf32>
    %concatenate3A_450 = tpu.concatenate %slice3A_448, %slice3A_449 in 1 : vector<1x64xf32>, vector<1x4032xf32> -> vector<1x4096xf32>
    %mul3A_451 = arith.mulf %concatenate3A_450, %convert_element_type3A_69 : vector<1x4096xf32>
    %mul3A_452 = arith.mulf %mul3A_451, %convert_element_type3A_159 : vector<1x4096xf32>
    %swap3A_453 = arith.constant 32 : index
    %swap3A_454 = arith.constant 0 : index
    %swap3A_455 = vector.load %arg16[%swap3A_453, %swap3A_454] : memref<64x4096xf32, #tpu.memory_space<vmem>>, vector<1x4096xf32>
    tpu.vector_store %arg16[%swap3A_453, %swap3A_454], %mul3A_452 {strides = array<i32>} : memref<64x4096xf32, #tpu.memory_space<vmem>>, vector<1x4096xf32>,
    %slice3A_456 = vector.extract_strided_slice %get3A_391 {offsets = [0, 4033], sizes = [1, 63], strides = [1, 1]} : vector<1x4096xf32> to vector<1x63xf32>
    %slice3A_457 = vector.extract_strided_slice %get3A_391 {offsets = [0, 0], sizes = [1, 4033], strides = [1, 1]} : vector<1x4096xf32> to vector<1x4033xf32>
    %concatenate3A_458 = tpu.concatenate %slice3A_456, %slice3A_457 in 1 : vector<1x63xf32>, vector<1x4033xf32> -> vector<1x4096xf32>
    %mul3A_459 = arith.mulf %concatenate3A_458, %convert_element_type3A_69 : vector<1x4096xf32>
    %mul3A_460 = arith.mulf %mul3A_459, %convert_element_type3A_174 : vector<1x4096xf32>
    %swap3A_461 = arith.constant 33 : index
    %swap3A_462 = arith.constant 0 : index
    %swap3A_463 = vector.load %arg16[%swap3A_461, %swap3A_462] : memref<64x4096xf32, #tpu.memory_space<vmem>>, vector<1x4096xf32>
    tpu.vector_store %arg16[%swap3A_461, %swap3A_462], %mul3A_460 {strides = array<i32>} : memref<64x4096xf32, #tpu.memory_space<vmem>>, vector<1x4096xf32>,
    %slice3A_464 = vector.extract_strided_slice %get3A_391 {offsets = [0, 4034], sizes = [1, 62], strides = [1, 1]} : vector<1x4096xf32> to vector<1x62xf32>
    %slice3A_465 = vector.extract_strided_slice %get3A_391 {offsets = [0, 0], sizes = [1, 4034], strides = [1, 1]} : vector<1x4096xf32> to vector<1x4034xf32>
    %concatenate3A_466 = tpu.concatenate %slice3A_464, %slice3A_465 in 1 : vector<1x62xf32>, vector<1x4034xf32> -> vector<1x4096xf32>
    %mul3A_467 = arith.mulf %concatenate3A_466, %convert_element_type3A_69 : vector<1x4096xf32>
    %mul3A_468 = arith.mulf %mul3A_467, %convert_element_type3A_189 : vector<1x4096xf32>
    %swap3A_469 = arith.constant 34 : index
    %swap3A_470 = arith.constant 0 : index
    %swap3A_471 = vector.load %arg16[%swap3A_469, %swap3A_470] : memref<64x4096xf32, #tpu.memory_space<vmem>>, vector<1x4096xf32>
    tpu.vector_store %arg16[%swap3A_469, %swap3A_470], %mul3A_468 {strides = array<i32>} : memref<64x4096xf32, #tpu.memory_space<vmem>>, vector<1x4096xf32>,
    %slice3A_472 = vector.extract_strided_slice %get3A_391 {offsets = [0, 4094], sizes = [1, 2], strides = [1, 1]} : vector<1x4096xf32> to vector<1x2xf32>
    %slice3A_473 = vector.extract_strided_slice %get3A_391 {offsets = [0, 0], sizes = [1, 4094], strides = [1, 1]} : vector<1x4096xf32> to vector<1x4094xf32>
    %concatenate3A_474 = tpu.concatenate %slice3A_472, %slice3A_473 in 1 : vector<1x2xf32>, vector<1x4094xf32> -> vector<1x4096xf32>
    %mul3A_475 = arith.mulf %concatenate3A_474, %convert_element_type3A_84 : vector<1x4096xf32>
    %mul3A_476 = arith.mulf %mul3A_475, %convert_element_type3A_129 : vector<1x4096xf32>
    %swap3A_477 = arith.constant 35 : index
    %swap3A_478 = arith.constant 0 : index
    %swap3A_479 = vector.load %arg16[%swap3A_477, %swap3A_478] : memref<64x4096xf32, #tpu.memory_space<vmem>>, vector<1x4096xf32>
    tpu.vector_store %arg16[%swap3A_477, %swap3A_478], %mul3A_476 {strides = array<i32>} : memref<64x4096xf32, #tpu.memory_space<vmem>>, vector<1x4096xf32>,
    %slice3A_480 = vector.extract_strided_slice %get3A_391 {offsets = [0, 4095], sizes = [1, 1], strides = [1, 1]} : vector<1x4096xf32> to vector<1x1xf32>
    %slice3A_481 = vector.extract_strided_slice %get3A_391 {offsets = [0, 0], sizes = [1, 4095], strides = [1, 1]} : vector<1x4096xf32> to vector<1x4095xf32>
    %concatenate3A_482 = tpu.concatenate %slice3A_480, %slice3A_481 in 1 : vector<1x1xf32>, vector<1x4095xf32> -> vector<1x4096xf32>
    %mul3A_483 = arith.mulf %concatenate3A_482, %convert_element_type3A_84 : vector<1x4096xf32>
    %mul3A_484 = arith.mulf %mul3A_483, %convert_element_type3A_144 : vector<1x4096xf32>
    %swap3A_485 = arith.constant 36 : index
    %swap3A_486 = arith.constant 0 : index
    %swap3A_487 = vector.load %arg16[%swap3A_485, %swap3A_486] : memref<64x4096xf32, #tpu.memory_space<vmem>>, vector<1x4096xf32>
    tpu.vector_store %arg16[%swap3A_485, %swap3A_486], %mul3A_484 {strides = array<i32>} : memref<64x4096xf32, #tpu.memory_space<vmem>>, vector<1x4096xf32>,
    %mul3A_488 = arith.mulf %get3A_391, %convert_element_type3A_84 : vector<1x4096xf32>
    %mul3A_489 = arith.mulf %mul3A_488, %convert_element_type3A_159 : vector<1x4096xf32>
    %swap3A_490 = arith.constant 37 : index
    %swap3A_491 = arith.constant 0 : index
    %swap3A_492 = vector.load %arg16[%swap3A_490, %swap3A_491] : memref<64x4096xf32, #tpu.memory_space<vmem>>, vector<1x4096xf32>
    tpu.vector_store %arg16[%swap3A_490, %swap3A_491], %mul3A_489 {strides = array<i32>} : memref<64x4096xf32, #tpu.memory_space<vmem>>, vector<1x4096xf32>,
    %slice3A_493 = vector.extract_strided_slice %get3A_391 {offsets = [0, 1], sizes = [1, 4095], strides = [1, 1]} : vector<1x4096xf32> to vector<1x4095xf32>
    %slice3A_494 = vector.extract_strided_slice %get3A_391 {offsets = [0, 0], sizes = [1, 1], strides = [1, 1]} : vector<1x4096xf32> to vector<1x1xf32>
    %concatenate3A_495 = tpu.concatenate %slice3A_493, %slice3A_494 in 1 : vector<1x4095xf32>, vector<1x1xf32> -> vector<1x4096xf32>
    %mul3A_496 = arith.mulf %concatenate3A_495, %convert_element_type3A_84 : vector<1x4096xf32>
    %mul3A_497 = arith.mulf %mul3A_496, %convert_element_type3A_174 : vector<1x4096xf32>
    %swap3A_498 = arith.constant 38 : index
    %swap3A_499 = arith.constant 0 : index
    %swap3A_500 = vector.load %arg16[%swap3A_498, %swap3A_499] : memref<64x4096xf32, #tpu.memory_space<vmem>>, vector<1x4096xf32>
    tpu.vector_store %arg16[%swap3A_498, %swap3A_499], %mul3A_497 {strides = array<i32>} : memref<64x4096xf32, #tpu.memory_space<vmem>>, vector<1x4096xf32>,
    %slice3A_501 = vector.extract_strided_slice %get3A_391 {offsets = [0, 2], sizes = [1, 4094], strides = [1, 1]} : vector<1x4096xf32> to vector<1x4094xf32>
    %slice3A_502 = vector.extract_strided_slice %get3A_391 {offsets = [0, 0], sizes = [1, 2], strides = [1, 1]} : vector<1x4096xf32> to vector<1x2xf32>
    %concatenate3A_503 = tpu.concatenate %slice3A_501, %slice3A_502 in 1 : vector<1x4094xf32>, vector<1x2xf32> -> vector<1x4096xf32>
    %mul3A_504 = arith.mulf %concatenate3A_503, %convert_element_type3A_84 : vector<1x4096xf32>
    %mul3A_505 = arith.mulf %mul3A_504, %convert_element_type3A_189 : vector<1x4096xf32>
    %swap3A_506 = arith.constant 39 : index
    %swap3A_507 = arith.constant 0 : index
    %swap3A_508 = vector.load %arg16[%swap3A_506, %swap3A_507] : memref<64x4096xf32, #tpu.memory_space<vmem>>, vector<1x4096xf32>
    tpu.vector_store %arg16[%swap3A_506, %swap3A_507], %mul3A_505 {strides = array<i32>} : memref<64x4096xf32, #tpu.memory_space<vmem>>, vector<1x4096xf32>,
    %slice3A_509 = vector.extract_strided_slice %get3A_391 {offsets = [0, 62], sizes = [1, 4034], strides = [1, 1]} : vector<1x4096xf32> to vector<1x4034xf32>
    %slice3A_510 = vector.extract_strided_slice %get3A_391 {offsets = [0, 0], sizes = [1, 62], strides = [1, 1]} : vector<1x4096xf32> to vector<1x62xf32>
    %concatenate3A_511 = tpu.concatenate %slice3A_509, %slice3A_510 in 1 : vector<1x4034xf32>, vector<1x62xf32> -> vector<1x4096xf32>
    %mul3A_512 = arith.mulf %concatenate3A_511, %convert_element_type3A_99 : vector<1x4096xf32>
    %mul3A_513 = arith.mulf %mul3A_512, %convert_element_type3A_129 : vector<1x4096xf32>
    %swap3A_514 = arith.constant 40 : index
    %swap3A_515 = arith.constant 0 : index
    %swap3A_516 = vector.load %arg16[%swap3A_514, %swap3A_515] : memref<64x4096xf32, #tpu.memory_space<vmem>>, vector<1x4096xf32>
    tpu.vector_store %arg16[%swap3A_514, %swap3A_515], %mul3A_513 {strides = array<i32>} : memref<64x4096xf32, #tpu.memory_space<vmem>>, vector<1x4096xf32>,
    %slice3A_517 = vector.extract_strided_slice %get3A_391 {offsets = [0, 63], sizes = [1, 4033], strides = [1, 1]} : vector<1x4096xf32> to vector<1x4033xf32>
    %slice3A_518 = vector.extract_strided_slice %get3A_391 {offsets = [0, 0], sizes = [1, 63], strides = [1, 1]} : vector<1x4096xf32> to vector<1x63xf32>
    %concatenate3A_519 = tpu.concatenate %slice3A_517, %slice3A_518 in 1 : vector<1x4033xf32>, vector<1x63xf32> -> vector<1x4096xf32>
    %mul3A_520 = arith.mulf %concatenate3A_519, %convert_element_type3A_99 : vector<1x4096xf32>
    %mul3A_521 = arith.mulf %mul3A_520, %convert_element_type3A_144 : vector<1x4096xf32>
    %swap3A_522 = arith.constant 41 : index
    %swap3A_523 = arith.constant 0 : index
    %swap3A_524 = vector.load %arg16[%swap3A_522, %swap3A_523] : memref<64x4096xf32, #tpu.memory_space<vmem>>, vector<1x4096xf32>
    tpu.vector_store %arg16[%swap3A_522, %swap3A_523], %mul3A_521 {strides = array<i32>} : memref<64x4096xf32, #tpu.memory_space<vmem>>, vector<1x4096xf32>,
    %slice3A_525 = vector.extract_strided_slice %get3A_391 {offsets = [0, 64], sizes = [1, 4032], strides = [1, 1]} : vector<1x4096xf32> to vector<1x4032xf32>
    %slice3A_526 = vector.extract_strided_slice %get3A_391 {offsets = [0, 0], sizes = [1, 64], strides = [1, 1]} : vector<1x4096xf32> to vector<1x64xf32>
    %concatenate3A_527 = tpu.concatenate %slice3A_525, %slice3A_526 in 1 : vector<1x4032xf32>, vector<1x64xf32> -> vector<1x4096xf32>
    %mul3A_528 = arith.mulf %concatenate3A_527, %convert_element_type3A_99 : vector<1x4096xf32>
    %mul3A_529 = arith.mulf %mul3A_528, %convert_element_type3A_159 : vector<1x4096xf32>
    %swap3A_530 = arith.constant 42 : index
    %swap3A_531 = arith.constant 0 : index
    %swap3A_532 = vector.load %arg16[%swap3A_530, %swap3A_531] : memref<64x4096xf32, #tpu.memory_space<vmem>>, vector<1x4096xf32>
    tpu.vector_store %arg16[%swap3A_530, %swap3A_531], %mul3A_529 {strides = array<i32>} : memref<64x4096xf32, #tpu.memory_space<vmem>>, vector<1x4096xf32>,
    %slice3A_533 = vector.extract_strided_slice %get3A_391 {offsets = [0, 65], sizes = [1, 4031], strides = [1, 1]} : vector<1x4096xf32> to vector<1x4031xf32>
    %slice3A_534 = vector.extract_strided_slice %get3A_391 {offsets = [0, 0], sizes = [1, 65], strides = [1, 1]} : vector<1x4096xf32> to vector<1x65xf32>
    %concatenate3A_535 = tpu.concatenate %slice3A_533, %slice3A_534 in 1 : vector<1x4031xf32>, vector<1x65xf32> -> vector<1x4096xf32>
    %mul3A_536 = arith.mulf %concatenate3A_535, %convert_element_type3A_99 : vector<1x4096xf32>
    %mul3A_537 = arith.mulf %mul3A_536, %convert_element_type3A_174 : vector<1x4096xf32>
    %swap3A_538 = arith.constant 43 : index
    %swap3A_539 = arith.constant 0 : index
    %swap3A_540 = vector.load %arg16[%swap3A_538, %swap3A_539] : memref<64x4096xf32, #tpu.memory_space<vmem>>, vector<1x4096xf32>
    tpu.vector_store %arg16[%swap3A_538, %swap3A_539], %mul3A_537 {strides = array<i32>} : memref<64x4096xf32, #tpu.memory_space<vmem>>, vector<1x4096xf32>,
    %slice3A_541 = vector.extract_strided_slice %get3A_391 {offsets = [0, 66], sizes = [1, 4030], strides = [1, 1]} : vector<1x4096xf32> to vector<1x4030xf32>
    %slice3A_542 = vector.extract_strided_slice %get3A_391 {offsets = [0, 0], sizes = [1, 66], strides = [1, 1]} : vector<1x4096xf32> to vector<1x66xf32>
    %concatenate3A_543 = tpu.concatenate %slice3A_541, %slice3A_542 in 1 : vector<1x4030xf32>, vector<1x66xf32> -> vector<1x4096xf32>
    %mul3A_544 = arith.mulf %concatenate3A_543, %convert_element_type3A_99 : vector<1x4096xf32>
    %mul3A_545 = arith.mulf %mul3A_544, %convert_element_type3A_189 : vector<1x4096xf32>
    %swap3A_546 = arith.constant 44 : index
    %swap3A_547 = arith.constant 0 : index
    %swap3A_548 = vector.load %arg16[%swap3A_546, %swap3A_547] : memref<64x4096xf32, #tpu.memory_space<vmem>>, vector<1x4096xf32>
    tpu.vector_store %arg16[%swap3A_546, %swap3A_547], %mul3A_545 {strides = array<i32>} : memref<64x4096xf32, #tpu.memory_space<vmem>>, vector<1x4096xf32>,
    %slice3A_549 = vector.extract_strided_slice %get3A_391 {offsets = [0, 126], sizes = [1, 3970], strides = [1, 1]} : vector<1x4096xf32> to vector<1x3970xf32>
    %slice3A_550 = vector.extract_strided_slice %get3A_391 {offsets = [0, 0], sizes = [1, 126], strides = [1, 1]} : vector<1x4096xf32> to vector<1x126xf32>
    %concatenate3A_551 = tpu.concatenate %slice3A_549, %slice3A_550 in 1 : vector<1x3970xf32>, vector<1x126xf32> -> vector<1x4096xf32>
    %mul3A_552 = arith.mulf %concatenate3A_551, %convert_element_type3A_114 : vector<1x4096xf32>
    %mul3A_553 = arith.mulf %mul3A_552, %convert_element_type3A_129 : vector<1x4096xf32>
    %swap3A_554 = arith.constant 45 : index
    %swap3A_555 = arith.constant 0 : index
    %swap3A_556 = vector.load %arg16[%swap3A_554, %swap3A_555] : memref<64x4096xf32, #tpu.memory_space<vmem>>, vector<1x4096xf32>
    tpu.vector_store %arg16[%swap3A_554, %swap3A_555], %mul3A_553 {strides = array<i32>} : memref<64x4096xf32, #tpu.memory_space<vmem>>, vector<1x4096xf32>,
    %slice3A_557 = vector.extract_strided_slice %get3A_391 {offsets = [0, 127], sizes = [1, 3969], strides = [1, 1]} : vector<1x4096xf32> to vector<1x3969xf32>
    %slice3A_558 = vector.extract_strided_slice %get3A_391 {offsets = [0, 0], sizes = [1, 127], strides = [1, 1]} : vector<1x4096xf32> to vector<1x127xf32>
    %concatenate3A_559 = tpu.concatenate %slice3A_557, %slice3A_558 in 1 : vector<1x3969xf32>, vector<1x127xf32> -> vector<1x4096xf32>
    %mul3A_560 = arith.mulf %concatenate3A_559, %convert_element_type3A_114 : vector<1x4096xf32>
    %mul3A_561 = arith.mulf %mul3A_560, %convert_element_type3A_144 : vector<1x4096xf32>
    %swap3A_562 = arith.constant 46 : index
    %swap3A_563 = arith.constant 0 : index
    %swap3A_564 = vector.load %arg16[%swap3A_562, %swap3A_563] : memref<64x4096xf32, #tpu.memory_space<vmem>>, vector<1x4096xf32>
    tpu.vector_store %arg16[%swap3A_562, %swap3A_563], %mul3A_561 {strides = array<i32>} : memref<64x4096xf32, #tpu.memory_space<vmem>>, vector<1x4096xf32>,
    %slice3A_565 = vector.extract_strided_slice %get3A_391 {offsets = [0, 128], sizes = [1, 3968], strides = [1, 1]} : vector<1x4096xf32> to vector<1x3968xf32>
    %slice3A_566 = vector.extract_strided_slice %get3A_391 {offsets = [0, 0], sizes = [1, 128], strides = [1, 1]} : vector<1x4096xf32> to vector<1x128xf32>
    %concatenate3A_567 = tpu.concatenate %slice3A_565, %slice3A_566 in 1 : vector<1x3968xf32>, vector<1x128xf32> -> vector<1x4096xf32>
    %mul3A_568 = arith.mulf %concatenate3A_567, %convert_element_type3A_114 : vector<1x4096xf32>
    %mul3A_569 = arith.mulf %mul3A_568, %convert_element_type3A_159 : vector<1x4096xf32>
    %swap3A_570 = arith.constant 47 : index
    %swap3A_571 = arith.constant 0 : index
    %swap3A_572 = vector.load %arg16[%swap3A_570, %swap3A_571] : memref<64x4096xf32, #tpu.memory_space<vmem>>, vector<1x4096xf32>
    tpu.vector_store %arg16[%swap3A_570, %swap3A_571], %mul3A_569 {strides = array<i32>} : memref<64x4096xf32, #tpu.memory_space<vmem>>, vector<1x4096xf32>,
    %slice3A_573 = vector.extract_strided_slice %get3A_391 {offsets = [0, 129], sizes = [1, 3967], strides = [1, 1]} : vector<1x4096xf32> to vector<1x3967xf32>
    %slice3A_574 = vector.extract_strided_slice %get3A_391 {offsets = [0, 0], sizes = [1, 129], strides = [1, 1]} : vector<1x4096xf32> to vector<1x129xf32>
    %concatenate3A_575 = tpu.concatenate %slice3A_573, %slice3A_574 in 1 : vector<1x3967xf32>, vector<1x129xf32> -> vector<1x4096xf32>
    %mul3A_576 = arith.mulf %concatenate3A_575, %convert_element_type3A_114 : vector<1x4096xf32>
    %mul3A_577 = arith.mulf %mul3A_576, %convert_element_type3A_174 : vector<1x4096xf32>
    %swap3A_578 = arith.constant 48 : index
    %swap3A_579 = arith.constant 0 : index
    %swap3A_580 = vector.load %arg16[%swap3A_578, %swap3A_579] : memref<64x4096xf32, #tpu.memory_space<vmem>>, vector<1x4096xf32>
    tpu.vector_store %arg16[%swap3A_578, %swap3A_579], %mul3A_577 {strides = array<i32>} : memref<64x4096xf32, #tpu.memory_space<vmem>>, vector<1x4096xf32>,
    %slice3A_581 = vector.extract_strided_slice %get3A_391 {offsets = [0, 130], sizes = [1, 3966], strides = [1, 1]} : vector<1x4096xf32> to vector<1x3966xf32>
    %slice3A_582 = vector.extract_strided_slice %get3A_391 {offsets = [0, 0], sizes = [1, 130], strides = [1, 1]} : vector<1x4096xf32> to vector<1x130xf32>
    %concatenate3A_583 = tpu.concatenate %slice3A_581, %slice3A_582 in 1 : vector<1x3966xf32>, vector<1x130xf32> -> vector<1x4096xf32>
    %mul3A_584 = arith.mulf %concatenate3A_583, %convert_element_type3A_114 : vector<1x4096xf32>
    %mul3A_585 = arith.mulf %mul3A_584, %convert_element_type3A_189 : vector<1x4096xf32>
    %swap3A_586 = arith.constant 49 : index
    %swap3A_587 = arith.constant 0 : index
    %swap3A_588 = vector.load %arg16[%swap3A_586, %swap3A_587] : memref<64x4096xf32, #tpu.memory_space<vmem>>, vector<1x4096xf32>
    tpu.vector_store %arg16[%swap3A_586, %swap3A_587], %mul3A_585 {strides = array<i32>} : memref<64x4096xf32, #tpu.memory_space<vmem>>, vector<1x4096xf32>,
    %broadcast_in_dim3A = arith.constant 0.000000e+00 : f32
    %broadcast_in_dim3A_589 = vector.broadcast %broadcast_in_dim3A : f32 to vector<14x4096xf32>
    %swap3A_590 = arith.constant 50 : index
    %swap3A_591 = arith.constant 0 : index
    %swap3A_592 = vector.load %arg16[%swap3A_590, %swap3A_591] : memref<64x4096xf32, #tpu.memory_space<vmem>>, vector<14x4096xf32>
    tpu.vector_store %arg16[%swap3A_590, %swap3A_591], %broadcast_in_dim3A_589 {strides = array<i32>} : memref<64x4096xf32, #tpu.memory_space<vmem>>, vector<14x4096xf32>,
    %get3A_593 = arith.constant 0 : index
    %get3A_594 = arith.constant 0 : index
    %get3A_595 = vector.load %arg2[%get3A_593, %get3A_594] : memref<512x512xf32, #tpu.memory_space<vmem>>, vector<256x512xf32>
    %get3A_596 = arith.constant 0 : index
    %get3A_597 = arith.constant 0 : index
    %get3A_598 = arith.constant 0 : index
    %get3A_599 = vector.load %arg1[%get3A_596, %get3A_597, %get3A_598] : memref<1x1x512xf32, #tpu.memory_space<vmem>>, vector<1x1x512xf32>
    %get3A_600 = vector.shape_cast %get3A_599 : vector<1x1x512xf32> to vector<1x512xf32>
    %dot_general3A = arith.constant dense<0.000000e+00> : vector<256x1xf32>
    %dot_general3A_601 = tpu.matmul %get3A_595, %get3A_600, %dot_general3A {dimension_numbers = #tpu.dot_dimension_numbers<[1], [1], [0], [0], [0, 0, 1, 0], [], []>, transpose_lhs_hint = false} : vector<256x512xf32>, vector<1x512xf32>, vector<256x1xf32> -> vector<256x1xf32>
    %get3A_602 = arith.constant 0 : index
    %get3A_603 = arith.constant 0 : index
    %get3A_604 = vector.load %arg4[%get3A_602, %get3A_603] : memref<512x64xf32, #tpu.memory_space<vmem>>, vector<256x64xf32>
    %get3A_605 = arith.constant 0 : index
    %get3A_606 = arith.constant 0 : index
    %get3A_607 = vector.load %arg16[%get3A_605, %get3A_606] : memref<64x4096xf32, #tpu.memory_space<vmem>>, vector<64x4096xf32>
    %dot_general3A_608 = arith.constant dense<0.000000e+00> : vector<256x4096xf32>
    %dot_general3A_609 = tpu.matmul %get3A_604, %get3A_607, %dot_general3A_608 {dimension_numbers = #tpu.dot_dimension_numbers<[1], [0], [0], [1], [0, 0, 1, 1], [], []>, transpose_lhs_hint = false} : vector<256x64xf32>, vector<64x4096xf32>, vector<256x4096xf32> -> vector<256x4096xf32>
    %get3A_610 = arith.constant 0 : index
    %get3A_611 = arith.constant 0 : index
    %get3A_612 = arith.constant 0 : index
    %get3A_613 = vector.load %arg8[%get3A_610, %get3A_611, %get3A_612] : memref<1x256x4096xf32, #tpu.memory_space<vmem>>, vector<1x256x4096xf32>
    %get3A_614 = vector.shape_cast %get3A_613 : vector<1x256x4096xf32> to vector<256x4096xf32>
    %add3A_615 = arith.addf %get3A_614, %dot_general3A_609 : vector<256x4096xf32>
    %add3A_616 = vector.broadcast %dot_general3A_601 : vector<256x1xf32> to vector<256x4096xf32>
    %add3A_617 = arith.addf %add3A_615, %add3A_616 : vector<256x4096xf32>
    %get3A_618 = arith.constant 0 : index
    %get3A_619 = arith.constant 0 : index
    %get3A_620 = vector.load %arg5[%get3A_618, %get3A_619] : memref<512x1xf32, #tpu.memory_space<vmem>>, vector<256x1xf32>
    %add3A_621 = vector.broadcast %get3A_620 : vector<256x1xf32> to vector<256x4096xf32>
    %add3A_622 = arith.addf %add3A_617, %add3A_621 : vector<256x4096xf32>
    %tanh3A = math.tanh %add3A_622 : vector<256x4096xf32>
    %get3A_623 = arith.constant 0 : index
    %get3A_624 = arith.constant 0 : index
    %get3A_625 = vector.load %arg6[%get3A_623, %get3A_624] : memref<1x512xf32, #tpu.memory_space<vmem>>, vector<1x256xf32>
    %dot_general3A_626 = arith.constant dense<0.000000e+00> : vector<1x4096xf32>
    %dot_general3A_627 = tpu.matmul %get3A_625, %tanh3A, %dot_general3A_626 {dimension_numbers = #tpu.dot_dimension_numbers<[1], [0], [0], [1], [0, 0, 1, 1], [], []>, transpose_lhs_hint = false} : vector<1x256xf32>, vector<256x4096xf32>, vector<1x4096xf32> -> vector<1x4096xf32>
    %get3A_628 = arith.constant 256 : index
    %get3A_629 = arith.constant 0 : index
    %get3A_630 = vector.load %arg2[%get3A_628, %get3A_629] : memref<512x512xf32, #tpu.memory_space<vmem>>, vector<256x512xf32>
    %get3A_631 = arith.constant 0 : index
    %get3A_632 = arith.constant 0 : index
    %get3A_633 = arith.constant 0 : index
    %get3A_634 = vector.load %arg1[%get3A_631, %get3A_632, %get3A_633] : memref<1x1x512xf32, #tpu.memory_space<vmem>>, vector<1x1x512xf32>
    %get3A_635 = vector.shape_cast %get3A_634 : vector<1x1x512xf32> to vector<1x512xf32>
    %dot_general3A_636 = arith.constant dense<0.000000e+00> : vector<256x1xf32>
    %dot_general3A_637 = tpu.matmul %get3A_630, %get3A_635, %dot_general3A_636 {dimension_numbers = #tpu.dot_dimension_numbers<[1], [1], [0], [0], [0, 0, 1, 0], [], []>, transpose_lhs_hint = false} : vector<256x512xf32>, vector<1x512xf32>, vector<256x1xf32> -> vector<256x1xf32>
    %get3A_638 = arith.constant 256 : index
    %get3A_639 = arith.constant 0 : index
    %get3A_640 = vector.load %arg4[%get3A_638, %get3A_639] : memref<512x64xf32, #tpu.memory_space<vmem>>, vector<256x64xf32>
    %get3A_641 = arith.constant 0 : index
    %get3A_642 = arith.constant 0 : index
    %get3A_643 = vector.load %arg16[%get3A_641, %get3A_642] : memref<64x4096xf32, #tpu.memory_space<vmem>>, vector<64x4096xf32>
    %dot_general3A_644 = arith.constant dense<0.000000e+00> : vector<256x4096xf32>
    %dot_general3A_645 = tpu.matmul %get3A_640, %get3A_643, %dot_general3A_644 {dimension_numbers = #tpu.dot_dimension_numbers<[1], [0], [0], [1], [0, 0, 1, 1], [], []>, transpose_lhs_hint = false} : vector<256x64xf32>, vector<64x4096xf32>, vector<256x4096xf32> -> vector<256x4096xf32>
    %get3A_646 = arith.constant 0 : index
    %get3A_647 = arith.constant 0 : index
    %get3A_648 = arith.constant 0 : index
    %get3A_649 = vector.load %arg9[%get3A_646, %get3A_647, %get3A_648] : memref<1x256x4096xf32, #tpu.memory_space<vmem>>, vector<1x256x4096xf32>
    %get3A_650 = vector.shape_cast %get3A_649 : vector<1x256x4096xf32> to vector<256x4096xf32>
    %add3A_651 = arith.addf %get3A_650, %dot_general3A_645 : vector<256x4096xf32>
    %add3A_652 = vector.broadcast %dot_general3A_637 : vector<256x1xf32> to vector<256x4096xf32>
    %add3A_653 = arith.addf %add3A_651, %add3A_652 : vector<256x4096xf32>
    %get3A_654 = arith.constant 256 : index
    %get3A_655 = arith.constant 0 : index
    %get3A_656 = vector.load %arg5[%get3A_654, %get3A_655] : memref<512x1xf32, #tpu.memory_space<vmem>>, vector<256x1xf32>
    %add3A_657 = vector.broadcast %get3A_656 : vector<256x1xf32> to vector<256x4096xf32>
    %add3A_658 = arith.addf %add3A_653, %add3A_657 : vector<256x4096xf32>
    %tanh3A_659 = math.tanh %add3A_658 : vector<256x4096xf32>
    %get3A_660 = arith.constant 0 : index
    %get3A_661 = arith.constant 256 : index
    %get3A_662 = vector.load %arg6[%get3A_660, %get3A_661] : memref<1x512xf32, #tpu.memory_space<vmem>>, vector<1x256xf32>
    %dot_general3A_663 = arith.constant dense<0.000000e+00> : vector<1x4096xf32>
    %dot_general3A_664 = tpu.matmul %get3A_662, %tanh3A_659, %dot_general3A_663 {dimension_numbers = #tpu.dot_dimension_numbers<[1], [0], [0], [1], [0, 0, 1, 1], [], []>, transpose_lhs_hint = false} : vector<1x256xf32>, vector<256x4096xf32>, vector<1x4096xf32> -> vector<1x4096xf32>
    %add3A_665 = arith.addf %dot_general3A_627, %dot_general3A_664 : vector<1x4096xf32>
    %get3A_666 = arith.constant 0 : index
    %get3A_667 = arith.constant 0 : index
    %get3A_668 = vector.load %arg7[%get3A_666, %get3A_667] : memref<1x1xf32, #tpu.memory_space<vmem>>, vector<1x1xf32>
    %get3A_669 = vector.extract %get3A_668[0, 0] : f32 from vector<1x1xf32>
    %add3A_670 = vector.broadcast %get3A_669 : f32 to vector<1x4096xf32>
    %add3A_671 = arith.addf %add3A_665, %add3A_670 : vector<1x4096xf32>
    %swap3A_672 = arith.constant 0 : index
    %swap3A_673 = arith.constant 0 : index
    %swap3A_674 = arith.constant 0 : index
    %swap3A_675 = vector.load %arg13[%swap3A_672, %swap3A_673, %swap3A_674] : memref<1x1x4096xf32, #tpu.memory_space<vmem>>, vector<1x1x4096xf32>
    %swap3A_676 = vector.shape_cast %swap3A_675 : vector<1x1x4096xf32> to vector<1x4096xf32>
    %swap3A_677 = vector.shape_cast %add3A_671 : vector<1x4096xf32> to vector<1x1x4096xf32>
    tpu.vector_store %arg13[%swap3A_672, %swap3A_673, %swap3A_674], %swap3A_677 {strides = array<i32>} : memref<1x1x4096xf32, #tpu.memory_space<vmem>>, vector<1x1x4096xf32>,
    %get3A_678 = arith.constant 0 : index
    %get3A_679 = arith.constant 0 : index
    %get3A_680 = arith.constant 0 : index
    %get3A_681 = vector.load %arg11[%get3A_678, %get3A_679, %get3A_680] : memref<1x1x4096xf32, #tpu.memory_space<vmem>>, vector<1x1x4096xf32>
    %get3A_682 = vector.shape_cast %get3A_681 : vector<1x1x4096xf32> to vector<1x4096xf32>
    %sub3A_683 = arith.constant 1.000000e+00 : f32
    %sub3A_684 = vector.broadcast %sub3A_683 : f32 to vector<1x4096xf32>
    %sub3A_685 = arith.subf %sub3A_684, %get3A_682 : vector<1x4096xf32>
    %mul3A_686 = arith.constant 1.000000e+08 : f32
    %mul3A_687 = vector.broadcast %mul3A_686 : f32 to vector<1x4096xf32>
    %mul3A_688 = arith.mulf %sub3A_685, %mul3A_687 : vector<1x4096xf32>
    %sub3A_689 = arith.subf %add3A_671, %mul3A_688 : vector<1x4096xf32>
    %reduce_max3A = arith.constant dense<0xFF800000> : vector<1xf32>
    %reduce_max3A_690 = vector.multi_reduction <maximumf>, %sub3A_689, %reduce_max3A [1] : vector<1x4096xf32> to vector<1xf32>
    %broadcast_in_dim3A_691 = vector.shape_cast %reduce_max3A_690 : vector<1xf32> to vector<1x1xf32>
    %sub3A_692 = vector.broadcast %broadcast_in_dim3A_691 : vector<1x1xf32> to vector<1x4096xf32>
    %sub3A_693 = arith.subf %sub3A_689, %sub3A_692 : vector<1x4096xf32>
    %exp3A = math.exp %sub3A_693 : vector<1x4096xf32>
    %reduce_sum3A = arith.constant dense<0.000000e+00> : vector<1xf32>
    %reduce_sum3A_694 = vector.multi_reduction <add>, %exp3A, %reduce_sum3A [1] : vector<1x4096xf32> to vector<1xf32>
    %broadcast_in_dim3A_695 = vector.shape_cast %reduce_sum3A_694 : vector<1xf32> to vector<1x1xf32>
    %div3A_696 = vector.broadcast %broadcast_in_dim3A_695 : vector<1x1xf32> to vector<1x4096xf32>
    %div3A_697 = arith.divf %exp3A, %div3A_696 : vector<1x4096xf32>
    %swap3A_698 = arith.constant 0 : index
    %swap3A_699 = arith.constant 0 : index
    %swap3A_700 = arith.constant 0 : index
    %swap3A_701 = vector.load %arg14[%swap3A_698, %swap3A_699, %swap3A_700] : memref<1x1x4096xf32, #tpu.memory_space<vmem>>, vector<1x1x4096xf32>
    %swap3A_702 = vector.shape_cast %swap3A_701 : vector<1x1x4096xf32> to vector<1x4096xf32>
    %swap3A_703 = vector.shape_cast %div3A_697 : vector<1x4096xf32> to vector<1x1x4096xf32>
    tpu.vector_store %arg14[%swap3A_698, %swap3A_699, %swap3A_700], %swap3A_703 {strides = array<i32>} : memref<1x1x4096xf32, #tpu.memory_space<vmem>>, vector<1x1x4096xf32>,
    %get3A_704 = arith.constant 0 : index
    %get3A_705 = arith.constant 0 : index
    %get3A_706 = arith.constant 0 : index
    %get3A_707 = vector.load %arg10[%get3A_704, %get3A_705, %get3A_706] : memref<1x1x4096xf32, #tpu.memory_space<vmem>>, vector<1x1x4096xf32>
    %get3A_708 = vector.shape_cast %get3A_707 : vector<1x1x4096xf32> to vector<1x4096xf32>
    %get3A_709 = arith.constant 0 : index
    %get3A_710 = arith.constant 0 : index
    %get3A_711 = arith.constant 0 : index
    %get3A_712 = vector.load %arg12[%get3A_709, %get3A_710, %get3A_711] : memref<1x1x4096xf32, #tpu.memory_space<vmem>>, vector<1x1x4096xf32>
    %get3A_713 = vector.shape_cast %get3A_712 : vector<1x1x4096xf32> to vector<1x4096xf32>
    %add3A_714 = arith.addf %get3A_708, %get3A_713 : vector<1x4096xf32>
    %min3A = arith.constant 1.000000e+00 : f32
    %min3A_715 = vector.broadcast %min3A : f32 to vector<1x4096xf32>
    %min3A_716 = arith.minimumf %add3A_714, %min3A_715 : vector<1x4096xf32>
    %swap3A_717 = arith.constant 0 : index
    %swap3A_718 = arith.constant 0 : index
    %swap3A_719 = arith.constant 0 : index
    %swap3A_720 = vector.load %arg15[%swap3A_717, %swap3A_718, %swap3A_719] : memref<1x1x4096xf32, #tpu.memory_space<vmem>>, vector<1x1x4096xf32>
    %swap3A_721 = vector.shape_cast %swap3A_720 : vector<1x1x4096xf32> to vector<1x4096xf32>
    %swap3A_722 = vector.shape_cast %min3A_716 : vector<1x4096xf32> to vector<1x1x4096xf32>
    tpu.vector_store %arg15[%swap3A_717, %swap3A_718, %swap3A_719], %swap3A_722 {strides = array<i32>} : memref<1x1x4096xf32, #tpu.memory_space<vmem>>, vector<1x1x4096xf32>,
    return
  }
  func.func @transform_0(%arg0: i32) -> (i32, i32, i32) {
    %c0_i32 = arith.constant 0 : i32
    %c0_i32_0 = arith.constant 0 : i32
    %c0_i32_1 = arith.constant 0 : i32
    return %arg0, %c0_i32, %c0_i32_0 : i32, i32, i32
  }
  func.func @transform_1(%arg0: i32) -> (i32, i32) {
    %c0_i32 = arith.constant 0 : i32
    %c0_i32_0 = arith.constant 0 : i32
    %c0_i32_1 = arith.constant 0 : i32
    return %c0_i32, %c0_i32_0 : i32, i32
  }
  func.func @transform_2(%arg0: i32) -> (i32, i32, i32) {
    %c0_i32 = arith.constant 0 : i32
    %c0_i32_0 = arith.constant 0 : i32
    %c0_i32_1 = arith.constant 0 : i32
    return %arg0, %c0_i32, %c0_i32_0 : i32, i32, i32
  }
  func.func @transform_3(%arg0: i32) -> (i32, i32) {
    %c0_i32 = arith.constant 0 : i32
    %c0_i32_0 = arith.constant 0 : i32
    %c0_i32_1 = arith.constant 0 : i32
    return %c0_i32, %c0_i32_0 : i32, i32
  }
  func.func @transform_4(%arg0: i32) -> (i32, i32) {
    %c0_i32 = arith.constant 0 : i32
    %c0_i32_0 = arith.constant 0 : i32
    %c0_i32_1 = arith.constant 0 : i32
    return %c0_i32, %c0_i32_0 : i32, i32
  }
  func.func @transform_5(%arg0: i32) -> (i32, i32) {
    %c0_i32 = arith.constant 0 : i32
    %c0_i32_0 = arith.constant 0 : i32
    %c0_i32_1 = arith.constant 0 : i32
    return %c0_i32, %c0_i32_0 : i32, i32
  }
  func.func @transform_6(%arg0: i32) -> (i32, i32) {
    %c0_i32 = arith.constant 0 : i32
    %c0_i32_0 = arith.constant 0 : i32
    %c0_i32_1 = arith.constant 0 : i32
    return %c0_i32, %c0_i32_0 : i32, i32
  }
  func.func @transform_7(%arg0: i32) -> (i32, i32, i32) {
    %c0_i32 = arith.constant 0 : i32
    %c0_i32_0 = arith.constant 0 : i32
    %c0_i32_1 = arith.constant 0 : i32
    return %arg0, %c0_i32, %c0_i32_0 : i32, i32, i32
  }
  func.func @transform_8(%arg0: i32) -> (i32, i32, i32) {
    %c1_i32 = arith.constant 1 : i32
    %c0_i32 = arith.constant 0 : i32
    %c0_i32_0 = arith.constant 0 : i32
    return %arg0, %c1_i32, %c0_i32 : i32, i32, i32
  }
  func.func @transform_9(%arg0: i32) -> (i32, i32, i32) {
    %c0_i32 = arith.constant 0 : i32
    %c0_i32_0 = arith.constant 0 : i32
    %c0_i32_1 = arith.constant 0 : i32
    return %arg0, %c0_i32, %c0_i32_0 : i32, i32, i32
  }
  func.func @transform_10(%arg0: i32) -> (i32, i32, i32) {
    %c0_i32 = arith.constant 0 : i32
    %c0_i32_0 = arith.constant 0 : i32
    %c0_i32_1 = arith.constant 0 : i32
    return %arg0, %c0_i32, %c0_i32_0 : i32, i32, i32
  }
  func.func @transform_11(%arg0: i32) -> (i32, i32, i32) {
    %c0_i32 = arith.constant 0 : i32
    %c0_i32_0 = arith.constant 0 : i32
    %c0_i32_1 = arith.constant 0 : i32
    return %arg0, %c0_i32, %c0_i32_0 : i32, i32, i32
  }
  func.func @transform_12(%arg0: i32) -> (i32, i32, i32) {
    %c0_i32 = arith.constant 0 : i32
    %c0_i32_0 = arith.constant 0 : i32
    %c0_i32_1 = arith.constant 0 : i32
    return %arg0, %c0_i32, %c0_i32_0 : i32, i32, i32
  }
  func.func @transform_13(%arg0: i32) -> (i32, i32, i32) {
    %c0_i32 = arith.constant 0 : i32
    %c0_i32_0 = arith.constant 0 : i32
    %c0_i32_1 = arith.constant 0 : i32
    return %arg0, %c0_i32, %c0_i32_0 : i32, i32, i32
  }
  func.func @transform_14(%arg0: i32) -> (i32, i32, i32) {
    %c0_i32 = arith.constant 0 : i32
    %c0_i32_0 = arith.constant 0 : i32
    %c0_i32_1 = arith.constant 0 : i32
    return %arg0, %c0_i32, %c0_i32_0 : i32, i32, i32
  }
}

</mosaic_0001>

<sc_bundles>
// kernel: kernel.4.cloned.1.call-start
scs
__scs_entry_jumppad:
0x0: {  	(pc) =	sbr.rel $0x88, $3  }
0x1: {  	(tag) =	ssettag $0x0;
	lr =	simm.s32 $0x1  }
0x2: {  	[smem:$0x3F91] =	sst lr;
	_ =	strace $0xD0000000  }
0x3: {  	_ = 	snop  }
0x4: {  	_ = 	snop  }
0x5: {  	_ = 	snop  }
0x6: {  	_ = 	snop  }
0x7: {  	_ = 	snop  }
__scs_overlays_trampoline_lowered:
0x8: {  	[smem:$0x3FA0] =	sst s0  }
0x9: {  	[smem:$0x3FA1] =	sst s1  }
0xa: {  	[smem:$0x3FA2] =	sst s2  }
0xb: {  	[smem:$0x3FA3] =	sst s3  }
0xc: {  	[smem:$0x3FA4] =	sst s4  }
0xd: {  	[smem:$0x3FA5] =	sst s5  }
0xe: {  	[smem:$0x3FA6] =	sst s6  }
0xf: {  	[smem:$0x3FA7] =	sst s7  }
0x10: {  	[smem:$0x3FA8] =	sst s8  }
0x11: {  	[smem:$0x3FA9] =	sst s9;
	s0 =	simm.s32 @!p0 $0x0  }
0x12: {  	s1 =	sld [smem:$0x3F8F];
	s0 =	simm.s32 @p0 $0x1  }
0x13: {  	[smem:$0x3FAA] =	sst s0;
	s0 =	simm.s32 @!p1 $0x0  }
0x14: {  	s2 =	sld [smem:$0x3F8E];
	s0 =	simm.s32 @p1 $0x1  }
0x15: {  	[smem:$0x3FAB] =	sst s0;
	s0 =	simm.s32 @!p2 $0x0  }
0x16: {  	s3 =	sld [smem:$0x3FDB];
	s0 =	simm.s32 @p2 $0x1  }
0x17: {  	s4 =	simm.s32 $0x1BF5;
	[smem:$0x3FAD] =	sst s0  }
0x18: {  	s0 =	sld [smem:$0x3F90];
	_ =	swait.ge [sflag:s4], $0x0  }
0x19: {  	s7 =	sld [smem:$0x3F91]  }
0x1a: {  	s8 =	sadd.s32 $0xFFFFE003, lr  }
0x1b: {  	s9 =	sadd.s32 $0xFFFFFEF7, lr;
	s5 =	simm.s32 $0xFFFFFFFF;
	p2 =	slt.u32 s8, $0xFFFFF086  }
0x1c: {  	p1 =	slt.u32 s9, $0xF7A;
	s5 =	simm.s32 @!p2 $0x0  }
0x1d: {  	s5 =	simm.s32 @p1 $0x1;
	p0 =	seq.s32 s7, s2  }
0x1e: {  	s7 =	smul.u32 @!p0 $0xF7A, s2;
	p2 =	seq.s32 @!p0 s5, $0x0  }
0x1f: {  	s9 =	smul.u32 $0xF7A, s1;
	s8 =	simm.s32 @!p0 $0x1BF5;
	p2 =	por !p2, p0  }
0x20: {  	[sflag:s8] =	ssyncset.s32 @!p0 $0xFFFFF086;
	s6 =	sadd.s32 @!p0 s3, s7;
	s7 =	simm.s32 @!p0 $0x108  }
0x21: {  	s3 =	sadd.s32 s3, s9;
	s6 =	sadd.s32 @!p0 $0x88, s6;
	s7 =	simm.s32 @p2 $0x1082  }
0x22: {  	[simem:s7], [sflag:s8] =	dma.local @!p0 [hbm:s6], $0xF7A  }
0x23: {  	s9 =	sor.u32 $0xD0000000, s2;
	s6 =	simm.s32 $0x108;
	_ =	swait.ge @!p0 [sflag:s8], $0x0  }
0x24: {  	s3 =	sadd.s32 $0x88, s3;
	s6 =	simm.s32 @!p1 $0x1082;
	[sflag:s4] =	ssyncset.s32 $0xFFFFF086  }
0x25: {  	[simem:s6], [sflag:s4] =	dma.local [hbm:s3], $0xF7A  }
0x26: {  	[smem:$0x3F91] =	sst s1;
	(tag) =	ssettag s2;
	_ =	strace s9  }
0x27: {  	s1 =	sld [smem:$0x3FA1]  }
0x28: {  	s2 =	sld [smem:$0x3FA2]  }
0x29: {  	s4 =	sld [smem:$0x3FA4]  }
0x2a: {  	p0 =	seq.s32 s5, $0x0;
	s5 =	sld [smem:$0x3FA5]  }
0x2b: {  	s6 =	sld [smem:$0x3FA6]  }
0x2c: {  	s7 =	sld [smem:$0x3FA7]  }
0x2d: {  	s3 =	simm.s32 $0x108;
	s8 =	sld [smem:$0x3FA8]  }
0x2e: {  	s3 =	simm.s32 @!p0 $0x1082;
	s9 =	sld [smem:$0x3FA9]  }
0x2f: {  	lr =	sadd.s32 s0, s3;
	s0 =	sld [smem:$0x3FA0]  }
0x30: {  	s3 =	sld [smem:$0x3FA3]  }
0x31: {  	[smem:$0x3FAC] =	sst s10  }
0x32: {  	s10 =	sld [smem:$0x3FAA];
	_ =	sdelay $0x3  }
0x33: {  	p0 =	seq.s32 s10, $0x1;
	s10 =	sld [smem:$0x3FAC];
	_ =	sdelay $0x3  }
0x34: {  	[smem:$0x3FAC] =	sst s10  }
0x35: {  	s10 =	sld [smem:$0x3FAB];
	_ =	sdelay $0x3  }
0x36: {  	p1 =	seq.s32 s10, $0x1;
	s10 =	sld [smem:$0x3FAC];
	_ =	sdelay $0x3  }
0x37: {  	[smem:$0x3FAC] =	sst s10  }
0x38: {  	s10 =	sld [smem:$0x3FAD]  }
0x39: {  	_ = 	snop;
	(pc) =	sbr.ind lr, $3  }
0x3a: {  	_ = 	snop  }
0x3b: {  	_ = 	snop  }
0x3c: {  	p2 =	seq.s32 s10, $0x1;
	s10 =	sld [smem:$0x3FAC]  }
0x3d: {  	_ =	shalt  }
0x3e: {  	_ =	shalt  }
0x3f: {  	_ =	shalt  }
0x40: {  	_ =	shalt  }
0x41: {  	_ =	shalt  }
0x42: {  	_ =	shalt  }
0x43: {  	_ =	shalt  }
0x44: {  	_ =	shalt  }
0x45: {  	_ =	shalt  }
0x46: {  	_ =	shalt  }
0x47: {  	_ =	shalt  }
0x48: {  	_ =	shalt  }
0x49: {  	_ =	shalt  }
0x4a: {  	_ =	shalt  }
0x4b: {  	_ =	shalt  }
0x4c: {  	_ =	shalt  }
0x4d: {  	_ =	shalt  }
0x4e: {  	_ =	shalt  }
0x4f: {  	_ =	shalt  }
0x50: {  	_ =	shalt  }
0x51: {  	_ =	shalt  }
0x52: {  	_ =	shalt  }
0x53: {  	_ =	shalt  }
0x54: {  	_ =	shalt  }
0x55: {  	_ =	shalt  }
0x56: {  	_ =	shalt  }
0x57: {  	_ =	shalt  }
0x58: {  	_ =	shalt  }
0x59: {  	_ =	shalt  }
0x5a: {  	_ =	shalt  }
0x5b: {  	_ =	shalt  }
0x5c: {  	_ =	shalt  }
0x5d: {  	_ =	shalt  }
0x5e: {  	_ =	shalt  }
0x5f: {  	_ =	shalt  }
0x60: {  	_ =	shalt  }
0x61: {  	_ =	shalt  }
0x62: {  	_ =	shalt  }
0x63: {  	_ =	shalt  }
0x64: {  	_ =	shalt  }
0x65: {  	_ =	shalt  }
0x66: {  	_ =	shalt  }
0x67: {  	_ =	shalt  }
0x68: {  	_ =	shalt  }
0x69: {  	_ =	shalt  }
0x6a: {  	_ =	shalt  }
0x6b: {  	_ =	shalt  }
0x6c: {  	_ =	shalt  }
0x6d: {  	_ =	shalt  }
0x6e: {  	_ =	shalt  }
0x6f: {  	_ =	shalt  }
0x70: {  	_ =	shalt  }
0x71: {  	_ =	shalt  }
0x72: {  	_ =	shalt  }
0x73: {  	_ =	shalt  }
0x74: {  	_ =	shalt  }
0x75: {  	_ =	shalt  }
0x76: {  	_ =	shalt  }
0x77: {  	_ =	shalt  }
0x78: {  	_ =	shalt  }
0x79: {  	_ =	shalt  }
0x7a: {  	_ =	shalt  }
0x7b: {  	_ =	shalt  }
0x7c: {  	_ =	shalt  }
0x7d: {  	_ =	shalt  }
0x7e: {  	_ =	shalt  }
0x7f: {  	_ =	shalt  }
0x80: {  	_ =	shalt  }
0x81: {  	_ =	shalt  }
0x82: {  	_ =	shalt  }
0x83: {  	_ =	shalt  }
0x84: {  	_ =	shalt  }
0x85: {  	_ =	shalt  }
0x86: {  	_ =	shalt  }
0x87: {  	_ =	shalt  }
.Lfunc_end0:
.L_simem_size_0:
called_computation_lowered:
.L_overlay_start_0:
0x88: {  	s2 =	sld [smem:$0x3FD9]  }
0x89: {  	s3 =	sld [smem:$0x3FFE];
	_ =	sdelay $0x1  }
0x8a: {  	s1 =	srdreg.scid  }
0x8b: {  	s0 =	sand.u32 $0x1, s1  }
0x8c: {  	s14 =	sshll.u32 s0, $0xA;
	s2 =	sadd.s32 s3, s2  }
0x8d: {  	s2 =	sadd.s32 s2, s14  }
0x8e: {  	[smem:$0x3FB8] =	sst s2  }
0x8f: {  	_ = 	snop  }
0x90: {  	s2 =	sld [smem:$0x3FD0];
	_ =	sdelay $0x2  }
0x91: {  	s15 =	simm.s32 $0xA;
	s4 =	simm.s32 $0x10  }
0x92: {  	[smem:s4], [sflag:s15] =	dma.local [hbm:s2], $0x1  }
0x93: {  	_ =	swait.eq [sflag:s15], $0x1  }
0x94: {  	[sflag:s15] =	ssyncset.done $0x0  }
0x95: {  	[sflag:s15] =	ssyncadd.s32 $0xFFFFFFFF  }
0x96: {  	s16 =	sld [smem:$0x11];
	(tm) =	ssettm $0x1  }
0x97: {  	s17 =	sld [smem:$0x3FFB];
	_ =	sdelay $0x3  }
0x98: {  	_ =	strace s17  }
0x99: {  	s3 =	sld [smem:$0x3FFC];
	_ =	sdelay $0x3  }
0x9a: {  	_ =	strace s3  }
0x9b: {  	s3 =	sld [smem:$0x3FFD];
	_ =	sdelay $0x3  }
0x9c: {  	_ =	strace s3  }
0x9d: {  	_ =	strace $0x8FFFFFFF  }
0x9e: {  	s18 =	sld [smem:$0x3FDB];
	_ =	sdelay $0x1  }
0x9f: {  	s19 =	simm.s32 $_scs_section_size  }
0xa0: {  	s5 =	simm.s32 $_size__tile_overlayer_lowered;
	s6 =	simm.s32 $_tile_overlayer_lowered  }
0xa1: {  	s22 =	simm.s32 $0x1BFF;
	s21 =	sshll.u32 s6, $0x1;
	s3 =	sadd.s32 s19, s18  }
0xa2: {  	s7 =	simm.s32 $0x0;
	s20 =	sshll.u32 s5, $0x1;
	s5 =	sadd.s32 s21, s3  }
0xa3: {  	[timem:s7], [sflag:s22] =	dma.local [hbm:s5], s20  }
0xa4: {  	_ =	swait.ge [sflag:s22], s20  }
0xa5: {  	s4 =	ssub.s32 $0x0, s20;
	[sflag:s22] =	ssyncset.done $0x0  }
0xa6: {  	[sflag:s22] =	ssyncadd.s32 s4;
	_ =	sdelay $0x1  }
0xa7: {  	s23 =	simm.s32 $0x1B8B  }
0xa8: {  	_ =	swait.ge [sflag:s23], $0x1  }
0xa9: {  	[sflag:s23] =	ssyncset.done $0x0  }
0xaa: {  	s25 =	simm.s32 $0x1B8E;
	s24 =	sld [smem:$0x3FFE];
	[sflag:s23] =	ssyncadd.s32 $0xFFFFFFFF  }
0xab: {  	s26 =	simm.s32 $execute0_lowered;
	[smem:$0x3FD2] =	sst s25  }
0xac: {  	s5 =	sshll.u32 s26, $0x1;
	_ =	strace $0x80000046;
	[dreg:$0x1] =	wrdreg $0xFFFFFFFF  }
0xad: {  	s28 =	simm.s32 $_size_execute0_lowered;
	s3 =	sadd.s32 s3, s5;
	[dreg:$0x0] =	wrdreg $0x0  }
0xae: {  	s5 =	sshll.u32 s28, $0x1;
	[dreg:$0x2] =	wrdreg s3  }
0xaf: {  	[dreg:$0x3] =	wrdreg s5  }
0xb0: {  	[dreg:$0x4] =	wrdreg $0xC0  }
0xb1: {  	_ =	task [dreg:s7], $0x5FFFF  }
0xb2: {  	[dreg:$0x1] =	wrdreg $0xFFFFFFFF  }
0xb3: {  	[dreg:$0x0] =	wrdreg $0x60  }
0xb4: {  	[dreg:$0x2] =	wrdreg s24  }
0xb5: {  	[dreg:$0x3] =	wrdreg s16  }
0xb6: {  	[dreg:$0x4] =	wrdreg $0x9  }
0xb7: {  	_ =	task.clear_ibuf [dreg:s7], $0x5FFFF;
	_ =	strace $0x90000046  }
0xb8: {  	s29 =	simm.s32 $0x9;
	_ =	strace $0x80000048  }
0xb9: {  	_ =	swait.ge [sflag:s29], $0x1  }
0xba: {  	[sflag:s29] =	ssyncadd.s32 $0xFFFFFFFF  }
0xbb: {  	_ =	strace $0x90000048  }
0xbc: {  	_ =	sfence  }
0xbd: {  	s30 =	sld [smem:$0x0];
	_ =	sdelay $0x2  }
0xbe: {  	s31 =	sshll.u32 s1, $0xD;
	s1 =	sshrl.u32 s1, $0x2  }
0xbf: {  	s3 =	sand.u32 $0x4000, s31;
	s1 =	sadd.s32 s1, s30  }
0xc0: {  	s0 =	sor.u32 s3, s0;
	s1 =	sshll.u32 s1, $0x11  }
0xc1: {  	s0 =	sor.u32 s1, s0  }
0xc2: {  	s0 =	sadd.s32 $0x8F2B, s0  }
0xc3: {  	[sflag:s0] =	ssyncadd.remote.s32 $0x1  }
0xc4: {  	_ =	sfence.sel $0xFFFF  }
0xc5: {  	[dreg:$0x0] =	wrdreg $0xFFFFFFFF;
	(pc) =	sbr.abs _section_cstart, $3  }
0xc6: {  	[dreg:$0x1] =	wrdreg $0xFFFFFFFF  }
0xc7: {  	_ =	task.clear_ibuf [dreg:s7], $0x2FFFF;
	_ =	strace $0x9FFFFFFF  }
0xc8: {  	(tm) =	ssettm $0x7FFFFFFF  }
0xc9: {  	_ =	shalt  }
tec
execute0_lowered:
.L_overlay_start_1:
0x0: {  	(tag) =	ssettag $0x1  }
0x1: {  	s0 =	rddreg [dreg:$0x0]  }
0x2: {  	s1 =	rddreg [dreg:$0x1];
	s7 =	stileid.u32  }
0x3: {  	s9 =	simm.s32 $0x0;
	s5 =	srdreg.scid;
	s2 =	sshrl.u32 s7, $0x3  }
0x4: {  	s3 =	sshll.u32 s7, $0x7;
	[smem:$0x7FF] =	sst s9;
	s5 =	sand.u32 $0x1, s5  }
0x5: {  	s22 =	sadd.s32 $0x400, s0;
	s21 =	sshll.u32 s7, $0x15;
	s3 =	sand.u32 $0x380, s3  }
0x6: {  	s4 =	sshll.u32 s2, $0xF;
	_ =	strace $0x80000047;
	s23 =	ssub.s32 $0x2, s5  }
0x7: {  	s24 =	sshll.u32 s5, $0x14;
	s2 =	sshll.u32 s2, $0xC;
	[dreg:$0x4] =	wrdreg s22  }
0x8: {  	s8 =	sshll.u32 s5, $0xB;
	s5 =	sshll.u32 s5, $0x8;
	[dreg:$0x5] =	wrdreg s21  }
0x9: {  	s4 =	sor.u32 s3, s4;
	s6 =	sshrl.u32 s23, $0x1;
	s29 =	sor.u32 $0x10, s5  }
0xa: {  	s7 =	sor.u32 s24, s21;
	s30 =	sor.u32 $0x18, s5;
	[dreg:$0x9] =	wrdreg s29  }
0xb: {  	s4 =	sshrl.u32 s4, $0x3;
	s25 =	sshrl.u32 s7, $0x3;
	[dreg:$0xa] =	wrdreg s30  }
0xc: {  	s0 =	sadd.s32 s4, s0;
	s4 =	ssub.s32 s23, s6;
	s6 =	sadd.s32 s22, s25  }
0xd: {  	vm0 =	vcmask $0x300;
	vm1 =	vcmask $0x704;
	vm2 =	vcmask $0xB08;
	s2 =	sor.u32 s8, s2;
	s0 =	sadd.s32 $0x400400, s0;
	[dreg:$0x6] =	wrdreg s6  }
0xe: {  	vm3 =	vcmask $0xF0C;
	vm4 =	vcmask $0x1310;
	vm5 =	vcmask $0x1714;
	s2 =	sor.u32 s3, s2;
	s26 =	sadd.s32 $0x1000, s6;
	[dreg:$0x7] =	wrdreg s0  }
0xf: {  	vm6 =	vcmask $0x1B18;
	vm7 =	vcmask $0x1F1C;
	vm8 =	vcmask $0x2320;
	s28 =	sshrl.u32 s2, $0x3;
	s31 =	smax.u32 s4, $0x1;
	[dreg:$0x8] =	wrdreg s26  }
0x10: {  	vm9 =	vcmask $0x2724;
	vm10 =	vcmask $0x2B28;
	vm11 =	vcmask $0x2F2C;
	s2 =	simm.s32 $0x400;
	s0 =	sadd.s32 s1, s28;
	[dreg:$0xc] =	wrdreg s31  }
0x11: {  	vm12 =	vcmask $0x3330;
	vm13 =	vcmask $0x3734;
	vm14 =	vcmask $0x3B38;
	s4 =	simm.s32 $0x3;
	s1 =	simm.s32 $0x80;
	[dreg:$0xb] =	wrdreg s0  }
.LBB2_1:
0x12: {  	[dreg:$0x3] =	wrdreg s9  }
0x13: {  	s0 =	rddreg [dreg:$0x7];
	s3 =	simm.s32 $0x10000  }
0x14: {  	[tilespmem:s3], [sflag:$0x3] =	stream.strided.gather [hbm4b:s0+s1], $0x1000, s2, s1, $0x38;
	[tilespmem:$0x11100] =	vst v63  }
0x15: {  	_ =	swait.ge [sflag:s4], $0x1000  }
0x16: {  	[sflag:s4] =	ssyncset.done $0x0  }
0x17: {  	s31 =	simm.s32 $0x0;
	[sflag:s4] =	ssyncadd.s32 $0xFFFFF000  }
0x18: {  	v0 =	vimm.f32 $0.0e+00;
	s0 =	simm.s32 $0x40;
	v1 =	vld [tilespmem:s31+$0x10000]  }
.LBB2_2:
0x19: {  	p0 =	sne.s32 s0, $0x3FC0  }
.Ltmp0:
0x1a: {  	_ = 	snop;
	(pc) =	sbr.rel @p0 .LBB2_2-.Ltmp0, $3  }
0x1b: {  	_ =	sdelay $0x1  }
0x1c: {  	s1 =	sshra.s32 s0, $0x2;
	s0 =	sadd.s32 $0x40, s0;
	v0 =	vadd.f32 v1, v0  }
0x1d: {  	v1 =	vld [tilespmem:s1+$0x10000]  }
0x1e: {  	_ =	sdelay $0x3  }
0x1f: {  	v0 =	vadd.f32 v1, v0;
	_ =	sdelay $0x1  }
0x20: {  	(v2sf) =	vpush v0, $0x0  }
0x21: {  	(v2sf) =	vpush v0, $0x1;
	_ =	sdelay $0x1  }
0x22: {  	(v2sf) =	vpush v0, $0x2;
	_ =	sdelay $0x1  }
0x23: {  	(v2sf) =	vpush v0, $0x3;
	_ =	sdelay $0x1  }
0x24: {  	(v2sf) =	vpush v0, $0x4;
	_ =	sdelay $0x1  }
0x25: {  	(v2sf) =	vpush v0, $0x5;
	_ =	sdelay $0x1  }
0x26: {  	(v2sf) =	vpush v0, $0x6;
	_ =	sdelay $0x1  }
0x27: {  	(v2sf) =	vpush v0, $0x7;
	_ =	sdelay $0x1  }
0x28: {  	s0 =	spop (v2sf);
	(v2sf) =	vpush v0, $0x8  }
0x29: {  	s1 =	spop (v2sf)  }
0x2a: {  	(v2sf) =	vpush v0, $0x9;
	s0 =	sadd.f32 s1, s0  }
0x2b: {  	s12 =	spop (v2sf)  }
0x2c: {  	(v2sf) =	vpush v0, $0xA;
	s0 =	sadd.f32 s0, s12  }
0x2d: {  	s13 =	spop (v2sf)  }
0x2e: {  	(v2sf) =	vpush v0, $0xB;
	s0 =	sadd.f32 s0, s13  }
0x2f: {  	s14 =	spop (v2sf)  }
0x30: {  	(v2sf) =	vpush v0, $0xC;
	s0 =	sadd.f32 s0, s14  }
0x31: {  	s15 =	spop (v2sf)  }
0x32: {  	(v2sf) =	vpush v0, $0xD;
	s0 =	sadd.f32 s0, s15  }
0x33: {  	s16 =	spop (v2sf)  }
0x34: {  	(v2sf) =	vpush v0, $0xE;
	s0 =	sadd.f32 s0, s16  }
0x35: {  	s17 =	spop (v2sf)  }
0x36: {  	(v2sf) =	vpush v0, $0xF;
	s0 =	sadd.f32 s0, s17  }
0x37: {  	s18 =	spop (v2sf)  }
0x38: {  	s0 =	sadd.f32 s0, s18  }
0x39: {  	s19 =	spop (v2sf)  }
0x3a: {  	s0 =	sadd.f32 s0, s19  }
0x3b: {  	s20 =	spop (v2sf)  }
0x3c: {  	s0 =	sadd.f32 s0, s20  }
0x3d: {  	s23 =	spop (v2sf)  }
0x3e: {  	s0 =	sadd.f32 s0, s23  }
0x3f: {  	s24 =	spop (v2sf)  }
0x40: {  	s0 =	sadd.f32 s0, s24  }
0x41: {  	s25 =	spop (v2sf)  }
0x42: {  	s0 =	sadd.f32 s0, s25  }
0x43: {  	s26 =	spop (v2sf)  }
0x44: {  	s0 =	sadd.f32 s0, s26  }
0x45: {  	s28 =	spop (v2sf)  }
0x46: {  	s0 =	sadd.f32 s0, s28;
	_ =	sdelay $0x1  }
0x47: {  	v0 =	vmov s0  }
0x48: {  	v0 =	vadd.f32 $0.0e+00, v0;
	_ =	sdelay $0x1  }
0x49: {  	v0 =	vbroadcast v0, $0x0;
	_ =	sdelay $0x1  }
0x4a: {  	v1 =	vmax.f32 v0, $1.000000000e+00  }
0x4b: {  	(erf) = vrcp.f32 v1;
	_ =	sdelay $0x5  }
0x4c: {  	s2 =	simm.s32 $0x0;
	s29 =	rddreg [dreg:$0x6]  }
0x4d: {  	[tilespmem:s2], [sflag:$0x1] =	stream.linear.gather [hbm4b:s29+s2], $0x8000, $0x38;
	[tilespmem:$0x11100] =	vst v63  }
0x4e: {  	s30 =	rddreg [dreg:$0x8];
	s31 =	simm.s32 $0x8000  }
0x4f: {  	[tilespmem:s31], [sflag:$0x2] =	stream.linear.gather [hbm4b:s30+s2], $0x8000, $0x38;
	vm15 =	vgt.f32 v0, $0.0e+00;
	v0 =	vpop (erf);
	[tilespmem:$0x11100] =	vst v63  }
0x50: {  	s18 =	simm.s32 $0x0;
	v0 =	vnsel vm15, $0x0, v0  }
.LBB2_4:
0x51: {  	s1 =	simm.s32 $0x1;
	s2 =	simm.s32 $0x0  }
0x52: {  	_ =	swait.ge [sflag:s1], $0x8000;
	s0 =	sand.u32 $0x7, s2  }
0x53: {  	[sflag:s1] =	ssyncset.done $0x0;
	s0 =	sshll.u32 s0, $0x4  }
0x54: {  	[sflag:s1] =	ssyncadd.s32 $0xFFFF8000;
	s1 =	simm.s32 $0x10000;
	s0 =	sadd.s32 $0x0, s0  }
0x55: {  	s31 =	sand.u32 $0x70, s2;
	s2 =	sand.u32 $0x7C00, s2;
	v3 =	vld [tilespmem:s1+$0x0];
	s0 =	sor.u32 $0x380, s0  }
0x56: {  	v2 =	vld [tilespmem:s0+$0x0];
	s0 =	sor.u32 s31, s2  }
0x57: {  	v16 =	vld [tilespmem:s0+$0x0]  }
0x58: {  	v14 =	vld [tilespmem:s0+$0x80]  }
0x59: {  	v1 =	vimm.f32 $0.0e+00;
	v15 =	vimm.f32 $0.0e+00;
	v11 =	vimm.f32 $0.0e+00;
	v10 =	vld [tilespmem:s0+$0x100]  }
0x5a: {  	s3 =	simm.s32 $0x1;
	s4 =	simm.s32 $0x10;
	v7 =	vimm.f32 $0.0e+00;
	v12 =	vimm.f32 $0.0e+00;
	s5 =	simm.s32 $0x0;
	v8 =	vimm.f32 $0.0e+00;
	v13 =	vld [tilespmem:s0+$0x180]  }
0x5b: {  	v6 =	vimm.f32 $0.0e+00;
	v4 =	vimm.f32 $0.0e+00;
	s6 =	sand.u32 $0x70, s4;
	s4 =	simm.s32 $0x20;
	s2 =	sand.u32 $0x7, s3;
	v9 =	vld [tilespmem:s0+$0x200];
	v2 =	vmul.f32 v2, v3  }
.LBB2_5:
0x5c: {  	p0 =	sne.s32 s4, $0xFF0;
	s2 =	sshll.u32 s2, $0x4;
	v5 =	vmul.f32 v16, v3;
	v17 =	vld [tilespmem:s0+$0x280];
	s5 =	sadd.s32 $0x80, s5  }
0x5d: {  	s1 =	sadd.s32 $0x10, s1;
	s2 =	sadd.s32 s2, s5;
	s7 =	sand.u32 $0x7C00, s5;
	v14 =	vmul.f32 v14, v3;
	v18 =	vld [tilespmem:s0+$0x300];
	v1 =	vadd.f32 v2, v1  }
0x5e: {  	v2 =	vld [tilespmem:s1+$0x0];
	s0 =	sor.u32 s6, s7;
	s2 =	sor.u32 $0x380, s2;
	v15 =	vadd.f32 v5, v15;
	v5 =	vmul.f32 v10, v3  }
0x5f: {  	v19 =	vld [tilespmem:s2+$0x0];
	v11 =	vadd.f32 v14, v11;
	v10 =	vmul.f32 v13, v3  }
.Ltmp1:
0x60: {  	v16 =	vld [tilespmem:s0+$0x0];
	v7 =	vadd.f32 v5, v7;
	v5 =	vmul.f32 v9, v3;
	(pc) =	sbr.rel @p0 .LBB2_5-.Ltmp1, $4  }
0x61: {  	v14 =	vld [tilespmem:s0+$0x80];
	v12 =	vadd.f32 v10, v12;
	v9 =	vmul.f32 v17, v3  }
0x62: {  	v10 =	vld [tilespmem:s0+$0x100];
	v8 =	vadd.f32 v5, v8;
	v5 =	vmul.f32 v18, v3  }
0x63: {  	s3 =	sadd.s32 $0x1, s3;
	v13 =	vld [tilespmem:s0+$0x180];
	v6 =	vadd.f32 v9, v6;
	v3 =	vmov v2  }
0x64: {  	s6 =	sand.u32 $0x70, s4;
	s4 =	sadd.s32 $0x10, s4;
	s2 =	sand.u32 $0x7, s3;
	v9 =	vld [tilespmem:s0+$0x200];
	v2 =	vmul.f32 v19, v3;
	v4 =	vadd.f32 v5, v4  }
0x65: {  	s17 =	sadd.s32 $0x80, s5  }
0x66: {  	s1 =	sadd.s32 $0x10, s1;
	s3 =	sand.u32 $0x7C00, s17  }
0x67: {  	v5 =	vld [tilespmem:s1+$0x0];
	s11 =	sor.u32 s6, s3  }
0x68: {  	v17 =	vld [tilespmem:s11+$0x0];
	_ =	sdelay $0x2  }
0x69: {  	v16 =	vmul.f32 v16, v3;
	_ =	sdelay $0x1  }
0x6a: {  	v15 =	vadd.f32 v16, v15;
	v16 =	vmul.f32 v17, v5;
	_ =	sdelay $0x1  }
0x6b: {  	v15 =	vadd.f32 v16, v15;
	_ =	sdelay $0x1  }
0x6c: {  	(v2sf) =	vpush v15, $0x0  }
0x6d: {  	(v2sf) =	vpush v15, $0x1  }
0x6e: {  	(v2sf) =	vpush v15, $0x2  }
0x6f: {  	(v2sf) =	vpush v15, $0x3  }
0x70: {  	(v2sf) =	vpush v15, $0x4  }
0x71: {  	(v2sf) =	vpush v15, $0x5  }
0x72: {  	(v2sf) =	vpush v15, $0x6  }
0x73: {  	v16 =	vld [tilespmem:s11+$0x80];
	(v2sf) =	vpush v15, $0x7  }
0x74: {  	(v2sf) =	vpush v15, $0x8  }
0x75: {  	(v2sf) =	vpush v15, $0x9  }
0x76: {  	v14 =	vmul.f32 v14, v3;
	(v2sf) =	vpush v15, $0xA  }
0x77: {  	(v2sf) =	vpush v15, $0xB  }
0x78: {  	v11 =	vadd.f32 v14, v11;
	v14 =	vmul.f32 v16, v5;
	(v2sf) =	vpush v15, $0xC  }
0x79: {  	(v2sf) =	vpush v15, $0xD  }
0x7a: {  	v11 =	vadd.f32 v14, v11;
	(v2sf) =	vpush v15, $0xE  }
0x7b: {  	s15 =	spop (v2sf);
	(v2sf) =	vpush v15, $0xF  }
0x7c: {  	s16 =	spop (v2sf);
	(v2sf) =	vpush v11, $0x0  }
0x7d: {  	s14 =	spop (v2sf);
	(v2sf) =	vpush v11, $0x1  }
0x7e: {  	s13 =	spop (v2sf);
	(v2sf) =	vpush v11, $0x2  }
0x7f: {  	s12 =	spop (v2sf);
	(v2sf) =	vpush v11, $0x3  }
0x80: {  	s10 =	spop (v2sf);
	(v2sf) =	vpush v11, $0x4  }
0x81: {  	s9 =	spop (v2sf)  }
0x82: {  	(v2sf) =	vpush v11, $0x5;
	s8 =	spop (v2sf)  }
0x83: {  	(v2sf) =	vpush v11, $0x6;
	s7 =	spop (v2sf)  }
0x84: {  	v15 =	vld [tilespmem:s11+$0x100];
	(v2sf) =	vpush v11, $0x7;
	s6 =	spop (v2sf)  }
0x85: {  	(v2sf) =	vpush v11, $0x8;
	s5 =	spop (v2sf)  }
0x86: {  	s26 =	sshll.u32 s2, $0x4;
	s19 =	sshll.u32 s18, $0x4;
	(v2sf) =	vpush v11, $0x9;
	s4 =	spop (v2sf)  }
0x87: {  	[dreg:$0xd] =	wrdreg s18;
	p0 =	seq.s32 s18, $0xF;
	v10 =	vmul.f32 v10, v3;
	(v2sf) =	vpush v11, $0xA;
	s3 =	spop (v2sf)  }
0x88: {  	s2 =	sadd.s32 s26, s17;
	s15 =	sadd.f32 s16, s15;
	(v2sf) =	vpush v11, $0xB;
	s1 =	spop (v2sf)  }
0x89: {  	s18 =	rddreg [dreg:$0x9];
	s17 =	sor.u32 $0x380, s2;
	v16 =	vadd.f32 v10, v7;
	v10 =	vld [tilespmem:s0+$0x300];
	v15 =	vmul.f32 v15, v5;
	(v2sf) =	vpush v11, $0xC;
	s2 =	spop (v2sf)  }
0x8a: {  	s18 =	sadd.s32 @!p0 s19, s18;
	v14 =	vld [tilespmem:s0+$0x280];
	s14 =	sadd.f32 s15, s14;
	s0 =	spop (v2sf);
	(v2sf) =	vpush v11, $0xD  }
0x8b: {  	s18 =	sshll.u32 @!p0 s18, $0xC;
	v16 =	vadd.f32 v15, v16;
	s28 =	spop (v2sf);
	(v2sf) =	vpush v11, $0xE  }
0x8c: {  	v18 =	vld [tilespmem:s11+$0x200];
	s18 =	sadd.s32 @!p0 s21, s18;
	s13 =	sadd.f32 s14, s13;
	s29 =	spop (v2sf);
	(v2sf) =	vpush v11, $0xF  }
0x8d: {  	[dreg:$0xe] =	wrdreg s19;
	s18 =	sshrl.u32 @!p0 s18, $0x3;
	v17 =	vld [tilespmem:s11+$0x180];
	s20 =	spop (v2sf);
	(v2sf) =	vpush v16, $0x0  }
0x8e: {  	s18 =	sadd.s32 @!p0 s22, s18;
	v15 =	vld [tilespmem:s11+$0x280];
	s12 =	sadd.f32 s13, s12;
	s30 =	spop (v2sf);
	(v2sf) =	vpush v16, $0x1  }
0x8f: {  	s22 =	simm.s32 @!p0 $0x0;
	v11 =	vld [tilespmem:s11+$0x300];
	s31 =	sadd.f32 s29, s28;
	s11 =	spop (v2sf);
	(v2sf) =	vpush v16, $0x2  }
0x90: {  	v7 =	vld [tilespmem:s17+$0x0];
	[tilespmem:s22], [sflag:$0x1] =	stream.linear.gather @!p0 [hbm4b:s18+s22], $0x8000, $0x38;
	(v2sf) =	vpush v16, $0x3  }
0x91: {  	s17 =	sadd.f32 s31, s20;
	s22 =	spop (v2sf);
	(v2sf) =	vpush v16, $0x4  }
0x92: {  	s10 =	sadd.f32 s12, s10;
	s23 =	spop (v2sf);
	(v2sf) =	vpush v16, $0x5  }
0x93: {  	s21 =	sadd.f32 s17, s30;
	s24 =	spop (v2sf);
	(v2sf) =	vpush v16, $0x6  }
0x94: {  	s9 =	sadd.f32 s10, s9;
	s25 =	spop (v2sf);
	(v2sf) =	vpush v16, $0x7  }
0x95: {  	s11 =	sadd.f32 s21, s11;
	s26 =	spop (v2sf);
	(v2sf) =	vpush v16, $0x8  }
0x96: {  	s8 =	sadd.f32 s9, s8;
	s18 =	spop (v2sf);
	(v2sf) =	vpush v16, $0x9  }
0x97: {  	v13 =	vmul.f32 v13, v3;
	s11 =	sadd.f32 s11, s22;
	s28 =	spop (v2sf);
	(v2sf) =	vpush v16, $0xA  }
0x98: {  	s7 =	sadd.f32 s8, s7;
	s30 =	spop (v2sf);
	(v2sf) =	vpush v16, $0xB  }
0x99: {  	v12 =	vadd.f32 v13, v12;
	v13 =	vmul.f32 v17, v5;
	s13 =	sadd.f32 s11, s23;
	s29 =	spop (v2sf);
	(v2sf) =	vpush v16, $0xC  }
0x9a: {  	s6 =	sadd.f32 s7, s6;
	s31 =	spop (v2sf);
	(v2sf) =	vpush v16, $0xD  }
0x9b: {  	v12 =	vadd.f32 v13, v12;
	s22 =	sadd.f32 s13, s24;
	s15 =	spop (v2sf);
	(v2sf) =	vpush v16, $0xE  }
0x9c: {  	s5 =	sadd.f32 s6, s5;
	s16 =	spop (v2sf);
	(v2sf) =	vpush v16, $0xF  }
0x9d: {  	s23 =	sadd.f32 s22, s25;
	s19 =	spop (v2sf);
	(v2sf) =	vpush v12, $0x0  }
0x9e: {  	s4 =	sadd.f32 s5, s4;
	s17 =	spop (v2sf);
	(v2sf) =	vpush v12, $0x1  }
0x9f: {  	s24 =	sadd.f32 s23, s26;
	s14 =	spop (v2sf);
	(v2sf) =	vpush v12, $0x2  }
0xa0: {  	s25 =	sadd.f32 s4, s3;
	s13 =	spop (v2sf);
	(v2sf) =	vpush v12, $0x3  }
0xa1: {  	s20 =	sadd.f32 s24, s18;
	s12 =	spop (v2sf);
	(v2sf) =	vpush v12, $0x4  }
0xa2: {  	s26 =	sadd.f32 s25, s1;
	s11 =	spop (v2sf);
	(v2sf) =	vpush v12, $0x5  }
0xa3: {  	s20 =	sadd.f32 s20, s28;
	s10 =	spop (v2sf);
	(v2sf) =	vpush v12, $0x6  }
0xa4: {  	s2 =	sadd.f32 s26, s2;
	s9 =	spop (v2sf);
	(v2sf) =	vpush v12, $0x7  }
0xa5: {  	s20 =	sadd.f32 s20, s30;
	s8 =	spop (v2sf);
	(v2sf) =	vpush v12, $0x8  }
0xa6: {  	s24 =	sadd.f32 s19, s16;
	s7 =	spop (v2sf);
	(v2sf) =	vpush v12, $0x9  }
0xa7: {  	v9 =	vmul.f32 v9, v3;
	s20 =	sadd.f32 s20, s29;
	s6 =	spop (v2sf);
	(v2sf) =	vpush v12, $0xA  }
0xa8: {  	s0 =	sadd.f32 s2, s0;
	s5 =	spop (v2sf);
	(v2sf) =	vpush v12, $0xB  }
0xa9: {  	v8 =	vadd.f32 v9, v8;
	v9 =	vmul.f32 v18, v5;
	s18 =	sadd.f32 s20, s31;
	s4 =	spop (v2sf);
	(v2sf) =	vpush v12, $0xC  }
0xaa: {  	[dreg:$0xf] =	wrdreg s0;
	s3 =	spop (v2sf);
	(v2sf) =	vpush v12, $0xD  }
0xab: {  	v8 =	vadd.f32 v9, v8;
	s18 =	sadd.f32 s18, s15;
	s1 =	spop (v2sf);
	(v2sf) =	vpush v12, $0xE  }
0xac: {  	s15 =	sadd.f32 s24, s17;
	s28 =	spop (v2sf);
	(v2sf) =	vpush v12, $0xF  }
0xad: {  	[dreg:$0x10] =	wrdreg s18;
	s29 =	spop (v2sf);
	(v2sf) =	vpush v8, $0x0  }
0xae: {  	s30 =	spop (v2sf);
	(v2sf) =	vpush v8, $0x1;
	s26 =	sadd.f32 s29, s28  }
0xaf: {  	s14 =	sadd.f32 s15, s14;
	s31 =	spop (v2sf);
	(v2sf) =	vpush v8, $0x2  }
0xb0: {  	s23 =	spop (v2sf);
	(v2sf) =	vpush v8, $0x3;
	s18 =	sadd.f32 s26, s30  }
0xb1: {  	s13 =	sadd.f32 s14, s13;
	s25 =	spop (v2sf);
	(v2sf) =	vpush v8, $0x4  }
0xb2: {  	s28 =	spop (v2sf);
	(v2sf) =	vpush v8, $0x5;
	s0 =	sadd.f32 s18, s31  }
0xb3: {  	s12 =	sadd.f32 s13, s12;
	s29 =	spop (v2sf);
	(v2sf) =	vpush v8, $0x6  }
0xb4: {  	s20 =	spop (v2sf);
	(v2sf) =	vpush v8, $0x7;
	s0 =	sadd.f32 s0, s23  }
0xb5: {  	s11 =	sadd.f32 s12, s11;
	s21 =	spop (v2sf);
	(v2sf) =	vpush v8, $0x8  }
0xb6: {  	s30 =	spop (v2sf);
	(v2sf) =	vpush v8, $0x9;
	s0 =	sadd.f32 s0, s25  }
0xb7: {  	v9 =	vmul.f32 v14, v3;
	s10 =	sadd.f32 s11, s10;
	s31 =	spop (v2sf);
	(v2sf) =	vpush v8, $0xA  }
0xb8: {  	s22 =	spop (v2sf);
	(v2sf) =	vpush v8, $0xB;
	s0 =	sadd.f32 s0, s28  }
0xb9: {  	v6 =	vadd.f32 v9, v6;
	v9 =	vmul.f32 v15, v5;
	s9 =	sadd.f32 s10, s9;
	s23 =	spop (v2sf);
	(v2sf) =	vpush v8, $0xC  }
0xba: {  	s24 =	spop (v2sf);
	(v2sf) =	vpush v8, $0xD;
	s0 =	sadd.f32 s0, s29  }
0xbb: {  	v6 =	vadd.f32 v9, v6;
	s8 =	sadd.f32 s9, s8;
	s25 =	spop (v2sf);
	(v2sf) =	vpush v8, $0xE  }
0xbc: {  	s26 =	spop (v2sf);
	(v2sf) =	vpush v8, $0xF;
	s0 =	sadd.f32 s0, s20  }
0xbd: {  	s7 =	sadd.f32 s8, s7;
	s28 =	spop (v2sf);
	(v2sf) =	vpush v6, $0x0  }
0xbe: {  	s29 =	spop (v2sf);
	(v2sf) =	vpush v6, $0x1;
	s0 =	sadd.f32 s0, s21  }
0xbf: {  	s6 =	sadd.f32 s7, s6;
	s14 =	spop (v2sf);
	(v2sf) =	vpush v6, $0x2  }
0xc0: {  	s13 =	spop (v2sf);
	(v2sf) =	vpush v6, $0x3;
	s0 =	sadd.f32 s0, s30  }
0xc1: {  	s30 =	sadd.f32 s6, s5;
	s12 =	spop (v2sf);
	(v2sf) =	vpush v6, $0x4  }
0xc2: {  	s11 =	spop (v2sf);
	(v2sf) =	vpush v6, $0x5;
	s0 =	sadd.f32 s0, s31  }
0xc3: {  	s15 =	sadd.f32 s30, s4;
	s10 =	spop (v2sf);
	(v2sf) =	vpush v6, $0x6  }
0xc4: {  	s9 =	spop (v2sf);
	(v2sf) =	vpush v6, $0x7;
	s0 =	sadd.f32 s0, s22  }
0xc5: {  	s3 =	sadd.f32 s15, s3;
	s8 =	spop (v2sf);
	(v2sf) =	vpush v6, $0x8  }
0xc6: {  	s7 =	spop (v2sf);
	(v2sf) =	vpush v6, $0x9;
	s31 =	sadd.f32 s0, s23  }
0xc7: {  	v3 =	vmul.f32 v10, v3;
	s1 =	sadd.f32 s3, s1;
	s6 =	spop (v2sf);
	(v2sf) =	vpush v6, $0xA  }
0xc8: {  	s5 =	spop (v2sf);
	(v2sf) =	vpush v6, $0xB;
	s18 =	sadd.f32 s31, s24  }
0xc9: {  	v3 =	vadd.f32 v3, v4;
	v4 =	vmul.f32 v11, v5;
	[dreg:$0x11] =	wrdreg s1;
	s4 =	spop (v2sf);
	(v2sf) =	vpush v6, $0xC  }
0xca: {  	s24 =	sadd.f32 s28, s26;
	s2 =	spop (v2sf);
	(v2sf) =	vpush v6, $0xD  }
0xcb: {  	v3 =	vadd.f32 v4, v3;
	s22 =	sadd.f32 s18, s25;
	s0 =	spop (v2sf);
	(v2sf) =	vpush v6, $0xE  }
0xcc: {  	s15 =	sadd.f32 s24, s29;
	s20 =	spop (v2sf);
	(v2sf) =	vpush v6, $0xF  }
0xcd: {  	[dreg:$0x12] =	wrdreg s22;
	s21 =	spop (v2sf);
	(v2sf) =	vpush v3, $0x0  }
0xce: {  	s14 =	sadd.f32 s15, s14;
	s23 =	spop (v2sf);
	(v2sf) =	vpush v3, $0x1  }
0xcf: {  	s1 =	sadd.f32 s21, s20;
	s25 =	spop (v2sf);
	(v2sf) =	vpush v3, $0x2  }
0xd0: {  	s13 =	sadd.f32 s14, s13;
	s26 =	spop (v2sf);
	(v2sf) =	vpush v3, $0x3  }
0xd1: {  	s1 =	sadd.f32 s1, s23;
	s28 =	spop (v2sf);
	(v2sf) =	vpush v3, $0x4  }
0xd2: {  	s12 =	sadd.f32 s13, s12;
	s29 =	spop (v2sf);
	(v2sf) =	vpush v3, $0x5  }
0xd3: {  	s1 =	sadd.f32 s1, s25;
	s30 =	spop (v2sf);
	(v2sf) =	vpush v3, $0x6  }
0xd4: {  	s11 =	sadd.f32 s12, s11;
	s31 =	spop (v2sf);
	(v2sf) =	vpush v3, $0x7  }
0xd5: {  	s1 =	sadd.f32 s1, s26;
	s19 =	spop (v2sf);
	(v2sf) =	vpush v3, $0x8  }
0xd6: {  	s10 =	sadd.f32 s11, s10;
	s20 =	spop (v2sf);
	(v2sf) =	vpush v3, $0x9  }
0xd7: {  	s1 =	sadd.f32 s1, s28;
	s21 =	spop (v2sf);
	(v2sf) =	vpush v3, $0xA  }
0xd8: {  	s9 =	sadd.f32 s10, s9;
	s22 =	spop (v2sf);
	(v2sf) =	vpush v3, $0xB  }
0xd9: {  	v1 =	vadd.f32 v2, v1;
	v2 =	vmul.f32 v7, v5;
	s1 =	sadd.f32 s1, s29;
	s12 =	spop (v2sf);
	(v2sf) =	vpush v3, $0xC  }
0xda: {  	s8 =	sadd.f32 s9, s8;
	s23 =	spop (v2sf);
	(v2sf) =	vpush v3, $0xD  }
0xdb: {  	v1 =	vadd.f32 v2, v1;
	s1 =	sadd.f32 s1, s30;
	s24 =	spop (v2sf);
	(v2sf) =	vpush v3, $0xE  }
0xdc: {  	s7 =	sadd.f32 s8, s7;
	s25 =	spop (v2sf);
	(v2sf) =	vpush v3, $0xF  }
0xdd: {  	s1 =	sadd.f32 s1, s31;
	s26 =	spop (v2sf);
	(v2sf) =	vpush v1, $0x0  }
0xde: {  	s6 =	sadd.f32 s7, s6;
	s28 =	spop (v2sf);
	(v2sf) =	vpush v1, $0x1  }
0xdf: {  	s1 =	sadd.f32 s1, s19;
	s29 =	spop (v2sf)  }
0xe0: {  	s5 =	sadd.f32 s6, s5;
	(v2sf) =	vpush v1, $0x2;
	s30 =	spop (v2sf)  }
0xe1: {  	s1 =	sadd.f32 s1, s20;
	s31 =	spop (v2sf)  }
0xe2: {  	s25 =	sadd.f32 s26, s25;
	(v2sf) =	vpush v1, $0x3;
	s16 =	spop (v2sf)  }
0xe3: {  	s1 =	sadd.f32 s1, s21;
	s7 =	spop (v2sf)  }
0xe4: {  	s4 =	sadd.f32 s5, s4;
	s19 =	spop (v2sf);
	(v2sf) =	vpush v1, $0x4  }
0xe5: {  	s1 =	sadd.f32 s1, s22;
	s20 =	spop (v2sf)  }
0xe6: {  	s2 =	sadd.f32 s4, s2;
	(v2sf) =	vpush v1, $0x5;
	s21 =	spop (v2sf)  }
0xe7: {  	s12 =	sadd.f32 s1, s12;
	s22 =	spop (v2sf)  }
0xe8: {  	s0 =	sadd.f32 s2, s0;
	(v2sf) =	vpush v1, $0x6;
	s5 =	spop (v2sf)  }
0xe9: {  	s3 =	sadd.f32 s12, s23;
	s1 =	spop (v2sf)  }
0xea: {  	[dreg:$0x13] =	wrdreg s0;
	(v2sf) =	vpush v1, $0x7;
	s4 =	spop (v2sf)  }
0xeb: {  	s23 =	sadd.f32 s3, s24;
	s0 =	spop (v2sf)  }
0xec: {  	(v2sf) =	vpush v1, $0x8;
	s3 =	sadd.f32 s25, s28;
	s24 =	spop (v2sf)  }
0xed: {  	(v2sf) =	vpush v1, $0x9;
	[dreg:$0x14] =	wrdreg s23;
	s26 =	spop (v2sf)  }
0xee: {  	(v2sf) =	vpush v1, $0xA;
	s2 =	sadd.f32 s26, s24  }
0xef: {  	(v2sf) =	vpush v1, $0xB;
	s3 =	sadd.f32 s3, s29;
	s28 =	spop (v2sf)  }
0xf0: {  	(v2sf) =	vpush v1, $0xC;
	s2 =	sadd.f32 s2, s28  }
0xf1: {  	(v2sf) =	vpush v1, $0xD;
	s3 =	sadd.f32 s3, s30;
	s29 =	spop (v2sf)  }
0xf2: {  	(v2sf) =	vpush v1, $0xE;
	s2 =	sadd.f32 s2, s29  }
0xf3: {  	(v2sf) =	vpush v1, $0xF;
	s3 =	sadd.f32 s3, s31;
	s30 =	spop (v2sf)  }
0xf4: {  	s2 =	sadd.f32 s2, s30  }
0xf5: {  	s3 =	sadd.f32 s3, s16;
	s31 =	spop (v2sf)  }
0xf6: {  	s2 =	sadd.f32 s2, s31  }
0xf7: {  	s3 =	sadd.f32 s3, s7;
	s9 =	spop (v2sf)  }
0xf8: {  	s2 =	sadd.f32 s2, s9  }
0xf9: {  	s10 =	spop (v2sf);
	s3 =	sadd.f32 s3, s19  }
0xfa: {  	s2 =	sadd.f32 s2, s10  }
0xfb: {  	s11 =	spop (v2sf);
	s3 =	sadd.f32 s3, s20  }
0xfc: {  	s12 =	spop (v2sf);
	s2 =	sadd.f32 s2, s11  }
0xfd: {  	s14 =	spop (v2sf);
	s3 =	sadd.f32 s3, s21  }
0xfe: {  	s15 =	spop (v2sf);
	s2 =	sadd.f32 s2, s12  }
0xff: {  	s16 =	spop (v2sf);
	s22 =	sadd.f32 s3, s22  }
0x100: {  	s23 =	simm.s32 $0x2;
	s18 =	spop (v2sf);
	s9 =	sadd.f32 s2, s14  }
0x101: {  	s3 =	simm.s32 $0x10000;
	s20 =	spop (v2sf);
	s5 =	sadd.f32 s22, s5  }
0x102: {  	s21 =	spop (v2sf);
	s2 =	simm.s32 $0x0;
	s9 =	sadd.f32 s9, s15  }
0x103: {  	_ =	swait.ge [sflag:s23], $0x8000;
	s5 =	sadd.f32 s5, s1;
	s24 =	sand.u32 $0x7, s2  }
0x104: {  	[sflag:s23] =	ssyncset.done $0x0;
	s25 =	sshll.u32 s24, $0x4;
	s8 =	sadd.f32 s9, s16  }
0x105: {  	s26 =	sand.u32 $0x70, s2;
	[sflag:s23] =	ssyncadd.s32 $0xFFFF8000;
	s10 =	sadd.s32 $0x0, s25  }
0x106: {  	s28 =	sand.u32 $0x7C00, s2;
	v3 =	vld [tilespmem:s3+$0x0];
	s10 =	sor.u32 $0x380, s10;
	s6 =	sadd.f32 s8, s18  }
0x107: {  	s1 =	sor.u32 s26, s28;
	s4 =	sadd.f32 s5, s4;
	v2 =	vld [tilespmem:s10+$0x8000]  }
0x108: {  	v16 =	vld [tilespmem:s1+$0x8000];
	s29 =	sadd.f32 s6, s20  }
0x109: {  	v14 =	vld [tilespmem:s1+$0x8080];
	s0 =	sadd.f32 s4, s0  }
0x10a: {  	v13 =	vimm.f32 $0.0e+00;
	v7 =	vimm.f32 $0.0e+00;
	v15 =	vimm.f32 $0.0e+00;
	s31 =	simm.s32 $0x10;
	v12 =	vld [tilespmem:s1+$0x8100];
	s30 =	sadd.f32 s29, s21  }
0x10b: {  	v9 =	vimm.f32 $0.0e+00;
	v11 =	vimm.f32 $0.0e+00;
	v5 =	vimm.f32 $0.0e+00;
	s5 =	simm.s32 $0x20;
	v10 =	vld [tilespmem:s1+$0x8180];
	s4 =	simm.s32 $0x1;
	[dreg:$0x15] =	wrdreg s0  }
0x10c: {  	v6 =	vimm.f32 $0.0e+00;
	v1 =	vimm.f32 $0.0e+00;
	v8 =	vld [tilespmem:s1+$0x8200];
	s0 =	sand.u32 $0x7, s4;
	s6 =	sand.u32 $0x70, s31;
	v2 =	vmul.f32 v2, v3;
	[dreg:$0x16] =	wrdreg s30  }
.LBB2_7:
0x10d: {  	p1 =	sne.s32 s5, $0xFF0;
	s0 =	sshll.u32 s0, $0x4;
	v4 =	vmul.f32 v16, v3;
	v17 =	vld [tilespmem:s1+$0x8280];
	s2 =	sadd.s32 $0x80, s2  }
0x10e: {  	s3 =	sadd.s32 $0x10, s3;
	s0 =	sadd.s32 s0, s2;
	s7 =	sand.u32 $0x7C00, s2;
	v14 =	vmul.f32 v14, v3;
	v18 =	vld [tilespmem:s1+$0x8300];
	v1 =	vadd.f32 v2, v1  }
0x10f: {  	v2 =	vld [tilespmem:s3+$0x0];
	s1 =	sor.u32 s6, s7;
	s0 =	sor.u32 $0x380, s0;
	v15 =	vadd.f32 v4, v15;
	v4 =	vmul.f32 v12, v3  }
0x110: {  	v19 =	vld [tilespmem:s0+$0x8000];
	v13 =	vadd.f32 v14, v13;
	v10 =	vmul.f32 v10, v3  }
.Ltmp2:
0x111: {  	v16 =	vld [tilespmem:s1+$0x8000];
	v11 =	vadd.f32 v4, v11;
	v4 =	vmul.f32 v8, v3;
	(pc) =	sbr.rel @p1 .LBB2_7-.Ltmp2, $4  }
0x112: {  	v14 =	vld [tilespmem:s1+$0x8080];
	v9 =	vadd.f32 v10, v9;
	v8 =	vmul.f32 v17, v3  }
0x113: {  	v12 =	vld [tilespmem:s1+$0x8100];
	v7 =	vadd.f32 v4, v7;
	v4 =	vmul.f32 v18, v3  }
0x114: {  	s4 =	sadd.s32 $0x1, s4;
	v10 =	vld [tilespmem:s1+$0x8180];
	v6 =	vadd.f32 v8, v6;
	v3 =	vmov v2  }
0x115: {  	s6 =	sand.u32 $0x70, s5;
	s5 =	sadd.s32 $0x10, s5;
	s0 =	sand.u32 $0x7, s4;
	v8 =	vld [tilespmem:s1+$0x8200];
	v2 =	vmul.f32 v19, v3;
	v5 =	vadd.f32 v4, v5  }
0x116: {  	s2 =	sadd.s32 $0x80, s2  }
0x117: {  	s3 =	sadd.s32 $0x10, s3;
	[dreg:$0x17] =	wrdreg s2;
	s2 =	sand.u32 $0x7C00, s2  }
0x118: {  	v4 =	vld [tilespmem:s3+$0x0];
	s19 =	sor.u32 s6, s2  }
0x119: {  	v17 =	vld [tilespmem:s19+$0x8000];
	_ =	sdelay $0x2  }
0x11a: {  	v16 =	vmul.f32 v16, v3;
	_ =	sdelay $0x1  }
0x11b: {  	v15 =	vadd.f32 v16, v15;
	v48 =	vmul.f32 v17, v4;
	_ =	sdelay $0x1  }
0x11c: {  	v15 =	vadd.f32 v48, v15;
	_ =	sdelay $0x1  }
0x11d: {  	(v2sf) =	vpush v15, $0x0  }
0x11e: {  	(v2sf) =	vpush v15, $0x1  }
0x11f: {  	(v2sf) =	vpush v15, $0x2  }
0x120: {  	(v2sf) =	vpush v15, $0x3  }
0x121: {  	(v2sf) =	vpush v15, $0x4  }
0x122: {  	(v2sf) =	vpush v15, $0x5  }
0x123: {  	(v2sf) =	vpush v15, $0x6  }
0x124: {  	v49 =	vld [tilespmem:s19+$0x8080];
	(v2sf) =	vpush v15, $0x7  }
0x125: {  	(v2sf) =	vpush v15, $0x8  }
0x126: {  	(v2sf) =	vpush v15, $0x9  }
0x127: {  	v14 =	vmul.f32 v14, v3;
	(v2sf) =	vpush v15, $0xA  }
0x128: {  	(v2sf) =	vpush v15, $0xB  }
0x129: {  	v13 =	vadd.f32 v14, v13;
	v50 =	vmul.f32 v49, v4;
	(v2sf) =	vpush v15, $0xC  }
0x12a: {  	(v2sf) =	vpush v15, $0xD  }
0x12b: {  	v13 =	vadd.f32 v50, v13;
	(v2sf) =	vpush v15, $0xE  }
0x12c: {  	s9 =	spop (v2sf);
	(v2sf) =	vpush v15, $0xF  }
0x12d: {  	s14 =	spop (v2sf);
	(v2sf) =	vpush v13, $0x0  }
0x12e: {  	s22 =	spop (v2sf);
	(v2sf) =	vpush v13, $0x1  }
0x12f: {  	s24 =	spop (v2sf);
	(v2sf) =	vpush v13, $0x2  }
0x130: {  	s2 =	spop (v2sf);
	(v2sf) =	vpush v13, $0x3  }
0x131: {  	s7 =	spop (v2sf);
	(v2sf) =	vpush v13, $0x4  }
0x132: {  	s5 =	spop (v2sf);
	(v2sf) =	vpush v13, $0x5  }
0x133: {  	s9 =	sadd.f32 s14, s9;
	s6 =	spop (v2sf);
	(v2sf) =	vpush v13, $0x6  }
0x134: {  	s8 =	spop (v2sf);
	(v2sf) =	vpush v13, $0x7  }
0x135: {  	s9 =	sadd.f32 s9, s22;
	s23 =	spop (v2sf);
	(v2sf) =	vpush v13, $0x8  }
0x136: {  	s11 =	spop (v2sf)  }
0x137: {  	v51 =	vld [tilespmem:s19+$0x8100];
	s9 =	sadd.f32 s9, s24;
	(v2sf) =	vpush v13, $0x9;
	s20 =	spop (v2sf)  }
0x138: {  	(v2sf) =	vpush v13, $0xA;
	s16 =	spop (v2sf)  }
0x139: {  	s2 =	sadd.f32 s9, s2;
	s21 =	spop (v2sf)  }
0x13a: {  	v12 =	vmul.f32 v12, v3;
	(v2sf) =	vpush v13, $0xB;
	s28 =	spop (v2sf)  }
0x13b: {  	s2 =	sadd.f32 s2, s7;
	(v2sf) =	vpush v13, $0xC;
	s25 =	spop (v2sf)  }
0x13c: {  	v11 =	vadd.f32 v12, v11;
	v52 =	vmul.f32 v51, v4;
	s10 =	spop (v2sf)  }
0x13d: {  	s5 =	sadd.f32 s2, s5;
	(v2sf) =	vpush v13, $0xD;
	s15 =	spop (v2sf)  }
0x13e: {  	v11 =	vadd.f32 v52, v11;
	(v2sf) =	vpush v13, $0xE;
	s12 =	spop (v2sf);
	s10 =	sadd.f32 s15, s10  }
0x13f: {  	s6 =	sadd.f32 s5, s6;
	(v2sf) =	vpush v13, $0xF;
	s13 =	spop (v2sf)  }
0x140: {  	(v2sf) =	vpush v11, $0x0;
	s17 =	spop (v2sf);
	s10 =	sadd.f32 s10, s12  }
0x141: {  	s8 =	sadd.f32 s6, s8;
	(v2sf) =	vpush v11, $0x1;
	s26 =	spop (v2sf)  }
0x142: {  	s18 =	spop (v2sf);
	s13 =	sadd.f32 s10, s13  }
0x143: {  	(v2sf) =	vpush v11, $0x2;
	[smem:$0x7EC] =	sst s18;
	s29 =	spop (v2sf)  }
0x144: {  	[smem:$0x7ED] =	sst s29;
	s30 =	spop (v2sf)  }
0x145: {  	(v2sf) =	vpush v11, $0x3;
	[smem:$0x7EE] =	sst s30  }
0x146: {  	(v2sf) =	vpush v11, $0x4;
	s31 =	spop (v2sf);
	s30 =	sadd.f32 s8, s23  }
0x147: {  	(v2sf) =	vpush v11, $0x5;
	[smem:$0x7EF] =	sst s31;
	s4 =	spop (v2sf)  }
0x148: {  	(v2sf) =	vpush v11, $0x6;
	[smem:$0x7F0] =	sst s4  }
0x149: {  	v53 =	vld [tilespmem:s19+$0x8180];
	(v2sf) =	vpush v11, $0x7;
	s14 =	spop (v2sf);
	s23 =	sadd.f32 s30, s11  }
0x14a: {  	(v2sf) =	vpush v11, $0x8;
	[smem:$0x7F1] =	sst s14;
	s18 =	spop (v2sf)  }
0x14b: {  	(v2sf) =	vpush v11, $0x9;
	[smem:$0x7F2] =	sst s18  }
0x14c: {  	v10 =	vmul.f32 v10, v3;
	(v2sf) =	vpush v11, $0xA;
	s22 =	spop (v2sf);
	s31 =	sadd.f32 s23, s20  }
0x14d: {  	(v2sf) =	vpush v11, $0xB;
	[dreg:$0x1f] =	wrdreg s22;
	s24 =	spop (v2sf)  }
0x14e: {  	v9 =	vadd.f32 v10, v9;
	v54 =	vmul.f32 v53, v4;
	(v2sf) =	vpush v11, $0xC;
	[dreg:$0x1c] =	wrdreg s24;
	s29 =	spop (v2sf)  }
0x14f: {  	(v2sf) =	vpush v11, $0xD;
	s24 =	sadd.f32 s31, s16;
	s18 =	spop (v2sf)  }
0x150: {  	v9 =	vadd.f32 v54, v9;
	(v2sf) =	vpush v11, $0xE;
	[dreg:$0x1b] =	wrdreg s29;
	s3 =	spop (v2sf)  }
0x151: {  	(v2sf) =	vpush v11, $0xF;
	s3 =	sadd.f32 s3, s18  }
0x152: {  	(v2sf) =	vpush v9, $0x0;
	s29 =	sadd.f32 s24, s21;
	s2 =	spop (v2sf)  }
0x153: {  	(v2sf) =	vpush v9, $0x1;
	s2 =	sadd.f32 s3, s2  }
0x154: {  	s4 =	spop (v2sf);
	s28 =	sadd.f32 s29, s28  }
0x155: {  	s14 =	spop (v2sf);
	s2 =	sadd.f32 s2, s4  }
0x156: {  	(v2sf) =	vpush v9, $0x2;
	s3 =	sadd.f32 s13, s17;
	s5 =	spop (v2sf)  }
0x157: {  	(v2sf) =	vpush v9, $0x3;
	s6 =	spop (v2sf);
	s2 =	sadd.f32 s2, s14  }
0x158: {  	(v2sf) =	vpush v9, $0x4;
	s25 =	sadd.f32 s28, s25;
	s7 =	spop (v2sf)  }
0x159: {  	(v2sf) =	vpush v9, $0x5;
	s8 =	spop (v2sf);
	s2 =	sadd.f32 s2, s5  }
0x15a: {  	s3 =	sadd.f32 s3, s26;
	(v2sf) =	vpush v9, $0x6;
	s9 =	spop (v2sf)  }
0x15b: {  	(v2sf) =	vpush v9, $0x7;
	s11 =	spop (v2sf);
	s2 =	sadd.f32 s2, s6  }
0x15c: {  	s5 =	sld [smem:$0x7EC];
	s22 =	spop (v2sf)  }
0x15d: {  	(v2sf) =	vpush v9, $0x8;
	s20 =	spop (v2sf);
	s2 =	sadd.f32 s2, s7  }
0x15e: {  	[dreg:$0x18] =	wrdreg s25;
	(v2sf) =	vpush v9, $0x9;
	s23 =	spop (v2sf)  }
0x15f: {  	(v2sf) =	vpush v9, $0xA;
	s16 =	spop (v2sf);
	s14 =	sadd.f32 s2, s8  }
0x160: {  	s3 =	sadd.f32 s3, s5;
	s31 =	spop (v2sf)  }
0x161: {  	(v2sf) =	vpush v9, $0xB;
	s24 =	spop (v2sf);
	s6 =	sadd.f32 s14, s9  }
0x162: {  	v55 =	vld [tilespmem:s19+$0x8200];
	s21 =	spop (v2sf);
	s9 =	sld [smem:$0x7F1]  }
0x163: {  	(v2sf) =	vpush v9, $0xC;
	s24 =	sadd.f32 s21, s24  }
0x164: {  	s6 =	sadd.f32 s6, s11  }
0x165: {  	v8 =	vmul.f32 v8, v3;
	(v2sf) =	vpush v9, $0xD;
	s30 =	spop (v2sf);
	s11 =	sld [smem:$0x7F2]  }
0x166: {  	s29 =	spop (v2sf);
	s30 =	sadd.f32 s24, s30  }
0x167: {  	v7 =	vadd.f32 v8, v7;
	v56 =	vmul.f32 v55, v4;
	s28 =	spop (v2sf);
	s24 =	rddreg [dreg:$0x17]  }
0x168: {  	(v2sf) =	vpush v9, $0xE;
	s15 =	spop (v2sf);
	s6 =	sadd.f32 s6, s22  }
0x169: {  	v7 =	vadd.f32 v56, v7;
	s18 =	spop (v2sf);
	s22 =	rddreg [dreg:$0x1f]  }
0x16a: {  	(v2sf) =	vpush v9, $0xF;
	s30 =	sadd.f32 s30, s29;
	s25 =	spop (v2sf)  }
0x16b: {  	(v2sf) =	vpush v7, $0x0;
	[smem:$0x7F3] =	sst s25  }
0x16c: {  	(v2sf) =	vpush v7, $0x1;
	s12 =	spop (v2sf);
	s20 =	sadd.f32 s6, s20  }
0x16d: {  	[smem:$0x7F4] =	sst s12;
	s25 =	spop (v2sf)  }
0x16e: {  	[smem:$0x7F5] =	sst s25;
	s12 =	spop (v2sf)  }
0x16f: {  	[smem:$0x7F6] =	sst s12  }
0x170: {  	(v2sf) =	vpush v7, $0x2;
	s13 =	spop (v2sf);
	s12 =	sld [smem:$0x7ED]  }
0x171: {  	[smem:$0x7F7] =	sst s13  }
0x172: {  	s17 =	spop (v2sf);
	s13 =	sld [smem:$0x7EE]  }
0x173: {  	(v2sf) =	vpush v7, $0x3;
	[smem:$0x7F8] =	sst s17  }
0x174: {  	s25 =	spop (v2sf);
	s17 =	sld [smem:$0x7EF]  }
0x175: {  	[smem:$0x7F9] =	sst s25  }
0x176: {  	(v2sf) =	vpush v7, $0x4;
	s3 =	sadd.f32 s3, s12  }
0x177: {  	s26 =	spop (v2sf);
	s25 =	sld [smem:$0x7F0]  }
0x178: {  	[dreg:$0x1e] =	wrdreg s26  }
0x179: {  	s10 =	spop (v2sf);
	s3 =	sadd.f32 s3, s13  }
0x17a: {  	(v2sf) =	vpush v7, $0x5;
	[dreg:$0x1d] =	wrdreg s10;
	s10 =	spop (v2sf)  }
0x17b: {  	v57 =	vld [tilespmem:s1+$0x8280];
	s4 =	spop (v2sf);
	s7 =	sadd.f32 s3, s17  }
0x17c: {  	(v2sf) =	vpush v7, $0x6;
	s4 =	sadd.f32 s4, s10  }
0x17d: {  	v58 =	vld [tilespmem:s19+$0x8280];
	(v2sf) =	vpush v7, $0x7;
	s10 =	sadd.f32 s30, s28  }
0x17e: {  	(v2sf) =	vpush v7, $0x8;
	s7 =	sadd.f32 s7, s25  }
0x17f: {  	(v2sf) =	vpush v7, $0x9;
	s5 =	spop (v2sf);
	s25 =	rddreg [dreg:$0x1c]  }
0x180: {  	v8 =	vmul.f32 v57, v3;
	(v2sf) =	vpush v7, $0xA;
	s4 =	sadd.f32 s4, s5  }
0x181: {  	(v2sf) =	vpush v7, $0xB;
	s5 =	sld [smem:$0x7F3]  }
0x182: {  	v6 =	vadd.f32 v8, v6;
	v59 =	vmul.f32 v58, v4;
	(v2sf) =	vpush v7, $0xC;
	s26 =	spop (v2sf);
	s7 =	sadd.f32 s7, s9  }
0x183: {  	s0 =	sshll.u32 s0, $0x4;
	(v2sf) =	vpush v7, $0xD;
	s4 =	sadd.f32 s4, s26  }
0x184: {  	v6 =	vadd.f32 v59, v6;
	s0 =	sadd.s32 s0, s24;
	(v2sf) =	vpush v7, $0xE;
	s14 =	sadd.f32 s7, s11  }
0x185: {  	s0 =	sor.u32 $0x380, s0;
	(v2sf) =	vpush v7, $0xF;
	s2 =	spop (v2sf);
	s11 =	sadd.f32 s20, s23  }
0x186: {  	v63 =	vld [tilespmem:s0+$0x8000];
	(v2sf) =	vpush v6, $0x0;
	s0 =	sadd.f32 s4, s2  }
0x187: {  	(v2sf) =	vpush v6, $0x1;
	s9 =	sadd.f32 s14, s22  }
0x188: {  	(v2sf) =	vpush v6, $0x2;
	s11 =	sadd.f32 s11, s16  }
0x189: {  	(v2sf) =	vpush v6, $0x3;
	s3 =	spop (v2sf);
	s22 =	rddreg [dreg:$0x1b]  }
0x18a: {  	(v2sf) =	vpush v6, $0x4;
	s0 =	sadd.f32 s0, s3  }
0x18b: {  	v60 =	vld [tilespmem:s1+$0x8300];
	(v2sf) =	vpush v6, $0x5;
	s1 =	spop (v2sf);
	s9 =	sadd.f32 s9, s25  }
0x18c: {  	(v2sf) =	vpush v6, $0x6;
	s17 =	spop (v2sf);
	s11 =	sadd.f32 s11, s31  }
0x18d: {  	(v2sf) =	vpush v6, $0x7;
	s13 =	spop (v2sf);
	s0 =	sadd.f32 s0, s1  }
0x18e: {  	(v2sf) =	vpush v6, $0x8;
	s12 =	spop (v2sf);
	s9 =	sadd.f32 s9, s22  }
0x18f: {  	v61 =	vld [tilespmem:s19+$0x8300];
	(v2sf) =	vpush v6, $0x9;
	s19 =	spop (v2sf);
	[dreg:$0x1a] =	wrdreg s11  }
0x190: {  	(v2sf) =	vpush v6, $0xA;
	s7 =	spop (v2sf);
	s11 =	sadd.f32 s10, s15  }
0x191: {  	(v2sf) =	vpush v6, $0xB;
	s8 =	spop (v2sf);
	s0 =	sadd.f32 s0, s17  }
0x192: {  	s6 =	spop (v2sf);
	[dreg:$0x19] =	wrdreg s9  }
0x193: {  	s14 =	spop (v2sf);
	s2 =	sadd.f32 s11, s18  }
0x194: {  	(v2sf) =	vpush v6, $0xC;
	s25 =	spop (v2sf);
	s11 =	sld [smem:$0x7F4]  }
0x195: {  	s23 =	spop (v2sf);
	s13 =	sadd.f32 s0, s13  }
0x196: {  	(v2sf) =	vpush v6, $0xD;
	s9 =	spop (v2sf);
	s1 =	sadd.f32 s2, s5  }
0x197: {  	(v2sf) =	vpush v6, $0xE;
	s16 =	spop (v2sf);
	s18 =	sadd.f32 s13, s12  }
0x198: {  	v3 =	vmul.f32 v60, v3;
	s9 =	sadd.f32 s9, s23;
	s31 =	spop (v2sf)  }
0x199: {  	s12 =	sld [smem:$0x7F7];
	s20 =	spop (v2sf)  }
0x19a: {  	v3 =	vadd.f32 v3, v5;
	v62 =	vmul.f32 v61, v4;
	(v2sf) =	vpush v6, $0xF;
	s9 =	sadd.f32 s9, s16;
	s21 =	spop (v2sf)  }
0x19b: {  	s13 =	sld [smem:$0x7F8];
	s22 =	spop (v2sf)  }
0x19c: {  	v3 =	vadd.f32 v62, v3;
	s9 =	sadd.f32 s9, s31;
	s24 =	spop (v2sf)  }
0x19d: {  	s1 =	sadd.f32 s1, s11;
	s26 =	spop (v2sf)  }
0x19e: {  	(v2sf) =	vpush v3, $0x0;
	s9 =	sadd.f32 s9, s20;
	s30 =	spop (v2sf)  }
0x19f: {  	(v2sf) =	vpush v3, $0x1;
	s11 =	sld [smem:$0x7F6];
	s29 =	spop (v2sf)  }
0x1a0: {  	s9 =	sadd.f32 s9, s21;
	s15 =	spop (v2sf)  }
0x1a1: {  	[smem:$0x7FA] =	sst s15  }
0x1a2: {  	s15 =	sld [smem:$0x7F5]  }
0x1a3: {  	s28 =	spop (v2sf);
	s9 =	sadd.f32 s9, s22  }
0x1a4: {  	(v2sf) =	vpush v3, $0x2;
	[smem:$0x7FB] =	sst s28  }
0x1a5: {  	s28 =	spop (v2sf);
	s9 =	sadd.f32 s9, s24  }
0x1a6: {  	s4 =	spop (v2sf);
	s20 =	sld [smem:$0x7FB]  }
0x1a7: {  	(v2sf) =	vpush v3, $0x3;
	[smem:$0x7FC] =	sst s4  }
0x1a8: {  	(v2sf) =	vpush v3, $0x4;
	s3 =	sadd.f32 s1, s15  }
0x1a9: {  	(v2sf) =	vpush v3, $0x5;
	s10 =	spop (v2sf);
	s4 =	sadd.f32 s18, s19  }
0x1aa: {  	(v2sf) =	vpush v3, $0x6;
	[smem:$0x7FD] =	sst s10  }
0x1ab: {  	(v2sf) =	vpush v3, $0x7;
	s9 =	sadd.f32 s9, s26  }
0x1ac: {  	(v2sf) =	vpush v3, $0x8;
	s10 =	sadd.f32 s3, s11  }
0x1ad: {  	(v2sf) =	vpush v3, $0x9;
	s17 =	spop (v2sf);
	s4 =	sadd.f32 s4, s7  }
0x1ae: {  	(v2sf) =	vpush v3, $0xA;
	s5 =	spop (v2sf);
	s11 =	sld [smem:$0x7F9]  }
0x1af: {  	(v2sf) =	vpush v3, $0xB;
	s5 =	sadd.f32 s5, s17  }
0x1b0: {  	v1 =	vadd.f32 v2, v1;
	v2 =	vmul.f32 v63, v4;
	(v2sf) =	vpush v3, $0xC;
	s17 =	sld [smem:$0x7FA]  }
0x1b1: {  	(v2sf) =	vpush v3, $0xD;
	s10 =	sadd.f32 s10, s12  }
0x1b2: {  	v1 =	vadd.f32 v2, v1;
	(v2sf) =	vpush v3, $0xE;
	s4 =	sadd.f32 s4, s8  }
0x1b3: {  	(v2sf) =	vpush v3, $0xF;
	s0 =	spop (v2sf);
	s8 =	rddreg [dreg:$0x1e]  }
0x1b4: {  	(v2sf) =	vpush v1, $0x0;
	s0 =	sadd.f32 s5, s0  }
0x1b5: {  	(v2sf) =	vpush v1, $0x1;
	s7 =	sadd.f32 s10, s13  }
0x1b6: {  	s1 =	spop (v2sf);
	s4 =	sadd.f32 s4, s6  }
0x1b7: {  	(v2sf) =	vpush v1, $0x2;
	s2 =	spop (v2sf);
	s0 =	sadd.f32 s0, s1  }
0x1b8: {  	s3 =	spop (v2sf);
	s7 =	sadd.f32 s7, s11  }
0x1b9: {  	(v2sf) =	vpush v1, $0x3;
	s19 =	spop (v2sf);
	s14 =	sadd.f32 s4, s14  }
0x1ba: {  	s15 =	spop (v2sf);
	s4 =	rddreg [dreg:$0x1d]  }
0x1bb: {  	(v2sf) =	vpush v1, $0x4;
	s18 =	spop (v2sf);
	s0 =	sadd.f32 s0, s2  }
0x1bc: {  	s2 =	rddreg [dreg:$0xa];
	s13 =	spop (v2sf)  }
0x1bd: {  	(v2sf) =	vpush v1, $0x5;
	s7 =	sadd.f32 s7, s8;
	s12 =	spop (v2sf)  }
0x1be: {  	s14 =	sadd.f32 s14, s25;
	s11 =	spop (v2sf)  }
0x1bf: {  	(v2sf) =	vpush v1, $0x6;
	s0 =	sadd.f32 s0, s3;
	s10 =	spop (v2sf)  }
0x1c0: {  	s4 =	sadd.f32 s7, s4;
	s8 =	spop (v2sf)  }
0x1c1: {  	(v2sf) =	vpush v1, $0x7;
	s0 =	sadd.f32 s0, s19;
	s6 =	spop (v2sf)  }
0x1c2: {  	s19 =	rddreg [dreg:$0x13];
	s7 =	spop (v2sf)  }
0x1c3: {  	s0 =	sadd.f32 s0, s15;
	(v2sf) =	vpush v1, $0x8;
	s25 =	spop (v2sf)  }
0x1c4: {  	s15 =	rddreg [dreg:$0x10];
	s23 =	spop (v2sf)  }
0x1c5: {  	(v2sf) =	vpush v1, $0x9;
	s23 =	sadd.f32 s23, s25  }
0x1c6: {  	s0 =	sadd.f32 s0, s18;
	s25 =	spop (v2sf)  }
0x1c7: {  	(v2sf) =	vpush v1, $0xA;
	s16 =	sadd.f32 s23, s25  }
0x1c8: {  	s18 =	rddreg [dreg:$0x12];
	s25 =	spop (v2sf)  }
0x1c9: {  	(v2sf) =	vpush v1, $0xB;
	s16 =	sadd.f32 s16, s25  }
0x1ca: {  	s0 =	sadd.f32 s0, s13;
	s31 =	spop (v2sf)  }
0x1cb: {  	(v2sf) =	vpush v1, $0xC;
	s16 =	sadd.f32 s16, s31  }
0x1cc: {  	s0 =	sadd.f32 s0, s12;
	s23 =	spop (v2sf)  }
0x1cd: {  	(v2sf) =	vpush v1, $0xD;
	s16 =	sadd.f32 s16, s23  }
0x1ce: {  	s0 =	sadd.f32 s0, s11;
	s25 =	spop (v2sf)  }
0x1cf: {  	(v2sf) =	vpush v1, $0xE;
	s16 =	sadd.f32 s16, s25  }
0x1d0: {  	s31 =	spop (v2sf);
	s0 =	sadd.f32 s0, s10  }
0x1d1: {  	(v2sf) =	vpush v1, $0xF;
	s16 =	sadd.f32 s16, s31  }
0x1d2: {  	s0 =	sadd.f32 s0, s8;
	s21 =	spop (v2sf)  }
0x1d3: {  	s16 =	sadd.f32 s16, s21  }
0x1d4: {  	s0 =	sadd.f32 s0, s6;
	s22 =	spop (v2sf)  }
0x1d5: {  	s16 =	sadd.f32 s16, s22  }
0x1d6: {  	s0 =	sadd.f32 s0, s7;
	s23 =	spop (v2sf)  }
0x1d7: {  	s5 =	sadd.f32 s16, s23  }
0x1d8: {  	s21 =	rddreg [dreg:$0x14];
	s24 =	spop (v2sf)  }
0x1d9: {  	s1 =	sadd.f32 s5, s24  }
0x1da: {  	s22 =	rddreg [dreg:$0x15];
	s25 =	spop (v2sf)  }
0x1db: {  	s1 =	sadd.f32 s1, s25  }
0x1dc: {  	s26 =	spop (v2sf);
	s16 =	rddreg [dreg:$0x11]  }
0x1dd: {  	s1 =	sadd.f32 s1, s26  }
0x1de: {  	s23 =	rddreg [dreg:$0x16];
	s31 =	spop (v2sf)  }
0x1df: {  	s1 =	sadd.f32 s1, s31  }
0x1e0: {  	s3 =	spop (v2sf);
	s5 =	sadd.f32 s9, s30  }
0x1e1: {  	s1 =	sadd.f32 s1, s3  }
0x1e2: {  	s9 =	rddreg [dreg:$0xf]  }
0x1e3: {  	s24 =	rddreg [dreg:$0x18];
	v1 =	vmov s1  }
0x1e4: {  	s13 =	sadd.f32 s5, s29;
	v1 =	vsel vm0, s9, v1  }
0x1e5: {  	s25 =	sld [smem:$0x7FC];
	v1 =	vsel vm1, s15, v1  }
0x1e6: {  	s29 =	sld [smem:$0x7FD];
	v1 =	vsel vm2, s16, v1  }
0x1e7: {  	s1 =	sadd.f32 s13, s17;
	v1 =	vsel vm3, s18, v1  }
0x1e8: {  	s26 =	rddreg [dreg:$0x19];
	v1 =	vsel vm4, s19, v1  }
0x1e9: {  	s1 =	sadd.f32 s1, s20;
	v1 =	vsel vm5, s21, v1  }
0x1ea: {  	s3 =	rddreg [dreg:$0xe];
	v1 =	vsel vm6, s22, v1  }
0x1eb: {  	s1 =	sadd.f32 s1, s28;
	v1 =	vsel vm7, s23, v1  }
0x1ec: {  	s28 =	rddreg [dreg:$0x1a];
	v1 =	vsel vm8, s24, v1  }
0x1ed: {  	s1 =	sadd.f32 s1, s25;
	v1 =	vsel vm9, s26, v1  }
0x1ee: {  	s2 =	sadd.s32 @!p0 s3, s2;
	s21 =	rddreg [dreg:$0x5];
	v1 =	vsel vm10, s28, v1  }
0x1ef: {  	s2 =	sshll.u32 @!p0 s2, $0xC;
	s1 =	sadd.f32 s1, s29;
	v1 =	vsel vm11, s4, v1  }
0x1f0: {  	s30 =	rddreg [dreg:$0xd];
	s2 =	sadd.s32 @!p0 s21, s2;
	v1 =	vsel vm12, s14, v1  }
0x1f1: {  	s18 =	sadd.s32 $0x1, s30;
	s22 =	rddreg [dreg:$0x4];
	v1 =	vsel vm13, s1, v1;
	s1 =	sshrl.u32 @!p0 s2, $0x3  }
0x1f2: {  	s2 =	simm.s32 @!p0 $0x8000;
	v1 =	vsel vm14, s0, v1;
	s0 =	sadd.s32 @!p0 s22, s1;
	s1 =	simm.s32 @!p0 $0x0  }
0x1f3: {  	[tilespmem:s2], [sflag:$0x2] =	stream.linear.gather @!p0 [hbm4b:s0+s1], $0x8000, $0x38;
	[tilespmem:$0x11100] =	vst v63  }
0x1f4: {  	p0 =	sne.s32 s18, $0x10  }
.Ltmp3:
0x1f5: {  	v1 =	vadd.f32 $0.0e+00, v1;
	(pc) =	sbr.rel @p0 .LBB2_4-.Ltmp3, $4  }
0x1f6: {  	_ = 	snop  }
0x1f7: {  	v1 =	vmul.f32 v1, v0  }
0x1f8: {  	s31 =	sand.u32 $0x3FFFFFF0, s3  }
0x1f9: {  	[tilespmem:s31+$0x11000] =	vst v1  }
0x1fa: {  	s0 =	rddreg [dreg:$0xb];
	s1 =	simm.s32 $0x80  }
0x1fb: {  	s2 =	simm.s32 $0x400;
	s3 =	simm.s32 $0x11000;
	s4 =	simm.s32 $0x3  }
0x1fc: {  	[hbm4b:s0+s1] =	stream.strided.scatter [tilespmem:s3], [sflag:$0x3], $0x100, s2, s1, $0x38;
	[tilespmem:$0x11100] =	vst v63  }
0x1fd: {  	_ =	swait.ge [sflag:s4], $0x100  }
0x1fe: {  	s9 =	rddreg [dreg:$0x3]  }
0x1ff: {  	s31 =	rddreg [dreg:$0xc];
	s9 =	sadd.s32 $0x1, s9  }
0x200: {  	p0 =	sne.s32 s9, s31  }
.Ltmp4:
0x201: {  	_ = 	snop;
	(pc) =	sbr.rel @p0 .LBB2_1-.Ltmp4, $3  }
0x202: {  	_ =	sdelay $0x1  }
0x203: {  	[sflag:s4] =	ssyncset.done $0x0  }
0x204: {  	[sflag:s4] =	ssyncadd.s32 $0xFFFFFF00  }
0x205: {  	_ =	sfence.sel $0x180000  }
0x206: {  	[bflag:$0x0] =	sbarrier.arrive $0xFFFF  }
0x207: {  	_ =	strace $0x90000047  }
0x208: {  	s0 =	stileid.u32;
	[bflag:$0x2] =	sbarrier.arrive $0xFFFF  }
0x209: {  	p0 =	sne.s32 s0, $0x0;
	s0 =	rddreg [dreg:$0x2]  }
0x20a: {  	s0 =	sadd.s32 @!p0 $0x100000, s0  }
0x20b: {  	[sflag:s0] =	ssyncadd.tile.s32 @!p0 $0x1;
	_ =	shalt  }
.Lfunc_end2:
_tile_overlayer_lowered:
.L_overlay_start_2:
0x20c: {  	(tag) =	ssettag $0x2  }
0x20d: {  	s0 =	rddreg [dreg:$0x0];
	s2 =	stileid.u32  }
0x20e: {  	s1 =	rddreg [dreg:$0x1];
	p0 =	sne.s32 s2, $0x0  }
0x20f: {  	s3 =	rddreg [dreg:$0x2];
	[bflag:$0x3] =	sbarrier.arrive $0xFFFF;
	s2 =	simm.s32 @!p0 $0x1C03  }
0x210: {  	[timem:s3], [sflag:s2] =	dma.local @!p0 [hbm:s0], s1  }
0x211: {  	s0 =	simm.s32 @!p0 $0x3  }
0x212: {  	_ =	swait.ge @!p0 [sflag:s0], s1  }
0x213: {  	s1 =	ssub.s32 @!p0 $0x0, s1;
	[sflag:s0] =	ssyncset.done @!p0 $0x0  }
0x214: {  	[sflag:s0] =	ssyncadd.s32 @!p0 s1  }
0x215: {  	[bflag:$0x3] =	sbarrier.arrive $0xFFFF  }
0x216: {  	_ =	shalt  }

</sc_bundles>
